<compile_context>
chip_gen: v7x
topology: tpu7x:2x2x1
jax: 0.10.2.dev20260603
libtpu: 0.0.44.dev20260713+nightly
codegen_flags: <defaults>
</compile_context>

<pallas_src>
import functools

import jax
import jax.numpy as jnp
from jax import lax
from jax.experimental import pallas as pl
from jax.experimental.pallas import tpu as pltpu
from jax.experimental.pallas import tpu_sc as plsc

_N = 10000
_E = 320000
_D = 128

_NC = 2
_NS = 16
_CHUNK = 80
_EDGES_PER_TILE = _E // (_NC * _NS)
_STEPS = _EDGES_PER_TILE // _CHUNK
_N_PAD = 10240
_ROWS_PER_TILE = _N_PAD // _NS
_BLK_CH = 40
_NFULL = _STEPS // _BLK_CH
_TAIL = _STEPS - _NFULL * _BLK_CH


def _sc_scatter_body(hp_hbm, src_hbm, dst_hbm, zeros_hbm, out_hbm,
                     sidx, didx, rows0, rows1, acc, sem0, sem1, isem):
    c = lax.axis_index("c")
    s = lax.axis_index("s")
    w = c * _NS + s
    row_base = s * _ROWS_PER_TILE
    ci = pltpu.async_copy(src_hbm.at[w, pl.ds(0, _BLK_CH)], sidx, isem)
    cj = pltpu.async_copy(dst_hbm.at[w, pl.ds(0, _BLK_CH)], didx, isem)
    pltpu.sync_copy(zeros_hbm.at[pl.ds(row_base, _ROWS_PER_TILE)],
                    acc.at[pl.ds(row_base, _ROWS_PER_TILE)])
    ci.wait()
    cj.wait()
    plsc.subcore_barrier()

    def process(nch):
        pltpu.async_copy(hp_hbm.at[sidx.at[0]], rows0, sem0)

        def pair(i, carry):
            k0 = 2 * i
            pltpu.async_copy(hp_hbm.at[sidx.at[k0 + 1]], rows1, sem1)
            pltpu.make_async_copy(hp_hbm.at[sidx.at[k0]], rows0, sem0).wait()
            pltpu.sync_copy(rows0, acc.at[didx.at[k0]], add=True)

            @pl.when(k0 + 2 < nch)
            def _():
                pltpu.async_copy(hp_hbm.at[sidx.at[k0 + 2]], rows0, sem0)

            pltpu.make_async_copy(hp_hbm.at[sidx.at[k0 + 1]], rows1, sem1).wait()
            pltpu.sync_copy(rows1, acc.at[didx.at[k0 + 1]], add=True)
            return carry

        lax.fori_loop(0, nch // 2, pair, 0)
        if nch % 2:
            pltpu.make_async_copy(hp_hbm.at[sidx.at[nch - 1]], rows0, sem0).wait()
            pltpu.sync_copy(rows0, acc.at[didx.at[nch - 1]], add=True)

    def blk(j, carry):
        process(_BLK_CH)

        @pl.when(j + 1 < _NFULL)
        def _():
            j0 = pl.multiple_of((j + 1) * _BLK_CH, _BLK_CH)
            pltpu.sync_copy(src_hbm.at[w, pl.ds(j0, _BLK_CH)], sidx)
            pltpu.sync_copy(dst_hbm.at[w, pl.ds(j0, _BLK_CH)], didx)
        return carry

    lax.fori_loop(0, _NFULL, blk, 0)
    pltpu.sync_copy(src_hbm.at[w, pl.ds(_NFULL * _BLK_CH, _TAIL)],
                    sidx.at[pl.ds(0, _TAIL)])
    pltpu.sync_copy(dst_hbm.at[w, pl.ds(_NFULL * _BLK_CH, _TAIL)],
                    didx.at[pl.ds(0, _TAIL)])
    process(_TAIL)

    plsc.subcore_barrier()
    pltpu.sync_copy(acc.at[pl.ds(row_base, _ROWS_PER_TILE)],
                    out_hbm.at[c, pl.ds(row_base, _ROWS_PER_TILE)])


@functools.lru_cache(maxsize=None)
def _get_sc_scatter():
    mesh = plsc.VectorSubcoreMesh(core_axis_name="c", subcore_axis_name="s")
    return pl.kernel(
        _sc_scatter_body,
        out_type=jax.ShapeDtypeStruct((_NC, _N_PAD, _D), jnp.float32),
        mesh=mesh,
        scratch_types=[
            pltpu.VMEM((_BLK_CH, _CHUNK), jnp.int32),
            pltpu.VMEM((_BLK_CH, _CHUNK), jnp.int32),
            pltpu.VMEM((_CHUNK, _D), jnp.float32),
            pltpu.VMEM((_CHUNK, _D), jnp.float32),
            pltpu.VMEM_SHARED((_N_PAD, _D), jnp.float32),
            pltpu.SemaphoreType.DMA,
            pltpu.SemaphoreType.DMA,
            pltpu.SemaphoreType.DMA,
        ],
    )



_BLK = 512
_GRID = _N_PAD // _BLK


def _tc1_body(degp_ref, x_ref, w1_ref, hp_ref, dinv_ref):
    deg = degp_ref[0, :, 0:1] + degp_ref[1, :, 0:1] + 1.0
    dinv = lax.rsqrt(deg)
    h = jnp.dot(x_ref[...], w1_ref[...], preferred_element_type=jnp.float32)
    hp_ref[...] = dinv * h
    dinv_ref[...] = dinv


def _tc2_body(parts_ref, hp_ref, dinv_ref, b1_ref, w2_ref, hp2_ref):
    dinv = dinv_ref[...]
    agg = parts_ref[0] + parts_ref[1] + hp_ref[...]
    o1 = jnp.maximum(dinv * agg + b1_ref[...], 0.0)
    hp2_ref[...] = dinv * jnp.dot(o1, w2_ref[...], preferred_element_type=jnp.float32)


def _tc3_body(parts_ref, hp_ref, dinv_ref, b2_ref, wf1_ref, bf1_ref,
              wf2_ref, bf2_ref, y_ref):
    dinv = dinv_ref[...]
    agg = parts_ref[0] + parts_ref[1] + hp_ref[...]
    o2 = jnp.maximum(dinv * agg + b2_ref[...], 0.0)
    h3 = jnp.maximum(
        jnp.dot(o2, wf1_ref[...], preferred_element_type=jnp.float32) + bf1_ref[...],
        0.0)
    y_ref[...] = jnp.dot(h3, wf2_ref[...], preferred_element_type=jnp.float32) + bf2_ref[...]


def _row_blk(*trail):
    return pl.BlockSpec((_BLK,) + trail, lambda i: (i,) + (0,) * len(trail))


def _parts_blk(width):
    return pl.BlockSpec((_NC, _BLK, width), lambda i: (0, i, 0))


def _full(shape):
    return pl.BlockSpec(shape, lambda i: (0,) * len(shape))


_tc1 = pl.pallas_call(
    _tc1_body,
    grid=(_GRID,),
    in_specs=[_parts_blk(_D), _row_blk(_D), _full((_D, _D))],
    out_specs=[_row_blk(_D), _row_blk(1)],
    out_shape=[jax.ShapeDtypeStruct((_N_PAD, _D), jnp.float32),
               jax.ShapeDtypeStruct((_N_PAD, 1), jnp.float32)],
)

_tc2 = pl.pallas_call(
    _tc2_body,
    grid=(_GRID,),
    in_specs=[_parts_blk(_D), _row_blk(_D), _row_blk(1), _full((1, _D)),
              _full((_D, _D))],
    out_specs=_row_blk(_D),
    out_shape=jax.ShapeDtypeStruct((_N_PAD, _D), jnp.float32),
)

_tc3 = pl.pallas_call(
    _tc3_body,
    grid=(_GRID,),
    in_specs=[_parts_blk(_D), _row_blk(_D), _row_blk(1), _full((1, _D)),
              _full((_D, 64)), _full((1, 64)), _full((64, 1)), _full((1, 1))],
    out_specs=_row_blk(1),
    out_shape=jax.ShapeDtypeStruct((_N_PAD, 1), jnp.float32),
)


def kernel(x, edge_index, W1, b1, W2, b2, Wf1, bf1, Wf2, bf2):
    src4 = edge_index[0].reshape(_NC * _NS, _STEPS, _CHUNK)
    dst4 = edge_index[1].reshape(_NC * _NS, _STEPS, _CHUNK)
    zeros_big = jnp.zeros((_N_PAD, _D), jnp.float32)
    ones_tab = jnp.ones((_N_PAD, _D), jnp.float32)

    x_pad = jnp.zeros((_N_PAD, _D), jnp.float32).at[:_N].set(x)
    deg_parts = _get_sc_scatter()(ones_tab, src4, dst4, zeros_big)
    hp1, dinv = _tc1(deg_parts, x_pad, W1)
    a1 = _get_sc_scatter()(hp1, src4, dst4, zeros_big)
    hp2 = _tc2(a1, hp1, dinv, b1.reshape(1, _D), W2)
    a2 = _get_sc_scatter()(hp2, src4, dst4, zeros_big)
    y = _tc3(a2, hp2, dinv, b2.reshape(1, _D), Wf1, bf1.reshape(1, 64),
             Wf2, bf2.reshape(1, 1))
    return y[:_N]

# --- scband reference (transcript-rebuilt; emitter-appended) ---
"""Pipeline reference for scband-gcnmodel-with-fc-54872502174316 (READ-ONLY COPY).

The authoritative reference and input builder live on the scoring server;
editing this copy changes nothing except your own understanding.
"""

import jax, jax.numpy as jnp
import numpy as np

N = 10000
E = 320000
D_IN = 128
H_GCN = [128, 128]
H_FC = [64]
D_OUT = 1


def setup_inputs(seed: int = 0) -> dict:
    key = jax.random.key(seed)
    ks = jax.random.split(key, 12)
    inp = {}
    inp["x"] = jax.random.normal(ks[0], (N, D_IN), dtype=jnp.float32)
    inp["edge_index"] = jax.random.randint(ks[1], (2, E), 0, N, dtype=jnp.int32)
    # GCN layer 1: 128 -> 128
    inp["W1"] = jax.random.normal(ks[2], (D_IN, H_GCN[0]), dtype=jnp.float32) * (1.0 / np.sqrt(D_IN))
    inp["b1"] = jnp.zeros((H_GCN[0],), dtype=jnp.float32)
    # GCN layer 2: 128 -> 128
    inp["W2"] = jax.random.normal(ks[3], (H_GCN[0], H_GCN[1]), dtype=jnp.float32) * (1.0 / np.sqrt(H_GCN[0]))
    inp["b2"] = jnp.zeros((H_GCN[1],), dtype=jnp.float32)
    # FC layer 1: 128 -> 64
    inp["Wf1"] = jax.random.normal(ks[4], (H_GCN[1], H_FC[0]), dtype=jnp.float32) * (1.0 / np.sqrt(H_GCN[1]))
    inp["bf1"] = jnp.zeros((H_FC[0],), dtype=jnp.float32)
    # FC layer 2 (output): 64 -> 1
    inp["Wf2"] = jax.random.normal(ks[5], (H_FC[0], D_OUT), dtype=jnp.float32) * (1.0 / np.sqrt(H_FC[0]))
    inp["bf2"] = jnp.zeros((D_OUT,), dtype=jnp.float32)
    return inp


def gcn_conv(x, edge_index, W, b):
    # Faithful PyG GCNConv: add self-loops, symmetric normalization,
    # x' = D^{-1/2}(A+I)D^{-1/2} X W + b
    src = edge_index[0]
    dst = edge_index[1]
    loop = jnp.arange(N, dtype=edge_index.dtype)
    src = jnp.concatenate([src, loop])
    dst = jnp.concatenate([dst, loop])
    deg = jnp.zeros((N,), dtype=jnp.float32).at[dst].add(1.0)
    dinv = jnp.where(deg > 0, jax.lax.rsqrt(deg), 0.0)
    norm = dinv[src] * dinv[dst]
    h = x @ W
    msg = jnp.take(h, src, axis=0) * norm[:, None]
    out = jnp.zeros((N, W.shape[1]), dtype=jnp.float32).at[dst].add(msg)
    return out + b


def reference(x, edge_index, W1, b1, W2, b2, Wf1, bf1, Wf2, bf2):
    h = jax.nn.relu(gcn_conv(x, edge_index, W1, b1))
    h = jax.nn.relu(gcn_conv(h, edge_index, W2, b2))
    h = jax.nn.relu(h @ Wf1 + bf1)
    out = h @ Wf2 + bf2
    return out

if __name__ == "__main__":
    import jax
    _d = setup_inputs()
    print(jax.jit(kernel)(*tuple(_d.values())))

</pallas_src>

<mosaic_0001>
#map = affine_map<(d0, d1) -> (0, 0)>
#map1 = affine_map<(d0, d1) -> (0, 0, 0)>
module attributes {stable_mosaic.version = 14 : i64} {
  func.func @_sc_scatter_body(%arg0: i32, %arg1: i32, %arg2: memref<10240x128xf32, #tpu.memory_space<hbm>>, %arg3: memref<32x125x80xi32, #tpu.memory_space<hbm>>, %arg4: memref<32x125x80xi32, #tpu.memory_space<hbm>>, %arg5: memref<10240x128xf32, #tpu.memory_space<hbm>>, %arg6: memref<2x10240x128xf32, #tpu.memory_space<hbm>>, %arg7: memref<40x80xi32, #tpu.memory_space<vmem>>, %arg8: memref<40x80xi32, #tpu.memory_space<vmem>>, %arg9: memref<80x128xf32, #tpu.memory_space<vmem>>, %arg10: memref<80x128xf32, #tpu.memory_space<vmem>>, %arg11: memref<10240x128xf32, #tpu.memory_space<vmem_shared>>, %arg12: memref<!tpu.dma_semaphore, #tpu.memory_space<semaphore_mem>>, %arg13: memref<!tpu.dma_semaphore, #tpu.memory_space<semaphore_mem>>, %arg14: memref<!tpu.dma_semaphore, #tpu.memory_space<semaphore_mem>>) attributes {dimension_semantics = [#tpu.dimension_semantics<core_parallel>, #tpu.dimension_semantics<subcore_parallel>], iteration_bounds = array<i64: 2, 16>, scalar_prefetch = 0 : i64, scratch_operands = 8 : i64, tpu.core_type = #tpu.core_type<sc_vector_subcore>, window_params = [{transform_indices = #map}, {transform_indices = #map1}, {transform_indices = #map1}, {transform_indices = #map}, {transform_indices = #map1}]} {
    %mul3A = arith.constant 16 : i32
    %mul3A_0 = arith.muli %arg0, %mul3A : i32
    %add3A = arith.addi %mul3A_0, %arg1 : i32
    %mul3A_1 = arith.constant 640 : i32
    %mul3A_2 = arith.muli %arg1, %mul3A_1 : i32
    %dma_start3A = arith.constant 0 : i32
    %dma_start3A_3 = arith.constant 0 : i32
    %dma_start3A_4 = tpu.memref_slice %arg3[%add3A, %dma_start3A, %dma_start3A_3] : memref<32x125x80xi32, #tpu.memory_space<hbm>> -> memref<1x40x80xi32, #tpu.memory_space<hbm>>
    %dma_start3A_5 = tpu.memref_squeeze %dma_start3A_4 : memref<1x40x80xi32, #tpu.memory_space<hbm>> -> memref<40x80xi32, #tpu.memory_space<hbm>>
    %dma_start3A_6 = arith.constant 0 : i32
    %dma_start3A_7 = arith.constant 0 : i32
    %dma_start3A_8 = tpu.memref_slice %arg3[%add3A, %dma_start3A_6, %dma_start3A_7] : memref<32x125x80xi32, #tpu.memory_space<hbm>> -> memref<1x40x80xi32, #tpu.memory_space<hbm>>
    %dma_start3A_9 = tpu.memref_squeeze %dma_start3A_8 : memref<1x40x80xi32, #tpu.memory_space<hbm>> -> memref<40x80xi32, #tpu.memory_space<hbm>>
    tpu.enqueue_dma source(%dma_start3A_9 : memref<40x80xi32, #tpu.memory_space<hbm>>) target(%arg7 : memref<40x80xi32, #tpu.memory_space<vmem>>) target_semaphore(%arg14 : memref<!tpu.dma_semaphore, #tpu.memory_space<semaphore_mem>>)
    %dma_start3A_10 = arith.constant 0 : i32
    %dma_start3A_11 = arith.constant 0 : i32
    %dma_start3A_12 = tpu.memref_slice %arg4[%add3A, %dma_start3A_10, %dma_start3A_11] : memref<32x125x80xi32, #tpu.memory_space<hbm>> -> memref<1x40x80xi32, #tpu.memory_space<hbm>>
    %dma_start3A_13 = tpu.memref_squeeze %dma_start3A_12 : memref<1x40x80xi32, #tpu.memory_space<hbm>> -> memref<40x80xi32, #tpu.memory_space<hbm>>
    %dma_start3A_14 = arith.constant 0 : i32
    %dma_start3A_15 = arith.constant 0 : i32
    %dma_start3A_16 = tpu.memref_slice %arg4[%add3A, %dma_start3A_14, %dma_start3A_15] : memref<32x125x80xi32, #tpu.memory_space<hbm>> -> memref<1x40x80xi32, #tpu.memory_space<hbm>>
    %dma_start3A_17 = tpu.memref_squeeze %dma_start3A_16 : memref<1x40x80xi32, #tpu.memory_space<hbm>> -> memref<40x80xi32, #tpu.memory_space<hbm>>
    tpu.enqueue_dma source(%dma_start3A_17 : memref<40x80xi32, #tpu.memory_space<hbm>>) target(%arg8 : memref<40x80xi32, #tpu.memory_space<vmem>>) target_semaphore(%arg14 : memref<!tpu.dma_semaphore, #tpu.memory_space<semaphore_mem>>)
    "tpu.region"() ({
      %run_scoped3A_59 = tpu.sem_alloc : memref<!tpu.dma_semaphore, #tpu.memory_space<semaphore_mem>>
      %dma_start3A_60 = arith.constant 0 : i32
      %dma_start3A_61 = tpu.memref_slice %arg11[%mul3A_2, %dma_start3A_60] : memref<10240x128xf32, #tpu.memory_space<vmem_shared>> -> memref<640x128xf32, #tpu.memory_space<vmem_shared>>
      %dma_start3A_62 = arith.constant 0 : i32
      %dma_start3A_63 = tpu.memref_slice %arg5[%mul3A_2, %dma_start3A_62] : memref<10240x128xf32, #tpu.memory_space<hbm>> -> memref<640x128xf32, #tpu.memory_space<hbm>>
      tpu.enqueue_dma source(%dma_start3A_63 : memref<640x128xf32, #tpu.memory_space<hbm>>) target(%dma_start3A_61 : memref<640x128xf32, #tpu.memory_space<vmem_shared>>) target_semaphore(%run_scoped3A_59 : memref<!tpu.dma_semaphore, #tpu.memory_space<semaphore_mem>>)
      %dma_wait3A_64 = arith.constant 0 : i32
      %dma_wait3A_65 = tpu.memref_slice %arg11[%mul3A_2, %dma_wait3A_64] : memref<10240x128xf32, #tpu.memory_space<vmem_shared>> -> memref<640x128xf32, #tpu.memory_space<vmem_shared>>
      %dma_wait3A_66 = arith.constant 0 : i32
      %dma_wait3A_67 = tpu.memref_slice %arg5[%mul3A_2, %dma_wait3A_66] : memref<10240x128xf32, #tpu.memory_space<hbm>> -> memref<640x128xf32, #tpu.memory_space<hbm>>
      tpu.wait_dma2 semaphore(%run_scoped3A_59 : memref<!tpu.dma_semaphore, #tpu.memory_space<semaphore_mem>>) src(%dma_wait3A_67 : memref<640x128xf32, #tpu.memory_space<hbm>>) dst(%dma_wait3A_65 : memref<640x128xf32, #tpu.memory_space<vmem_shared>>)
      tpu.yield
    }) : () -> ()
    %dma_wait3A = arith.constant 0 : i32
    %dma_wait3A_18 = arith.constant 0 : i32
    %dma_wait3A_19 = tpu.memref_slice %arg3[%add3A, %dma_wait3A, %dma_wait3A_18] : memref<32x125x80xi32, #tpu.memory_space<hbm>> -> memref<1x40x80xi32, #tpu.memory_space<hbm>>
    %dma_wait3A_20 = tpu.memref_squeeze %dma_wait3A_19 : memref<1x40x80xi32, #tpu.memory_space<hbm>> -> memref<40x80xi32, #tpu.memory_space<hbm>>
    %dma_wait3A_21 = arith.constant 0 : i32
    %dma_wait3A_22 = arith.constant 0 : i32
    %dma_wait3A_23 = tpu.memref_slice %arg3[%add3A, %dma_wait3A_21, %dma_wait3A_22] : memref<32x125x80xi32, #tpu.memory_space<hbm>> -> memref<1x40x80xi32, #tpu.memory_space<hbm>>
    %dma_wait3A_24 = tpu.memref_squeeze %dma_wait3A_23 : memref<1x40x80xi32, #tpu.memory_space<hbm>> -> memref<40x80xi32, #tpu.memory_space<hbm>>
    tpu.wait_dma2 semaphore(%arg14 : memref<!tpu.dma_semaphore, #tpu.memory_space<semaphore_mem>>) src(%dma_wait3A_24 : memref<40x80xi32, #tpu.memory_space<hbm>>) dst(%arg7 : memref<40x80xi32, #tpu.memory_space<vmem>>)
    %dma_wait3A_25 = arith.constant 0 : i32
    %dma_wait3A_26 = arith.constant 0 : i32
    %dma_wait3A_27 = tpu.memref_slice %arg4[%add3A, %dma_wait3A_25, %dma_wait3A_26] : memref<32x125x80xi32, #tpu.memory_space<hbm>> -> memref<1x40x80xi32, #tpu.memory_space<hbm>>
    %dma_wait3A_28 = tpu.memref_squeeze %dma_wait3A_27 : memref<1x40x80xi32, #tpu.memory_space<hbm>> -> memref<40x80xi32, #tpu.memory_space<hbm>>
    %dma_wait3A_29 = arith.constant 0 : i32
    %dma_wait3A_30 = arith.constant 0 : i32
    %dma_wait3A_31 = tpu.memref_slice %arg4[%add3A, %dma_wait3A_29, %dma_wait3A_30] : memref<32x125x80xi32, #tpu.memory_space<hbm>> -> memref<1x40x80xi32, #tpu.memory_space<hbm>>
    %dma_wait3A_32 = tpu.memref_squeeze %dma_wait3A_31 : memref<1x40x80xi32, #tpu.memory_space<hbm>> -> memref<40x80xi32, #tpu.memory_space<hbm>>
    tpu.wait_dma2 semaphore(%arg14 : memref<!tpu.dma_semaphore, #tpu.memory_space<semaphore_mem>>) src(%dma_wait3A_32 : memref<40x80xi32, #tpu.memory_space<hbm>>) dst(%arg8 : memref<40x80xi32, #tpu.memory_space<vmem>>)
    %barrier3A = arith.constant 0 : index
    tpu.barrier barrier_id(%barrier3A)
    %scan3A = arith.constant 0 : i32
    %scan3A_33 = arith.constant 0 : i32
    %scan3A_34 = arith.constant 3 : i32
    %scan3A_35 = arith.addi %scan3A_33, %scan3A_34 : i32
    %scan3A_36 = arith.constant 1 : i32
    scf.for %scan3A_59 = %scan3A_33 to %scan3A_35 step %scan3A_36  : i32 {
      %dma_start3A_60 = arith.constant 0 : i32
      %dma_start3A_61 = arith.constant 0 : i32
      %dma_start3A_62 = tpu.memref_slice %arg7[%dma_start3A_60, %dma_start3A_61] : memref<40x80xi32, #tpu.memory_space<vmem>> -> memref<1x80xi32, #tpu.memory_space<vmem>>
      %dma_start3A_63 = tpu.memref_squeeze %dma_start3A_62 : memref<1x80xi32, #tpu.memory_space<vmem>> -> memref<80xi32, #tpu.memory_space<vmem>>
      %dma_start3A_64 = arith.constant 0 : i32
      %dma_start3A_65 = arith.constant 0 : i32
      %dma_start3A_66 = tpu.memref_slice %arg2[%dma_start3A_64, %dma_start3A_65] : memref<10240x128xf32, #tpu.memory_space<hbm>> -> memref<10240x128xf32, #tpu.memory_space<hbm>>
      tpu.enqueue_indirect_dma source(%dma_start3A_66 : memref<10240x128xf32, #tpu.memory_space<hbm>>) target(%arg9 : memref<80x128xf32, #tpu.memory_space<vmem>>) offsets(%dma_start3A_63 : memref<80xi32, #tpu.memory_space<vmem>>) semaphore(%arg12 : memref<!tpu.dma_semaphore, #tpu.memory_space<semaphore_mem>>)
      %scan3A_67 = arith.constant 0 : i32
      %scan3A_68 = arith.constant 0 : i32
      %scan3A_69 = arith.constant 20 : i32
      %scan3A_70 = arith.addi %scan3A_68, %scan3A_69 : i32
      %scan3A_71 = arith.constant 1 : i32
      scf.for %scan3A_77 = %scan3A_68 to %scan3A_70 step %scan3A_71  : i32 {
        %mul3A_78 = arith.constant 2 : i32
        %mul3A_79 = arith.muli %mul3A_78, %scan3A_77 : i32
        %add3A_80 = arith.constant 1 : i32
        %add3A_81 = arith.addi %mul3A_79, %add3A_80 : i32
        %dma_start3A_82 = arith.constant 0 : i32
        %dma_start3A_83 = tpu.memref_slice %arg7[%add3A_81, %dma_start3A_82] : memref<40x80xi32, #tpu.memory_space<vmem>> -> memref<1x80xi32, #tpu.memory_space<vmem>>
        %dma_start3A_84 = tpu.memref_squeeze %dma_start3A_83 : memref<1x80xi32, #tpu.memory_space<vmem>> -> memref<80xi32, #tpu.memory_space<vmem>>
        %dma_start3A_85 = arith.constant 0 : i32
        %dma_start3A_86 = arith.constant 0 : i32
        %dma_start3A_87 = tpu.memref_slice %arg2[%dma_start3A_85, %dma_start3A_86] : memref<10240x128xf32, #tpu.memory_space<hbm>> -> memref<10240x128xf32, #tpu.memory_space<hbm>>
        tpu.enqueue_indirect_dma source(%dma_start3A_87 : memref<10240x128xf32, #tpu.memory_space<hbm>>) target(%arg10 : memref<80x128xf32, #tpu.memory_space<vmem>>) offsets(%dma_start3A_84 : memref<80xi32, #tpu.memory_space<vmem>>) semaphore(%arg13 : memref<!tpu.dma_semaphore, #tpu.memory_space<semaphore_mem>>)
        %dma_wait3A_88 = arith.constant 0 : i32
        %dma_wait3A_89 = tpu.memref_slice %arg7[%mul3A_79, %dma_wait3A_88] : memref<40x80xi32, #tpu.memory_space<vmem>> -> memref<1x80xi32, #tpu.memory_space<vmem>>
        %dma_wait3A_90 = tpu.memref_squeeze %dma_wait3A_89 : memref<1x80xi32, #tpu.memory_space<vmem>> -> memref<80xi32, #tpu.memory_space<vmem>>
        %dma_wait3A_91 = arith.constant 0 : i32
        %dma_wait3A_92 = arith.constant 0 : i32
        %dma_wait3A_93 = tpu.memref_slice %arg2[%dma_wait3A_91, %dma_wait3A_92] : memref<10240x128xf32, #tpu.memory_space<hbm>> -> memref<10240x128xf32, #tpu.memory_space<hbm>>
        tpu.wait_indirect_dma semaphore(%arg12 : memref<!tpu.dma_semaphore, #tpu.memory_space<semaphore_mem>>) src(%dma_wait3A_93 : memref<10240x128xf32, #tpu.memory_space<hbm>>) dst(%arg9 : memref<80x128xf32, #tpu.memory_space<vmem>>)
        "tpu.region"() ({
          %run_scoped3A_111 = tpu.sem_alloc : memref<!tpu.dma_semaphore, #tpu.memory_space<semaphore_mem>>
          %dma_start3A_112 = arith.constant 0 : i32
          %dma_start3A_113 = tpu.memref_slice %arg8[%mul3A_79, %dma_start3A_112] : memref<40x80xi32, #tpu.memory_space<vmem>> -> memref<1x80xi32, #tpu.memory_space<vmem>>
          %dma_start3A_114 = tpu.memref_squeeze %dma_start3A_113 : memref<1x80xi32, #tpu.memory_space<vmem>> -> memref<80xi32, #tpu.memory_space<vmem>>
          %dma_start3A_115 = arith.constant 0 : i32
          %dma_start3A_116 = arith.constant 0 : i32
          %dma_start3A_117 = tpu.memref_slice %arg11[%dma_start3A_115, %dma_start3A_116] : memref<10240x128xf32, #tpu.memory_space<vmem_shared>> -> memref<10240x128xf32, #tpu.memory_space<vmem_shared>>
          tpu.enqueue_indirect_dma source(%arg9 : memref<80x128xf32, #tpu.memory_space<vmem>>) target(%dma_start3A_117 : memref<10240x128xf32, #tpu.memory_space<vmem_shared>>) offsets(%dma_start3A_114 : memref<80xi32, #tpu.memory_space<vmem>>) semaphore(%run_scoped3A_111 : memref<!tpu.dma_semaphore, #tpu.memory_space<semaphore_mem>>) {add = true}
          %dma_wait3A_118 = arith.constant 0 : i32
          %dma_wait3A_119 = tpu.memref_slice %arg8[%mul3A_79, %dma_wait3A_118] : memref<40x80xi32, #tpu.memory_space<vmem>> -> memref<1x80xi32, #tpu.memory_space<vmem>>
          %dma_wait3A_120 = tpu.memref_squeeze %dma_wait3A_119 : memref<1x80xi32, #tpu.memory_space<vmem>> -> memref<80xi32, #tpu.memory_space<vmem>>
          %dma_wait3A_121 = arith.constant 0 : i32
          %dma_wait3A_122 = arith.constant 0 : i32
          %dma_wait3A_123 = tpu.memref_slice %arg11[%dma_wait3A_121, %dma_wait3A_122] : memref<10240x128xf32, #tpu.memory_space<vmem_shared>> -> memref<10240x128xf32, #tpu.memory_space<vmem_shared>>
          tpu.wait_indirect_dma semaphore(%run_scoped3A_111 : memref<!tpu.dma_semaphore, #tpu.memory_space<semaphore_mem>>) src(%arg9 : memref<80x128xf32, #tpu.memory_space<vmem>>) dst(%dma_wait3A_123 : memref<10240x128xf32, #tpu.memory_space<vmem_shared>>)
          tpu.yield
        }) : () -> ()
        %add3A_94 = arith.constant 2 : i32
        %add3A_95 = arith.addi %mul3A_79, %add3A_94 : i32
        %lt3A_96 = arith.constant 40 : i32
        %lt3A_97 = arith.cmpi slt, %add3A_95, %lt3A_96 : i32
        %convert_element_type3A_98 = arith.extui %lt3A_97 : i1 to i32
        %cond3A_99 = arith.constant 0 : i32
        %cond3A_100 = arith.cmpi ne, %convert_element_type3A_98, %cond3A_99 : i32
        scf.if %cond3A_100 {
          %add3A_111 = arith.constant 2 : i32
          %add3A_112 = arith.addi %mul3A_79, %add3A_111 : i32
          %dma_start3A_113 = arith.constant 0 : i32
          %dma_start3A_114 = tpu.memref_slice %arg7[%add3A_112, %dma_start3A_113] : memref<40x80xi32, #tpu.memory_space<vmem>> -> memref<1x80xi32, #tpu.memory_space<vmem>>
          %dma_start3A_115 = tpu.memref_squeeze %dma_start3A_114 : memref<1x80xi32, #tpu.memory_space<vmem>> -> memref<80xi32, #tpu.memory_space<vmem>>
          %dma_start3A_116 = arith.constant 0 : i32
          %dma_start3A_117 = arith.constant 0 : i32
          %dma_start3A_118 = tpu.memref_slice %arg2[%dma_start3A_116, %dma_start3A_117] : memref<10240x128xf32, #tpu.memory_space<hbm>> -> memref<10240x128xf32, #tpu.memory_space<hbm>>
          tpu.enqueue_indirect_dma source(%dma_start3A_118 : memref<10240x128xf32, #tpu.memory_space<hbm>>) target(%arg9 : memref<80x128xf32, #tpu.memory_space<vmem>>) offsets(%dma_start3A_115 : memref<80xi32, #tpu.memory_space<vmem>>) semaphore(%arg12 : memref<!tpu.dma_semaphore, #tpu.memory_space<semaphore_mem>>)
        } else {
        }
        %add3A_101 = arith.constant 1 : i32
        %add3A_102 = arith.addi %mul3A_79, %add3A_101 : i32
        %dma_wait3A_103 = arith.constant 0 : i32
        %dma_wait3A_104 = tpu.memref_slice %arg7[%add3A_102, %dma_wait3A_103] : memref<40x80xi32, #tpu.memory_space<vmem>> -> memref<1x80xi32, #tpu.memory_space<vmem>>
        %dma_wait3A_105 = tpu.memref_squeeze %dma_wait3A_104 : memref<1x80xi32, #tpu.memory_space<vmem>> -> memref<80xi32, #tpu.memory_space<vmem>>
        %dma_wait3A_106 = arith.constant 0 : i32
        %dma_wait3A_107 = arith.constant 0 : i32
        %dma_wait3A_108 = tpu.memref_slice %arg2[%dma_wait3A_106, %dma_wait3A_107] : memref<10240x128xf32, #tpu.memory_space<hbm>> -> memref<10240x128xf32, #tpu.memory_space<hbm>>
        tpu.wait_indirect_dma semaphore(%arg13 : memref<!tpu.dma_semaphore, #tpu.memory_space<semaphore_mem>>) src(%dma_wait3A_108 : memref<10240x128xf32, #tpu.memory_space<hbm>>) dst(%arg10 : memref<80x128xf32, #tpu.memory_space<vmem>>)
        %add3A_109 = arith.constant 1 : i32
        %add3A_110 = arith.addi %mul3A_79, %add3A_109 : i32
        "tpu.region"() ({
          %run_scoped3A_111 = tpu.sem_alloc : memref<!tpu.dma_semaphore, #tpu.memory_space<semaphore_mem>>
          %dma_start3A_112 = arith.constant 0 : i32
          %dma_start3A_113 = tpu.memref_slice %arg8[%add3A_110, %dma_start3A_112] : memref<40x80xi32, #tpu.memory_space<vmem>> -> memref<1x80xi32, #tpu.memory_space<vmem>>
          %dma_start3A_114 = tpu.memref_squeeze %dma_start3A_113 : memref<1x80xi32, #tpu.memory_space<vmem>> -> memref<80xi32, #tpu.memory_space<vmem>>
          %dma_start3A_115 = arith.constant 0 : i32
          %dma_start3A_116 = arith.constant 0 : i32
          %dma_start3A_117 = tpu.memref_slice %arg11[%dma_start3A_115, %dma_start3A_116] : memref<10240x128xf32, #tpu.memory_space<vmem_shared>> -> memref<10240x128xf32, #tpu.memory_space<vmem_shared>>
          tpu.enqueue_indirect_dma source(%arg10 : memref<80x128xf32, #tpu.memory_space<vmem>>) target(%dma_start3A_117 : memref<10240x128xf32, #tpu.memory_space<vmem_shared>>) offsets(%dma_start3A_114 : memref<80xi32, #tpu.memory_space<vmem>>) semaphore(%run_scoped3A_111 : memref<!tpu.dma_semaphore, #tpu.memory_space<semaphore_mem>>) {add = true}
          %dma_wait3A_118 = arith.constant 0 : i32
          %dma_wait3A_119 = tpu.memref_slice %arg8[%add3A_110, %dma_wait3A_118] : memref<40x80xi32, #tpu.memory_space<vmem>> -> memref<1x80xi32, #tpu.memory_space<vmem>>
          %dma_wait3A_120 = tpu.memref_squeeze %dma_wait3A_119 : memref<1x80xi32, #tpu.memory_space<vmem>> -> memref<80xi32, #tpu.memory_space<vmem>>
          %dma_wait3A_121 = arith.constant 0 : i32
          %dma_wait3A_122 = arith.constant 0 : i32
          %dma_wait3A_123 = tpu.memref_slice %arg11[%dma_wait3A_121, %dma_wait3A_122] : memref<10240x128xf32, #tpu.memory_space<vmem_shared>> -> memref<10240x128xf32, #tpu.memory_space<vmem_shared>>
          tpu.wait_indirect_dma semaphore(%run_scoped3A_111 : memref<!tpu.dma_semaphore, #tpu.memory_space<semaphore_mem>>) src(%arg10 : memref<80x128xf32, #tpu.memory_space<vmem>>) dst(%dma_wait3A_123 : memref<10240x128xf32, #tpu.memory_space<vmem_shared>>)
          tpu.yield
        }) : () -> ()
      }
      %scan3A_72 = arith.constant 20 : i32
      %add3A_73 = arith.constant 1 : i32
      %add3A_74 = arith.addi %scan3A_59, %add3A_73 : i32
      %lt3A = arith.constant 3 : i32
      %lt3A_75 = arith.cmpi slt, %add3A_74, %lt3A : i32
      %convert_element_type3A = arith.extui %lt3A_75 : i1 to i32
      %cond3A = arith.constant 0 : i32
      %cond3A_76 = arith.cmpi ne, %convert_element_type3A, %cond3A : i32
      scf.if %cond3A_76 {
        %add3A_77 = arith.constant 1 : i32
        %add3A_78 = arith.addi %scan3A_59, %add3A_77 : i32
        %mul3A_79 = arith.constant 40 : i32
        %mul3A_80 = arith.muli %add3A_78, %mul3A_79 : i32
        %multiple_of3A = tpu.assume_multiple %mul3A_80, 40 : i32
        "tpu.region"() ({
          %run_scoped3A_81 = tpu.sem_alloc : memref<!tpu.dma_semaphore, #tpu.memory_space<semaphore_mem>>
          %dma_start3A_82 = arith.constant 0 : i32
          %dma_start3A_83 = tpu.memref_slice %arg3[%add3A, %multiple_of3A, %dma_start3A_82] : memref<32x125x80xi32, #tpu.memory_space<hbm>> -> memref<1x40x80xi32, #tpu.memory_space<hbm>>
          %dma_start3A_84 = tpu.memref_squeeze %dma_start3A_83 : memref<1x40x80xi32, #tpu.memory_space<hbm>> -> memref<40x80xi32, #tpu.memory_space<hbm>>
          %dma_start3A_85 = arith.constant 0 : i32
          %dma_start3A_86 = tpu.memref_slice %arg3[%add3A, %multiple_of3A, %dma_start3A_85] : memref<32x125x80xi32, #tpu.memory_space<hbm>> -> memref<1x40x80xi32, #tpu.memory_space<hbm>>
          %dma_start3A_87 = tpu.memref_squeeze %dma_start3A_86 : memref<1x40x80xi32, #tpu.memory_space<hbm>> -> memref<40x80xi32, #tpu.memory_space<hbm>>
          tpu.enqueue_dma source(%dma_start3A_87 : memref<40x80xi32, #tpu.memory_space<hbm>>) target(%arg7 : memref<40x80xi32, #tpu.memory_space<vmem>>) target_semaphore(%run_scoped3A_81 : memref<!tpu.dma_semaphore, #tpu.memory_space<semaphore_mem>>)
          %dma_wait3A_88 = arith.constant 0 : i32
          %dma_wait3A_89 = tpu.memref_slice %arg3[%add3A, %multiple_of3A, %dma_wait3A_88] : memref<32x125x80xi32, #tpu.memory_space<hbm>> -> memref<1x40x80xi32, #tpu.memory_space<hbm>>
          %dma_wait3A_90 = tpu.memref_squeeze %dma_wait3A_89 : memref<1x40x80xi32, #tpu.memory_space<hbm>> -> memref<40x80xi32, #tpu.memory_space<hbm>>
          %dma_wait3A_91 = arith.constant 0 : i32
          %dma_wait3A_92 = tpu.memref_slice %arg3[%add3A, %multiple_of3A, %dma_wait3A_91] : memref<32x125x80xi32, #tpu.memory_space<hbm>> -> memref<1x40x80xi32, #tpu.memory_space<hbm>>
          %dma_wait3A_93 = tpu.memref_squeeze %dma_wait3A_92 : memref<1x40x80xi32, #tpu.memory_space<hbm>> -> memref<40x80xi32, #tpu.memory_space<hbm>>
          tpu.wait_dma2 semaphore(%run_scoped3A_81 : memref<!tpu.dma_semaphore, #tpu.memory_space<semaphore_mem>>) src(%dma_wait3A_93 : memref<40x80xi32, #tpu.memory_space<hbm>>) dst(%arg7 : memref<40x80xi32, #tpu.memory_space<vmem>>)
          tpu.yield
        }) : () -> ()
        "tpu.region"() ({
          %run_scoped3A_81 = tpu.sem_alloc : memref<!tpu.dma_semaphore, #tpu.memory_space<semaphore_mem>>
          %dma_start3A_82 = arith.constant 0 : i32
          %dma_start3A_83 = tpu.memref_slice %arg4[%add3A, %multiple_of3A, %dma_start3A_82] : memref<32x125x80xi32, #tpu.memory_space<hbm>> -> memref<1x40x80xi32, #tpu.memory_space<hbm>>
          %dma_start3A_84 = tpu.memref_squeeze %dma_start3A_83 : memref<1x40x80xi32, #tpu.memory_space<hbm>> -> memref<40x80xi32, #tpu.memory_space<hbm>>
          %dma_start3A_85 = arith.constant 0 : i32
          %dma_start3A_86 = tpu.memref_slice %arg4[%add3A, %multiple_of3A, %dma_start3A_85] : memref<32x125x80xi32, #tpu.memory_space<hbm>> -> memref<1x40x80xi32, #tpu.memory_space<hbm>>
          %dma_start3A_87 = tpu.memref_squeeze %dma_start3A_86 : memref<1x40x80xi32, #tpu.memory_space<hbm>> -> memref<40x80xi32, #tpu.memory_space<hbm>>
          tpu.enqueue_dma source(%dma_start3A_87 : memref<40x80xi32, #tpu.memory_space<hbm>>) target(%arg8 : memref<40x80xi32, #tpu.memory_space<vmem>>) target_semaphore(%run_scoped3A_81 : memref<!tpu.dma_semaphore, #tpu.memory_space<semaphore_mem>>)
          %dma_wait3A_88 = arith.constant 0 : i32
          %dma_wait3A_89 = tpu.memref_slice %arg4[%add3A, %multiple_of3A, %dma_wait3A_88] : memref<32x125x80xi32, #tpu.memory_space<hbm>> -> memref<1x40x80xi32, #tpu.memory_space<hbm>>
          %dma_wait3A_90 = tpu.memref_squeeze %dma_wait3A_89 : memref<1x40x80xi32, #tpu.memory_space<hbm>> -> memref<40x80xi32, #tpu.memory_space<hbm>>
          %dma_wait3A_91 = arith.constant 0 : i32
          %dma_wait3A_92 = tpu.memref_slice %arg4[%add3A, %multiple_of3A, %dma_wait3A_91] : memref<32x125x80xi32, #tpu.memory_space<hbm>> -> memref<1x40x80xi32, #tpu.memory_space<hbm>>
          %dma_wait3A_93 = tpu.memref_squeeze %dma_wait3A_92 : memref<1x40x80xi32, #tpu.memory_space<hbm>> -> memref<40x80xi32, #tpu.memory_space<hbm>>
          tpu.wait_dma2 semaphore(%run_scoped3A_81 : memref<!tpu.dma_semaphore, #tpu.memory_space<semaphore_mem>>) src(%dma_wait3A_93 : memref<40x80xi32, #tpu.memory_space<hbm>>) dst(%arg8 : memref<40x80xi32, #tpu.memory_space<vmem>>)
          tpu.yield
        }) : () -> ()
      } else {
      }
    }
    %scan3A_37 = arith.constant 3 : i32
    "tpu.region"() ({
      %run_scoped3A_59 = tpu.sem_alloc : memref<!tpu.dma_semaphore, #tpu.memory_space<semaphore_mem>>
      %dma_start3A_60 = arith.constant 0 : i32
      %dma_start3A_61 = arith.constant 0 : i32
      %dma_start3A_62 = tpu.memref_slice %arg7[%dma_start3A_60, %dma_start3A_61] : memref<40x80xi32, #tpu.memory_space<vmem>> -> memref<5x80xi32, #tpu.memory_space<vmem>>
      %dma_start3A_63 = arith.constant 120 : i32
      %dma_start3A_64 = arith.constant 0 : i32
      %dma_start3A_65 = tpu.memref_slice %arg3[%add3A, %dma_start3A_63, %dma_start3A_64] : memref<32x125x80xi32, #tpu.memory_space<hbm>> -> memref<1x5x80xi32, #tpu.memory_space<hbm>>
      %dma_start3A_66 = tpu.memref_squeeze %dma_start3A_65 : memref<1x5x80xi32, #tpu.memory_space<hbm>> -> memref<5x80xi32, #tpu.memory_space<hbm>>
      %dma_start3A_67 = arith.constant 0 : i32
      %dma_start3A_68 = arith.constant 0 : i32
      %dma_start3A_69 = tpu.memref_slice %arg7[%dma_start3A_67, %dma_start3A_68] : memref<40x80xi32, #tpu.memory_space<vmem>> -> memref<5x80xi32, #tpu.memory_space<vmem>>
      %dma_start3A_70 = arith.constant 120 : i32
      %dma_start3A_71 = arith.constant 0 : i32
      %dma_start3A_72 = tpu.memref_slice %arg3[%add3A, %dma_start3A_70, %dma_start3A_71] : memref<32x125x80xi32, #tpu.memory_space<hbm>> -> memref<1x5x80xi32, #tpu.memory_space<hbm>>
      %dma_start3A_73 = tpu.memref_squeeze %dma_start3A_72 : memref<1x5x80xi32, #tpu.memory_space<hbm>> -> memref<5x80xi32, #tpu.memory_space<hbm>>
      tpu.enqueue_dma source(%dma_start3A_73 : memref<5x80xi32, #tpu.memory_space<hbm>>) target(%dma_start3A_69 : memref<5x80xi32, #tpu.memory_space<vmem>>) target_semaphore(%run_scoped3A_59 : memref<!tpu.dma_semaphore, #tpu.memory_space<semaphore_mem>>)
      %dma_wait3A_74 = arith.constant 0 : i32
      %dma_wait3A_75 = arith.constant 0 : i32
      %dma_wait3A_76 = tpu.memref_slice %arg7[%dma_wait3A_74, %dma_wait3A_75] : memref<40x80xi32, #tpu.memory_space<vmem>> -> memref<5x80xi32, #tpu.memory_space<vmem>>
      %dma_wait3A_77 = arith.constant 120 : i32
      %dma_wait3A_78 = arith.constant 0 : i32
      %dma_wait3A_79 = tpu.memref_slice %arg3[%add3A, %dma_wait3A_77, %dma_wait3A_78] : memref<32x125x80xi32, #tpu.memory_space<hbm>> -> memref<1x5x80xi32, #tpu.memory_space<hbm>>
      %dma_wait3A_80 = tpu.memref_squeeze %dma_wait3A_79 : memref<1x5x80xi32, #tpu.memory_space<hbm>> -> memref<5x80xi32, #tpu.memory_space<hbm>>
      %dma_wait3A_81 = arith.constant 0 : i32
      %dma_wait3A_82 = arith.constant 0 : i32
      %dma_wait3A_83 = tpu.memref_slice %arg7[%dma_wait3A_81, %dma_wait3A_82] : memref<40x80xi32, #tpu.memory_space<vmem>> -> memref<5x80xi32, #tpu.memory_space<vmem>>
      %dma_wait3A_84 = arith.constant 120 : i32
      %dma_wait3A_85 = arith.constant 0 : i32
      %dma_wait3A_86 = tpu.memref_slice %arg3[%add3A, %dma_wait3A_84, %dma_wait3A_85] : memref<32x125x80xi32, #tpu.memory_space<hbm>> -> memref<1x5x80xi32, #tpu.memory_space<hbm>>
      %dma_wait3A_87 = tpu.memref_squeeze %dma_wait3A_86 : memref<1x5x80xi32, #tpu.memory_space<hbm>> -> memref<5x80xi32, #tpu.memory_space<hbm>>
      tpu.wait_dma2 semaphore(%run_scoped3A_59 : memref<!tpu.dma_semaphore, #tpu.memory_space<semaphore_mem>>) src(%dma_wait3A_87 : memref<5x80xi32, #tpu.memory_space<hbm>>) dst(%dma_wait3A_83 : memref<5x80xi32, #tpu.memory_space<vmem>>)
      tpu.yield
    }) : () -> ()
    "tpu.region"() ({
      %run_scoped3A_59 = tpu.sem_alloc : memref<!tpu.dma_semaphore, #tpu.memory_space<semaphore_mem>>
      %dma_start3A_60 = arith.constant 0 : i32
      %dma_start3A_61 = arith.constant 0 : i32
      %dma_start3A_62 = tpu.memref_slice %arg8[%dma_start3A_60, %dma_start3A_61] : memref<40x80xi32, #tpu.memory_space<vmem>> -> memref<5x80xi32, #tpu.memory_space<vmem>>
      %dma_start3A_63 = arith.constant 120 : i32
      %dma_start3A_64 = arith.constant 0 : i32
      %dma_start3A_65 = tpu.memref_slice %arg4[%add3A, %dma_start3A_63, %dma_start3A_64] : memref<32x125x80xi32, #tpu.memory_space<hbm>> -> memref<1x5x80xi32, #tpu.memory_space<hbm>>
      %dma_start3A_66 = tpu.memref_squeeze %dma_start3A_65 : memref<1x5x80xi32, #tpu.memory_space<hbm>> -> memref<5x80xi32, #tpu.memory_space<hbm>>
      %dma_start3A_67 = arith.constant 0 : i32
      %dma_start3A_68 = arith.constant 0 : i32
      %dma_start3A_69 = tpu.memref_slice %arg8[%dma_start3A_67, %dma_start3A_68] : memref<40x80xi32, #tpu.memory_space<vmem>> -> memref<5x80xi32, #tpu.memory_space<vmem>>
      %dma_start3A_70 = arith.constant 120 : i32
      %dma_start3A_71 = arith.constant 0 : i32
      %dma_start3A_72 = tpu.memref_slice %arg4[%add3A, %dma_start3A_70, %dma_start3A_71] : memref<32x125x80xi32, #tpu.memory_space<hbm>> -> memref<1x5x80xi32, #tpu.memory_space<hbm>>
      %dma_start3A_73 = tpu.memref_squeeze %dma_start3A_72 : memref<1x5x80xi32, #tpu.memory_space<hbm>> -> memref<5x80xi32, #tpu.memory_space<hbm>>
      tpu.enqueue_dma source(%dma_start3A_73 : memref<5x80xi32, #tpu.memory_space<hbm>>) target(%dma_start3A_69 : memref<5x80xi32, #tpu.memory_space<vmem>>) target_semaphore(%run_scoped3A_59 : memref<!tpu.dma_semaphore, #tpu.memory_space<semaphore_mem>>)
      %dma_wait3A_74 = arith.constant 0 : i32
      %dma_wait3A_75 = arith.constant 0 : i32
      %dma_wait3A_76 = tpu.memref_slice %arg8[%dma_wait3A_74, %dma_wait3A_75] : memref<40x80xi32, #tpu.memory_space<vmem>> -> memref<5x80xi32, #tpu.memory_space<vmem>>
      %dma_wait3A_77 = arith.constant 120 : i32
      %dma_wait3A_78 = arith.constant 0 : i32
      %dma_wait3A_79 = tpu.memref_slice %arg4[%add3A, %dma_wait3A_77, %dma_wait3A_78] : memref<32x125x80xi32, #tpu.memory_space<hbm>> -> memref<1x5x80xi32, #tpu.memory_space<hbm>>
      %dma_wait3A_80 = tpu.memref_squeeze %dma_wait3A_79 : memref<1x5x80xi32, #tpu.memory_space<hbm>> -> memref<5x80xi32, #tpu.memory_space<hbm>>
      %dma_wait3A_81 = arith.constant 0 : i32
      %dma_wait3A_82 = arith.constant 0 : i32
      %dma_wait3A_83 = tpu.memref_slice %arg8[%dma_wait3A_81, %dma_wait3A_82] : memref<40x80xi32, #tpu.memory_space<vmem>> -> memref<5x80xi32, #tpu.memory_space<vmem>>
      %dma_wait3A_84 = arith.constant 120 : i32
      %dma_wait3A_85 = arith.constant 0 : i32
      %dma_wait3A_86 = tpu.memref_slice %arg4[%add3A, %dma_wait3A_84, %dma_wait3A_85] : memref<32x125x80xi32, #tpu.memory_space<hbm>> -> memref<1x5x80xi32, #tpu.memory_space<hbm>>
      %dma_wait3A_87 = tpu.memref_squeeze %dma_wait3A_86 : memref<1x5x80xi32, #tpu.memory_space<hbm>> -> memref<5x80xi32, #tpu.memory_space<hbm>>
      tpu.wait_dma2 semaphore(%run_scoped3A_59 : memref<!tpu.dma_semaphore, #tpu.memory_space<semaphore_mem>>) src(%dma_wait3A_87 : memref<5x80xi32, #tpu.memory_space<hbm>>) dst(%dma_wait3A_83 : memref<5x80xi32, #tpu.memory_space<vmem>>)
      tpu.yield
    }) : () -> ()
    %dma_start3A_38 = arith.constant 0 : i32
    %dma_start3A_39 = arith.constant 0 : i32
    %dma_start3A_40 = tpu.memref_slice %arg7[%dma_start3A_38, %dma_start3A_39] : memref<40x80xi32, #tpu.memory_space<vmem>> -> memref<1x80xi32, #tpu.memory_space<vmem>>
    %dma_start3A_41 = tpu.memref_squeeze %dma_start3A_40 : memref<1x80xi32, #tpu.memory_space<vmem>> -> memref<80xi32, #tpu.memory_space<vmem>>
    %dma_start3A_42 = arith.constant 0 : i32
    %dma_start3A_43 = arith.constant 0 : i32
    %dma_start3A_44 = tpu.memref_slice %arg2[%dma_start3A_42, %dma_start3A_43] : memref<10240x128xf32, #tpu.memory_space<hbm>> -> memref<10240x128xf32, #tpu.memory_space<hbm>>
    tpu.enqueue_indirect_dma source(%dma_start3A_44 : memref<10240x128xf32, #tpu.memory_space<hbm>>) target(%arg9 : memref<80x128xf32, #tpu.memory_space<vmem>>) offsets(%dma_start3A_41 : memref<80xi32, #tpu.memory_space<vmem>>) semaphore(%arg12 : memref<!tpu.dma_semaphore, #tpu.memory_space<semaphore_mem>>)
    %scan3A_45 = arith.constant 0 : i32
    %scan3A_46 = arith.constant 0 : i32
    %scan3A_47 = arith.constant 2 : i32
    %scan3A_48 = arith.addi %scan3A_46, %scan3A_47 : i32
    %scan3A_49 = arith.constant 1 : i32
    scf.for %scan3A_59 = %scan3A_46 to %scan3A_48 step %scan3A_49  : i32 {
      %mul3A_60 = arith.constant 2 : i32
      %mul3A_61 = arith.muli %mul3A_60, %scan3A_59 : i32
      %add3A_62 = arith.constant 1 : i32
      %add3A_63 = arith.addi %mul3A_61, %add3A_62 : i32
      %dma_start3A_64 = arith.constant 0 : i32
      %dma_start3A_65 = tpu.memref_slice %arg7[%add3A_63, %dma_start3A_64] : memref<40x80xi32, #tpu.memory_space<vmem>> -> memref<1x80xi32, #tpu.memory_space<vmem>>
      %dma_start3A_66 = tpu.memref_squeeze %dma_start3A_65 : memref<1x80xi32, #tpu.memory_space<vmem>> -> memref<80xi32, #tpu.memory_space<vmem>>
      %dma_start3A_67 = arith.constant 0 : i32
      %dma_start3A_68 = arith.constant 0 : i32
      %dma_start3A_69 = tpu.memref_slice %arg2[%dma_start3A_67, %dma_start3A_68] : memref<10240x128xf32, #tpu.memory_space<hbm>> -> memref<10240x128xf32, #tpu.memory_space<hbm>>
      tpu.enqueue_indirect_dma source(%dma_start3A_69 : memref<10240x128xf32, #tpu.memory_space<hbm>>) target(%arg10 : memref<80x128xf32, #tpu.memory_space<vmem>>) offsets(%dma_start3A_66 : memref<80xi32, #tpu.memory_space<vmem>>) semaphore(%arg13 : memref<!tpu.dma_semaphore, #tpu.memory_space<semaphore_mem>>)
      %dma_wait3A_70 = arith.constant 0 : i32
      %dma_wait3A_71 = tpu.memref_slice %arg7[%mul3A_61, %dma_wait3A_70] : memref<40x80xi32, #tpu.memory_space<vmem>> -> memref<1x80xi32, #tpu.memory_space<vmem>>
      %dma_wait3A_72 = tpu.memref_squeeze %dma_wait3A_71 : memref<1x80xi32, #tpu.memory_space<vmem>> -> memref<80xi32, #tpu.memory_space<vmem>>
      %dma_wait3A_73 = arith.constant 0 : i32
      %dma_wait3A_74 = arith.constant 0 : i32
      %dma_wait3A_75 = tpu.memref_slice %arg2[%dma_wait3A_73, %dma_wait3A_74] : memref<10240x128xf32, #tpu.memory_space<hbm>> -> memref<10240x128xf32, #tpu.memory_space<hbm>>
      tpu.wait_indirect_dma semaphore(%arg12 : memref<!tpu.dma_semaphore, #tpu.memory_space<semaphore_mem>>) src(%dma_wait3A_75 : memref<10240x128xf32, #tpu.memory_space<hbm>>) dst(%arg9 : memref<80x128xf32, #tpu.memory_space<vmem>>)
      "tpu.region"() ({
        %run_scoped3A_90 = tpu.sem_alloc : memref<!tpu.dma_semaphore, #tpu.memory_space<semaphore_mem>>
        %dma_start3A_91 = arith.constant 0 : i32
        %dma_start3A_92 = tpu.memref_slice %arg8[%mul3A_61, %dma_start3A_91] : memref<40x80xi32, #tpu.memory_space<vmem>> -> memref<1x80xi32, #tpu.memory_space<vmem>>
        %dma_start3A_93 = tpu.memref_squeeze %dma_start3A_92 : memref<1x80xi32, #tpu.memory_space<vmem>> -> memref<80xi32, #tpu.memory_space<vmem>>
        %dma_start3A_94 = arith.constant 0 : i32
        %dma_start3A_95 = arith.constant 0 : i32
        %dma_start3A_96 = tpu.memref_slice %arg11[%dma_start3A_94, %dma_start3A_95] : memref<10240x128xf32, #tpu.memory_space<vmem_shared>> -> memref<10240x128xf32, #tpu.memory_space<vmem_shared>>
        tpu.enqueue_indirect_dma source(%arg9 : memref<80x128xf32, #tpu.memory_space<vmem>>) target(%dma_start3A_96 : memref<10240x128xf32, #tpu.memory_space<vmem_shared>>) offsets(%dma_start3A_93 : memref<80xi32, #tpu.memory_space<vmem>>) semaphore(%run_scoped3A_90 : memref<!tpu.dma_semaphore, #tpu.memory_space<semaphore_mem>>) {add = true}
        %dma_wait3A_97 = arith.constant 0 : i32
        %dma_wait3A_98 = tpu.memref_slice %arg8[%mul3A_61, %dma_wait3A_97] : memref<40x80xi32, #tpu.memory_space<vmem>> -> memref<1x80xi32, #tpu.memory_space<vmem>>
        %dma_wait3A_99 = tpu.memref_squeeze %dma_wait3A_98 : memref<1x80xi32, #tpu.memory_space<vmem>> -> memref<80xi32, #tpu.memory_space<vmem>>
        %dma_wait3A_100 = arith.constant 0 : i32
        %dma_wait3A_101 = arith.constant 0 : i32
        %dma_wait3A_102 = tpu.memref_slice %arg11[%dma_wait3A_100, %dma_wait3A_101] : memref<10240x128xf32, #tpu.memory_space<vmem_shared>> -> memref<10240x128xf32, #tpu.memory_space<vmem_shared>>
        tpu.wait_indirect_dma semaphore(%run_scoped3A_90 : memref<!tpu.dma_semaphore, #tpu.memory_space<semaphore_mem>>) src(%arg9 : memref<80x128xf32, #tpu.memory_space<vmem>>) dst(%dma_wait3A_102 : memref<10240x128xf32, #tpu.memory_space<vmem_shared>>)
        tpu.yield
      }) : () -> ()
      %add3A_76 = arith.constant 2 : i32
      %add3A_77 = arith.addi %mul3A_61, %add3A_76 : i32
      %lt3A = arith.constant 5 : i32
      %lt3A_78 = arith.cmpi slt, %add3A_77, %lt3A : i32
      %convert_element_type3A = arith.extui %lt3A_78 : i1 to i32
      %cond3A = arith.constant 0 : i32
      %cond3A_79 = arith.cmpi ne, %convert_element_type3A, %cond3A : i32
      scf.if %cond3A_79 {
        %add3A_90 = arith.constant 2 : i32
        %add3A_91 = arith.addi %mul3A_61, %add3A_90 : i32
        %dma_start3A_92 = arith.constant 0 : i32
        %dma_start3A_93 = tpu.memref_slice %arg7[%add3A_91, %dma_start3A_92] : memref<40x80xi32, #tpu.memory_space<vmem>> -> memref<1x80xi32, #tpu.memory_space<vmem>>
        %dma_start3A_94 = tpu.memref_squeeze %dma_start3A_93 : memref<1x80xi32, #tpu.memory_space<vmem>> -> memref<80xi32, #tpu.memory_space<vmem>>
        %dma_start3A_95 = arith.constant 0 : i32
        %dma_start3A_96 = arith.constant 0 : i32
        %dma_start3A_97 = tpu.memref_slice %arg2[%dma_start3A_95, %dma_start3A_96] : memref<10240x128xf32, #tpu.memory_space<hbm>> -> memref<10240x128xf32, #tpu.memory_space<hbm>>
        tpu.enqueue_indirect_dma source(%dma_start3A_97 : memref<10240x128xf32, #tpu.memory_space<hbm>>) target(%arg9 : memref<80x128xf32, #tpu.memory_space<vmem>>) offsets(%dma_start3A_94 : memref<80xi32, #tpu.memory_space<vmem>>) semaphore(%arg12 : memref<!tpu.dma_semaphore, #tpu.memory_space<semaphore_mem>>)
      } else {
      }
      %add3A_80 = arith.constant 1 : i32
      %add3A_81 = arith.addi %mul3A_61, %add3A_80 : i32
      %dma_wait3A_82 = arith.constant 0 : i32
      %dma_wait3A_83 = tpu.memref_slice %arg7[%add3A_81, %dma_wait3A_82] : memref<40x80xi32, #tpu.memory_space<vmem>> -> memref<1x80xi32, #tpu.memory_space<vmem>>
      %dma_wait3A_84 = tpu.memref_squeeze %dma_wait3A_83 : memref<1x80xi32, #tpu.memory_space<vmem>> -> memref<80xi32, #tpu.memory_space<vmem>>
      %dma_wait3A_85 = arith.constant 0 : i32
      %dma_wait3A_86 = arith.constant 0 : i32
      %dma_wait3A_87 = tpu.memref_slice %arg2[%dma_wait3A_85, %dma_wait3A_86] : memref<10240x128xf32, #tpu.memory_space<hbm>> -> memref<10240x128xf32, #tpu.memory_space<hbm>>
      tpu.wait_indirect_dma semaphore(%arg13 : memref<!tpu.dma_semaphore, #tpu.memory_space<semaphore_mem>>) src(%dma_wait3A_87 : memref<10240x128xf32, #tpu.memory_space<hbm>>) dst(%arg10 : memref<80x128xf32, #tpu.memory_space<vmem>>)
      %add3A_88 = arith.constant 1 : i32
      %add3A_89 = arith.addi %mul3A_61, %add3A_88 : i32
      "tpu.region"() ({
        %run_scoped3A_90 = tpu.sem_alloc : memref<!tpu.dma_semaphore, #tpu.memory_space<semaphore_mem>>
        %dma_start3A_91 = arith.constant 0 : i32
        %dma_start3A_92 = tpu.memref_slice %arg8[%add3A_89, %dma_start3A_91] : memref<40x80xi32, #tpu.memory_space<vmem>> -> memref<1x80xi32, #tpu.memory_space<vmem>>
        %dma_start3A_93 = tpu.memref_squeeze %dma_start3A_92 : memref<1x80xi32, #tpu.memory_space<vmem>> -> memref<80xi32, #tpu.memory_space<vmem>>
        %dma_start3A_94 = arith.constant 0 : i32
        %dma_start3A_95 = arith.constant 0 : i32
        %dma_start3A_96 = tpu.memref_slice %arg11[%dma_start3A_94, %dma_start3A_95] : memref<10240x128xf32, #tpu.memory_space<vmem_shared>> -> memref<10240x128xf32, #tpu.memory_space<vmem_shared>>
        tpu.enqueue_indirect_dma source(%arg10 : memref<80x128xf32, #tpu.memory_space<vmem>>) target(%dma_start3A_96 : memref<10240x128xf32, #tpu.memory_space<vmem_shared>>) offsets(%dma_start3A_93 : memref<80xi32, #tpu.memory_space<vmem>>) semaphore(%run_scoped3A_90 : memref<!tpu.dma_semaphore, #tpu.memory_space<semaphore_mem>>) {add = true}
        %dma_wait3A_97 = arith.constant 0 : i32
        %dma_wait3A_98 = tpu.memref_slice %arg8[%add3A_89, %dma_wait3A_97] : memref<40x80xi32, #tpu.memory_space<vmem>> -> memref<1x80xi32, #tpu.memory_space<vmem>>
        %dma_wait3A_99 = tpu.memref_squeeze %dma_wait3A_98 : memref<1x80xi32, #tpu.memory_space<vmem>> -> memref<80xi32, #tpu.memory_space<vmem>>
        %dma_wait3A_100 = arith.constant 0 : i32
        %dma_wait3A_101 = arith.constant 0 : i32
        %dma_wait3A_102 = tpu.memref_slice %arg11[%dma_wait3A_100, %dma_wait3A_101] : memref<10240x128xf32, #tpu.memory_space<vmem_shared>> -> memref<10240x128xf32, #tpu.memory_space<vmem_shared>>
        tpu.wait_indirect_dma semaphore(%run_scoped3A_90 : memref<!tpu.dma_semaphore, #tpu.memory_space<semaphore_mem>>) src(%arg10 : memref<80x128xf32, #tpu.memory_space<vmem>>) dst(%dma_wait3A_102 : memref<10240x128xf32, #tpu.memory_space<vmem_shared>>)
        tpu.yield
      }) : () -> ()
    }
    %scan3A_50 = arith.constant 2 : i32
    %dma_wait3A_51 = arith.constant 4 : i32
    %dma_wait3A_52 = arith.constant 0 : i32
    %dma_wait3A_53 = tpu.memref_slice %arg7[%dma_wait3A_51, %dma_wait3A_52] : memref<40x80xi32, #tpu.memory_space<vmem>> -> memref<1x80xi32, #tpu.memory_space<vmem>>
    %dma_wait3A_54 = tpu.memref_squeeze %dma_wait3A_53 : memref<1x80xi32, #tpu.memory_space<vmem>> -> memref<80xi32, #tpu.memory_space<vmem>>
    %dma_wait3A_55 = arith.constant 0 : i32
    %dma_wait3A_56 = arith.constant 0 : i32
    %dma_wait3A_57 = tpu.memref_slice %arg2[%dma_wait3A_55, %dma_wait3A_56] : memref<10240x128xf32, #tpu.memory_space<hbm>> -> memref<10240x128xf32, #tpu.memory_space<hbm>>
    tpu.wait_indirect_dma semaphore(%arg12 : memref<!tpu.dma_semaphore, #tpu.memory_space<semaphore_mem>>) src(%dma_wait3A_57 : memref<10240x128xf32, #tpu.memory_space<hbm>>) dst(%arg9 : memref<80x128xf32, #tpu.memory_space<vmem>>)
    %run_scoped3A = arith.constant 4 : i32
    "tpu.region"() ({
      %run_scoped3A_59 = tpu.sem_alloc : memref<!tpu.dma_semaphore, #tpu.memory_space<semaphore_mem>>
      %dma_start3A_60 = arith.constant 0 : i32
      %dma_start3A_61 = tpu.memref_slice %arg8[%run_scoped3A, %dma_start3A_60] : memref<40x80xi32, #tpu.memory_space<vmem>> -> memref<1x80xi32, #tpu.memory_space<vmem>>
      %dma_start3A_62 = tpu.memref_squeeze %dma_start3A_61 : memref<1x80xi32, #tpu.memory_space<vmem>> -> memref<80xi32, #tpu.memory_space<vmem>>
      %dma_start3A_63 = arith.constant 0 : i32
      %dma_start3A_64 = arith.constant 0 : i32
      %dma_start3A_65 = tpu.memref_slice %arg11[%dma_start3A_63, %dma_start3A_64] : memref<10240x128xf32, #tpu.memory_space<vmem_shared>> -> memref<10240x128xf32, #tpu.memory_space<vmem_shared>>
      tpu.enqueue_indirect_dma source(%arg9 : memref<80x128xf32, #tpu.memory_space<vmem>>) target(%dma_start3A_65 : memref<10240x128xf32, #tpu.memory_space<vmem_shared>>) offsets(%dma_start3A_62 : memref<80xi32, #tpu.memory_space<vmem>>) semaphore(%run_scoped3A_59 : memref<!tpu.dma_semaphore, #tpu.memory_space<semaphore_mem>>) {add = true}
      %dma_wait3A_66 = arith.constant 0 : i32
      %dma_wait3A_67 = tpu.memref_slice %arg8[%run_scoped3A, %dma_wait3A_66] : memref<40x80xi32, #tpu.memory_space<vmem>> -> memref<1x80xi32, #tpu.memory_space<vmem>>
      %dma_wait3A_68 = tpu.memref_squeeze %dma_wait3A_67 : memref<1x80xi32, #tpu.memory_space<vmem>> -> memref<80xi32, #tpu.memory_space<vmem>>
      %dma_wait3A_69 = arith.constant 0 : i32
      %dma_wait3A_70 = arith.constant 0 : i32
      %dma_wait3A_71 = tpu.memref_slice %arg11[%dma_wait3A_69, %dma_wait3A_70] : memref<10240x128xf32, #tpu.memory_space<vmem_shared>> -> memref<10240x128xf32, #tpu.memory_space<vmem_shared>>
      tpu.wait_indirect_dma semaphore(%run_scoped3A_59 : memref<!tpu.dma_semaphore, #tpu.memory_space<semaphore_mem>>) src(%arg9 : memref<80x128xf32, #tpu.memory_space<vmem>>) dst(%dma_wait3A_71 : memref<10240x128xf32, #tpu.memory_space<vmem_shared>>)
      tpu.yield
    }) : () -> ()
    %barrier3A_58 = arith.constant 0 : index
    tpu.barrier barrier_id(%barrier3A_58)
    "tpu.region"() ({
      %run_scoped3A_59 = tpu.sem_alloc : memref<!tpu.dma_semaphore, #tpu.memory_space<semaphore_mem>>
      %dma_start3A_60 = arith.constant 0 : i32
      %dma_start3A_61 = tpu.memref_slice %arg6[%arg0, %mul3A_2, %dma_start3A_60] : memref<2x10240x128xf32, #tpu.memory_space<hbm>> -> memref<1x640x128xf32, #tpu.memory_space<hbm>>
      %dma_start3A_62 = tpu.memref_squeeze %dma_start3A_61 : memref<1x640x128xf32, #tpu.memory_space<hbm>> -> memref<640x128xf32, #tpu.memory_space<hbm>>
      %dma_start3A_63 = arith.constant 0 : i32
      %dma_start3A_64 = tpu.memref_slice %arg11[%mul3A_2, %dma_start3A_63] : memref<10240x128xf32, #tpu.memory_space<vmem_shared>> -> memref<640x128xf32, #tpu.memory_space<vmem_shared>>
      tpu.enqueue_dma source(%dma_start3A_64 : memref<640x128xf32, #tpu.memory_space<vmem_shared>>) target(%dma_start3A_62 : memref<640x128xf32, #tpu.memory_space<hbm>>) target_semaphore(%run_scoped3A_59 : memref<!tpu.dma_semaphore, #tpu.memory_space<semaphore_mem>>)
      %dma_wait3A_65 = arith.constant 0 : i32
      %dma_wait3A_66 = tpu.memref_slice %arg6[%arg0, %mul3A_2, %dma_wait3A_65] : memref<2x10240x128xf32, #tpu.memory_space<hbm>> -> memref<1x640x128xf32, #tpu.memory_space<hbm>>
      %dma_wait3A_67 = tpu.memref_squeeze %dma_wait3A_66 : memref<1x640x128xf32, #tpu.memory_space<hbm>> -> memref<640x128xf32, #tpu.memory_space<hbm>>
      %dma_wait3A_68 = arith.constant 0 : i32
      %dma_wait3A_69 = tpu.memref_slice %arg11[%mul3A_2, %dma_wait3A_68] : memref<10240x128xf32, #tpu.memory_space<vmem_shared>> -> memref<640x128xf32, #tpu.memory_space<vmem_shared>>
      tpu.wait_dma2 semaphore(%run_scoped3A_59 : memref<!tpu.dma_semaphore, #tpu.memory_space<semaphore_mem>>) src(%dma_wait3A_69 : memref<640x128xf32, #tpu.memory_space<vmem_shared>>) dst(%dma_wait3A_67 : memref<640x128xf32, #tpu.memory_space<hbm>>)
      tpu.yield
    }) : () -> ()
    return
  }
}

#map = affine_map<(d0, d1) -> (0, 0)>
#map1 = affine_map<(d0, d1) -> (0, 0, 0)>
module attributes {stable_mosaic.version = 14 : i64} {
  func.func @_sc_scatter_body(%arg0: i32, %arg1: i32, %arg2: memref<10240x128xf32, #tpu.memory_space<hbm>>, %arg3: memref<32x125x80xi32, #tpu.memory_space<hbm>>, %arg4: memref<32x125x80xi32, #tpu.memory_space<hbm>>, %arg5: memref<10240x128xf32, #tpu.memory_space<hbm>>, %arg6: memref<2x10240x128xf32, #tpu.memory_space<hbm>>, %arg7: memref<40x80xi32, #tpu.memory_space<vmem>>, %arg8: memref<40x80xi32, #tpu.memory_space<vmem>>, %arg9: memref<80x128xf32, #tpu.memory_space<vmem>>, %arg10: memref<80x128xf32, #tpu.memory_space<vmem>>, %arg11: memref<10240x128xf32, #tpu.memory_space<vmem_shared>>, %arg12: memref<!tpu.dma_semaphore, #tpu.memory_space<semaphore_mem>>, %arg13: memref<!tpu.dma_semaphore, #tpu.memory_space<semaphore_mem>>, %arg14: memref<!tpu.dma_semaphore, #tpu.memory_space<semaphore_mem>>) attributes {dimension_semantics = [#tpu.dimension_semantics<core_parallel>, #tpu.dimension_semantics<subcore_parallel>], iteration_bounds = array<i64: 2, 16>, scalar_prefetch = 0 : i64, scratch_operands = 8 : i64, tpu.core_type = #tpu.core_type<sc_vector_subcore>, window_params = [{transform_indices = #map}, {transform_indices = #map1}, {transform_indices = #map1}, {transform_indices = #map}, {transform_indices = #map1}]} {
    %mul3A = arith.constant 16 : i32
    %mul3A_0 = arith.muli %arg0, %mul3A : i32
    %add3A = arith.addi %mul3A_0, %arg1 : i32
    %mul3A_1 = arith.constant 640 : i32
    %mul3A_2 = arith.muli %arg1, %mul3A_1 : i32
    %dma_start3A = arith.constant 0 : i32
    %dma_start3A_3 = arith.constant 0 : i32
    %dma_start3A_4 = tpu.memref_slice %arg3[%add3A, %dma_start3A, %dma_start3A_3] : memref<32x125x80xi32, #tpu.memory_space<hbm>> -> memref<1x40x80xi32, #tpu.memory_space<hbm>>
    %dma_start3A_5 = tpu.memref_squeeze %dma_start3A_4 : memref<1x40x80xi32, #tpu.memory_space<hbm>> -> memref<40x80xi32, #tpu.memory_space<hbm>>
    %dma_start3A_6 = arith.constant 0 : i32
    %dma_start3A_7 = arith.constant 0 : i32
    %dma_start3A_8 = tpu.memref_slice %arg3[%add3A, %dma_start3A_6, %dma_start3A_7] : memref<32x125x80xi32, #tpu.memory_space<hbm>> -> memref<1x40x80xi32, #tpu.memory_space<hbm>>
    %dma_start3A_9 = tpu.memref_squeeze %dma_start3A_8 : memref<1x40x80xi32, #tpu.memory_space<hbm>> -> memref<40x80xi32, #tpu.memory_space<hbm>>
    tpu.enqueue_dma source(%dma_start3A_9 : memref<40x80xi32, #tpu.memory_space<hbm>>) target(%arg7 : memref<40x80xi32, #tpu.memory_space<vmem>>) target_semaphore(%arg14 : memref<!tpu.dma_semaphore, #tpu.memory_space<semaphore_mem>>)
    %dma_start3A_10 = arith.constant 0 : i32
    %dma_start3A_11 = arith.constant 0 : i32
    %dma_start3A_12 = tpu.memref_slice %arg4[%add3A, %dma_start3A_10, %dma_start3A_11] : memref<32x125x80xi32, #tpu.memory_space<hbm>> -> memref<1x40x80xi32, #tpu.memory_space<hbm>>
    %dma_start3A_13 = tpu.memref_squeeze %dma_start3A_12 : memref<1x40x80xi32, #tpu.memory_space<hbm>> -> memref<40x80xi32, #tpu.memory_space<hbm>>
    %dma_start3A_14 = arith.constant 0 : i32
    %dma_start3A_15 = arith.constant 0 : i32
    %dma_start3A_16 = tpu.memref_slice %arg4[%add3A, %dma_start3A_14, %dma_start3A_15] : memref<32x125x80xi32, #tpu.memory_space<hbm>> -> memref<1x40x80xi32, #tpu.memory_space<hbm>>
    %dma_start3A_17 = tpu.memref_squeeze %dma_start3A_16 : memref<1x40x80xi32, #tpu.memory_space<hbm>> -> memref<40x80xi32, #tpu.memory_space<hbm>>
    tpu.enqueue_dma source(%dma_start3A_17 : memref<40x80xi32, #tpu.memory_space<hbm>>) target(%arg8 : memref<40x80xi32, #tpu.memory_space<vmem>>) target_semaphore(%arg14 : memref<!tpu.dma_semaphore, #tpu.memory_space<semaphore_mem>>)
    "tpu.region"() ({
      %run_scoped3A_59 = tpu.sem_alloc : memref<!tpu.dma_semaphore, #tpu.memory_space<semaphore_mem>>
      %dma_start3A_60 = arith.constant 0 : i32
      %dma_start3A_61 = tpu.memref_slice %arg11[%mul3A_2, %dma_start3A_60] : memref<10240x128xf32, #tpu.memory_space<vmem_shared>> -> memref<640x128xf32, #tpu.memory_space<vmem_shared>>
      %dma_start3A_62 = arith.constant 0 : i32
      %dma_start3A_63 = tpu.memref_slice %arg5[%mul3A_2, %dma_start3A_62] : memref<10240x128xf32, #tpu.memory_space<hbm>> -> memref<640x128xf32, #tpu.memory_space<hbm>>
      tpu.enqueue_dma source(%dma_start3A_63 : memref<640x128xf32, #tpu.memory_space<hbm>>) target(%dma_start3A_61 : memref<640x128xf32, #tpu.memory_space<vmem_shared>>) target_semaphore(%run_scoped3A_59 : memref<!tpu.dma_semaphore, #tpu.memory_space<semaphore_mem>>)
      %dma_wait3A_64 = arith.constant 0 : i32
      %dma_wait3A_65 = tpu.memref_slice %arg11[%mul3A_2, %dma_wait3A_64] : memref<10240x128xf32, #tpu.memory_space<vmem_shared>> -> memref<640x128xf32, #tpu.memory_space<vmem_shared>>
      %dma_wait3A_66 = arith.constant 0 : i32
      %dma_wait3A_67 = tpu.memref_slice %arg5[%mul3A_2, %dma_wait3A_66] : memref<10240x128xf32, #tpu.memory_space<hbm>> -> memref<640x128xf32, #tpu.memory_space<hbm>>
      tpu.wait_dma2 semaphore(%run_scoped3A_59 : memref<!tpu.dma_semaphore, #tpu.memory_space<semaphore_mem>>) src(%dma_wait3A_67 : memref<640x128xf32, #tpu.memory_space<hbm>>) dst(%dma_wait3A_65 : memref<640x128xf32, #tpu.memory_space<vmem_shared>>)
      tpu.yield
    }) : () -> ()
    %dma_wait3A = arith.constant 0 : i32
    %dma_wait3A_18 = arith.constant 0 : i32
    %dma_wait3A_19 = tpu.memref_slice %arg3[%add3A, %dma_wait3A, %dma_wait3A_18] : memref<32x125x80xi32, #tpu.memory_space<hbm>> -> memref<1x40x80xi32, #tpu.memory_space<hbm>>
    %dma_wait3A_20 = tpu.memref_squeeze %dma_wait3A_19 : memref<1x40x80xi32, #tpu.memory_space<hbm>> -> memref<40x80xi32, #tpu.memory_space<hbm>>
    %dma_wait3A_21 = arith.constant 0 : i32
    %dma_wait3A_22 = arith.constant 0 : i32
    %dma_wait3A_23 = tpu.memref_slice %arg3[%add3A, %dma_wait3A_21, %dma_wait3A_22] : memref<32x125x80xi32, #tpu.memory_space<hbm>> -> memref<1x40x80xi32, #tpu.memory_space<hbm>>
    %dma_wait3A_24 = tpu.memref_squeeze %dma_wait3A_23 : memref<1x40x80xi32, #tpu.memory_space<hbm>> -> memref<40x80xi32, #tpu.memory_space<hbm>>
    tpu.wait_dma2 semaphore(%arg14 : memref<!tpu.dma_semaphore, #tpu.memory_space<semaphore_mem>>) src(%dma_wait3A_24 : memref<40x80xi32, #tpu.memory_space<hbm>>) dst(%arg7 : memref<40x80xi32, #tpu.memory_space<vmem>>)
    %dma_wait3A_25 = arith.constant 0 : i32
    %dma_wait3A_26 = arith.constant 0 : i32
    %dma_wait3A_27 = tpu.memref_slice %arg4[%add3A, %dma_wait3A_25, %dma_wait3A_26] : memref<32x125x80xi32, #tpu.memory_space<hbm>> -> memref<1x40x80xi32, #tpu.memory_space<hbm>>
    %dma_wait3A_28 = tpu.memref_squeeze %dma_wait3A_27 : memref<1x40x80xi32, #tpu.memory_space<hbm>> -> memref<40x80xi32, #tpu.memory_space<hbm>>
    %dma_wait3A_29 = arith.constant 0 : i32
    %dma_wait3A_30 = arith.constant 0 : i32
    %dma_wait3A_31 = tpu.memref_slice %arg4[%add3A, %dma_wait3A_29, %dma_wait3A_30] : memref<32x125x80xi32, #tpu.memory_space<hbm>> -> memref<1x40x80xi32, #tpu.memory_space<hbm>>
    %dma_wait3A_32 = tpu.memref_squeeze %dma_wait3A_31 : memref<1x40x80xi32, #tpu.memory_space<hbm>> -> memref<40x80xi32, #tpu.memory_space<hbm>>
    tpu.wait_dma2 semaphore(%arg14 : memref<!tpu.dma_semaphore, #tpu.memory_space<semaphore_mem>>) src(%dma_wait3A_32 : memref<40x80xi32, #tpu.memory_space<hbm>>) dst(%arg8 : memref<40x80xi32, #tpu.memory_space<vmem>>)
    %barrier3A = arith.constant 0 : index
    tpu.barrier barrier_id(%barrier3A)
    %scan3A = arith.constant 0 : i32
    %scan3A_33 = arith.constant 0 : i32
    %scan3A_34 = arith.constant 3 : i32
    %scan3A_35 = arith.addi %scan3A_33, %scan3A_34 : i32
    %scan3A_36 = arith.constant 1 : i32
    scf.for %scan3A_59 = %scan3A_33 to %scan3A_35 step %scan3A_36  : i32 {
      %dma_start3A_60 = arith.constant 0 : i32
      %dma_start3A_61 = arith.constant 0 : i32
      %dma_start3A_62 = tpu.memref_slice %arg7[%dma_start3A_60, %dma_start3A_61] : memref<40x80xi32, #tpu.memory_space<vmem>> -> memref<1x80xi32, #tpu.memory_space<vmem>>
      %dma_start3A_63 = tpu.memref_squeeze %dma_start3A_62 : memref<1x80xi32, #tpu.memory_space<vmem>> -> memref<80xi32, #tpu.memory_space<vmem>>
      %dma_start3A_64 = arith.constant 0 : i32
      %dma_start3A_65 = arith.constant 0 : i32
      %dma_start3A_66 = tpu.memref_slice %arg2[%dma_start3A_64, %dma_start3A_65] : memref<10240x128xf32, #tpu.memory_space<hbm>> -> memref<10240x128xf32, #tpu.memory_space<hbm>>
      tpu.enqueue_indirect_dma source(%dma_start3A_66 : memref<10240x128xf32, #tpu.memory_space<hbm>>) target(%arg9 : memref<80x128xf32, #tpu.memory_space<vmem>>) offsets(%dma_start3A_63 : memref<80xi32, #tpu.memory_space<vmem>>) semaphore(%arg12 : memref<!tpu.dma_semaphore, #tpu.memory_space<semaphore_mem>>)
      %scan3A_67 = arith.constant 0 : i32
      %scan3A_68 = arith.constant 0 : i32
      %scan3A_69 = arith.constant 20 : i32
      %scan3A_70 = arith.addi %scan3A_68, %scan3A_69 : i32
      %scan3A_71 = arith.constant 1 : i32
      scf.for %scan3A_77 = %scan3A_68 to %scan3A_70 step %scan3A_71  : i32 {
        %mul3A_78 = arith.constant 2 : i32
        %mul3A_79 = arith.muli %mul3A_78, %scan3A_77 : i32
        %add3A_80 = arith.constant 1 : i32
        %add3A_81 = arith.addi %mul3A_79, %add3A_80 : i32
        %dma_start3A_82 = arith.constant 0 : i32
        %dma_start3A_83 = tpu.memref_slice %arg7[%add3A_81, %dma_start3A_82] : memref<40x80xi32, #tpu.memory_space<vmem>> -> memref<1x80xi32, #tpu.memory_space<vmem>>
        %dma_start3A_84 = tpu.memref_squeeze %dma_start3A_83 : memref<1x80xi32, #tpu.memory_space<vmem>> -> memref<80xi32, #tpu.memory_space<vmem>>
        %dma_start3A_85 = arith.constant 0 : i32
        %dma_start3A_86 = arith.constant 0 : i32
        %dma_start3A_87 = tpu.memref_slice %arg2[%dma_start3A_85, %dma_start3A_86] : memref<10240x128xf32, #tpu.memory_space<hbm>> -> memref<10240x128xf32, #tpu.memory_space<hbm>>
        tpu.enqueue_indirect_dma source(%dma_start3A_87 : memref<10240x128xf32, #tpu.memory_space<hbm>>) target(%arg10 : memref<80x128xf32, #tpu.memory_space<vmem>>) offsets(%dma_start3A_84 : memref<80xi32, #tpu.memory_space<vmem>>) semaphore(%arg13 : memref<!tpu.dma_semaphore, #tpu.memory_space<semaphore_mem>>)
        %dma_wait3A_88 = arith.constant 0 : i32
        %dma_wait3A_89 = tpu.memref_slice %arg7[%mul3A_79, %dma_wait3A_88] : memref<40x80xi32, #tpu.memory_space<vmem>> -> memref<1x80xi32, #tpu.memory_space<vmem>>
        %dma_wait3A_90 = tpu.memref_squeeze %dma_wait3A_89 : memref<1x80xi32, #tpu.memory_space<vmem>> -> memref<80xi32, #tpu.memory_space<vmem>>
        %dma_wait3A_91 = arith.constant 0 : i32
        %dma_wait3A_92 = arith.constant 0 : i32
        %dma_wait3A_93 = tpu.memref_slice %arg2[%dma_wait3A_91, %dma_wait3A_92] : memref<10240x128xf32, #tpu.memory_space<hbm>> -> memref<10240x128xf32, #tpu.memory_space<hbm>>
        tpu.wait_indirect_dma semaphore(%arg12 : memref<!tpu.dma_semaphore, #tpu.memory_space<semaphore_mem>>) src(%dma_wait3A_93 : memref<10240x128xf32, #tpu.memory_space<hbm>>) dst(%arg9 : memref<80x128xf32, #tpu.memory_space<vmem>>)
        "tpu.region"() ({
          %run_scoped3A_111 = tpu.sem_alloc : memref<!tpu.dma_semaphore, #tpu.memory_space<semaphore_mem>>
          %dma_start3A_112 = arith.constant 0 : i32
          %dma_start3A_113 = tpu.memref_slice %arg8[%mul3A_79, %dma_start3A_112] : memref<40x80xi32, #tpu.memory_space<vmem>> -> memref<1x80xi32, #tpu.memory_space<vmem>>
          %dma_start3A_114 = tpu.memref_squeeze %dma_start3A_113 : memref<1x80xi32, #tpu.memory_space<vmem>> -> memref<80xi32, #tpu.memory_space<vmem>>
          %dma_start3A_115 = arith.constant 0 : i32
          %dma_start3A_116 = arith.constant 0 : i32
          %dma_start3A_117 = tpu.memref_slice %arg11[%dma_start3A_115, %dma_start3A_116] : memref<10240x128xf32, #tpu.memory_space<vmem_shared>> -> memref<10240x128xf32, #tpu.memory_space<vmem_shared>>
          tpu.enqueue_indirect_dma source(%arg9 : memref<80x128xf32, #tpu.memory_space<vmem>>) target(%dma_start3A_117 : memref<10240x128xf32, #tpu.memory_space<vmem_shared>>) offsets(%dma_start3A_114 : memref<80xi32, #tpu.memory_space<vmem>>) semaphore(%run_scoped3A_111 : memref<!tpu.dma_semaphore, #tpu.memory_space<semaphore_mem>>) {add = true}
          %dma_wait3A_118 = arith.constant 0 : i32
          %dma_wait3A_119 = tpu.memref_slice %arg8[%mul3A_79, %dma_wait3A_118] : memref<40x80xi32, #tpu.memory_space<vmem>> -> memref<1x80xi32, #tpu.memory_space<vmem>>
          %dma_wait3A_120 = tpu.memref_squeeze %dma_wait3A_119 : memref<1x80xi32, #tpu.memory_space<vmem>> -> memref<80xi32, #tpu.memory_space<vmem>>
          %dma_wait3A_121 = arith.constant 0 : i32
          %dma_wait3A_122 = arith.constant 0 : i32
          %dma_wait3A_123 = tpu.memref_slice %arg11[%dma_wait3A_121, %dma_wait3A_122] : memref<10240x128xf32, #tpu.memory_space<vmem_shared>> -> memref<10240x128xf32, #tpu.memory_space<vmem_shared>>
          tpu.wait_indirect_dma semaphore(%run_scoped3A_111 : memref<!tpu.dma_semaphore, #tpu.memory_space<semaphore_mem>>) src(%arg9 : memref<80x128xf32, #tpu.memory_space<vmem>>) dst(%dma_wait3A_123 : memref<10240x128xf32, #tpu.memory_space<vmem_shared>>)
          tpu.yield
        }) : () -> ()
        %add3A_94 = arith.constant 2 : i32
        %add3A_95 = arith.addi %mul3A_79, %add3A_94 : i32
        %lt3A_96 = arith.constant 40 : i32
        %lt3A_97 = arith.cmpi slt, %add3A_95, %lt3A_96 : i32
        %convert_element_type3A_98 = arith.extui %lt3A_97 : i1 to i32
        %cond3A_99 = arith.constant 0 : i32
        %cond3A_100 = arith.cmpi ne, %convert_element_type3A_98, %cond3A_99 : i32
        scf.if %cond3A_100 {
          %add3A_111 = arith.constant 2 : i32
          %add3A_112 = arith.addi %mul3A_79, %add3A_111 : i32
          %dma_start3A_113 = arith.constant 0 : i32
          %dma_start3A_114 = tpu.memref_slice %arg7[%add3A_112, %dma_start3A_113] : memref<40x80xi32, #tpu.memory_space<vmem>> -> memref<1x80xi32, #tpu.memory_space<vmem>>
          %dma_start3A_115 = tpu.memref_squeeze %dma_start3A_114 : memref<1x80xi32, #tpu.memory_space<vmem>> -> memref<80xi32, #tpu.memory_space<vmem>>
          %dma_start3A_116 = arith.constant 0 : i32
          %dma_start3A_117 = arith.constant 0 : i32
          %dma_start3A_118 = tpu.memref_slice %arg2[%dma_start3A_116, %dma_start3A_117] : memref<10240x128xf32, #tpu.memory_space<hbm>> -> memref<10240x128xf32, #tpu.memory_space<hbm>>
          tpu.enqueue_indirect_dma source(%dma_start3A_118 : memref<10240x128xf32, #tpu.memory_space<hbm>>) target(%arg9 : memref<80x128xf32, #tpu.memory_space<vmem>>) offsets(%dma_start3A_115 : memref<80xi32, #tpu.memory_space<vmem>>) semaphore(%arg12 : memref<!tpu.dma_semaphore, #tpu.memory_space<semaphore_mem>>)
        } else {
        }
        %add3A_101 = arith.constant 1 : i32
        %add3A_102 = arith.addi %mul3A_79, %add3A_101 : i32
        %dma_wait3A_103 = arith.constant 0 : i32
        %dma_wait3A_104 = tpu.memref_slice %arg7[%add3A_102, %dma_wait3A_103] : memref<40x80xi32, #tpu.memory_space<vmem>> -> memref<1x80xi32, #tpu.memory_space<vmem>>
        %dma_wait3A_105 = tpu.memref_squeeze %dma_wait3A_104 : memref<1x80xi32, #tpu.memory_space<vmem>> -> memref<80xi32, #tpu.memory_space<vmem>>
        %dma_wait3A_106 = arith.constant 0 : i32
        %dma_wait3A_107 = arith.constant 0 : i32
        %dma_wait3A_108 = tpu.memref_slice %arg2[%dma_wait3A_106, %dma_wait3A_107] : memref<10240x128xf32, #tpu.memory_space<hbm>> -> memref<10240x128xf32, #tpu.memory_space<hbm>>
        tpu.wait_indirect_dma semaphore(%arg13 : memref<!tpu.dma_semaphore, #tpu.memory_space<semaphore_mem>>) src(%dma_wait3A_108 : memref<10240x128xf32, #tpu.memory_space<hbm>>) dst(%arg10 : memref<80x128xf32, #tpu.memory_space<vmem>>)
        %add3A_109 = arith.constant 1 : i32
        %add3A_110 = arith.addi %mul3A_79, %add3A_109 : i32
        "tpu.region"() ({
          %run_scoped3A_111 = tpu.sem_alloc : memref<!tpu.dma_semaphore, #tpu.memory_space<semaphore_mem>>
          %dma_start3A_112 = arith.constant 0 : i32
          %dma_start3A_113 = tpu.memref_slice %arg8[%add3A_110, %dma_start3A_112] : memref<40x80xi32, #tpu.memory_space<vmem>> -> memref<1x80xi32, #tpu.memory_space<vmem>>
          %dma_start3A_114 = tpu.memref_squeeze %dma_start3A_113 : memref<1x80xi32, #tpu.memory_space<vmem>> -> memref<80xi32, #tpu.memory_space<vmem>>
          %dma_start3A_115 = arith.constant 0 : i32
          %dma_start3A_116 = arith.constant 0 : i32
          %dma_start3A_117 = tpu.memref_slice %arg11[%dma_start3A_115, %dma_start3A_116] : memref<10240x128xf32, #tpu.memory_space<vmem_shared>> -> memref<10240x128xf32, #tpu.memory_space<vmem_shared>>
          tpu.enqueue_indirect_dma source(%arg10 : memref<80x128xf32, #tpu.memory_space<vmem>>) target(%dma_start3A_117 : memref<10240x128xf32, #tpu.memory_space<vmem_shared>>) offsets(%dma_start3A_114 : memref<80xi32, #tpu.memory_space<vmem>>) semaphore(%run_scoped3A_111 : memref<!tpu.dma_semaphore, #tpu.memory_space<semaphore_mem>>) {add = true}
          %dma_wait3A_118 = arith.constant 0 : i32
          %dma_wait3A_119 = tpu.memref_slice %arg8[%add3A_110, %dma_wait3A_118] : memref<40x80xi32, #tpu.memory_space<vmem>> -> memref<1x80xi32, #tpu.memory_space<vmem>>
          %dma_wait3A_120 = tpu.memref_squeeze %dma_wait3A_119 : memref<1x80xi32, #tpu.memory_space<vmem>> -> memref<80xi32, #tpu.memory_space<vmem>>
          %dma_wait3A_121 = arith.constant 0 : i32
          %dma_wait3A_122 = arith.constant 0 : i32
          %dma_wait3A_123 = tpu.memref_slice %arg11[%dma_wait3A_121, %dma_wait3A_122] : memref<10240x128xf32, #tpu.memory_space<vmem_shared>> -> memref<10240x128xf32, #tpu.memory_space<vmem_shared>>
          tpu.wait_indirect_dma semaphore(%run_scoped3A_111 : memref<!tpu.dma_semaphore, #tpu.memory_space<semaphore_mem>>) src(%arg10 : memref<80x128xf32, #tpu.memory_space<vmem>>) dst(%dma_wait3A_123 : memref<10240x128xf32, #tpu.memory_space<vmem_shared>>)
          tpu.yield
        }) : () -> ()
      }
      %scan3A_72 = arith.constant 20 : i32
      %add3A_73 = arith.constant 1 : i32
      %add3A_74 = arith.addi %scan3A_59, %add3A_73 : i32
      %lt3A = arith.constant 3 : i32
      %lt3A_75 = arith.cmpi slt, %add3A_74, %lt3A : i32
      %convert_element_type3A = arith.extui %lt3A_75 : i1 to i32
      %cond3A = arith.constant 0 : i32
      %cond3A_76 = arith.cmpi ne, %convert_element_type3A, %cond3A : i32
      scf.if %cond3A_76 {
        %add3A_77 = arith.constant 1 : i32
        %add3A_78 = arith.addi %scan3A_59, %add3A_77 : i32
        %mul3A_79 = arith.constant 40 : i32
        %mul3A_80 = arith.muli %add3A_78, %mul3A_79 : i32
        %multiple_of3A = tpu.assume_multiple %mul3A_80, 40 : i32
        "tpu.region"() ({
          %run_scoped3A_81 = tpu.sem_alloc : memref<!tpu.dma_semaphore, #tpu.memory_space<semaphore_mem>>
          %dma_start3A_82 = arith.constant 0 : i32
          %dma_start3A_83 = tpu.memref_slice %arg3[%add3A, %multiple_of3A, %dma_start3A_82] : memref<32x125x80xi32, #tpu.memory_space<hbm>> -> memref<1x40x80xi32, #tpu.memory_space<hbm>>
          %dma_start3A_84 = tpu.memref_squeeze %dma_start3A_83 : memref<1x40x80xi32, #tpu.memory_space<hbm>> -> memref<40x80xi32, #tpu.memory_space<hbm>>
          %dma_start3A_85 = arith.constant 0 : i32
          %dma_start3A_86 = tpu.memref_slice %arg3[%add3A, %multiple_of3A, %dma_start3A_85] : memref<32x125x80xi32, #tpu.memory_space<hbm>> -> memref<1x40x80xi32, #tpu.memory_space<hbm>>
          %dma_start3A_87 = tpu.memref_squeeze %dma_start3A_86 : memref<1x40x80xi32, #tpu.memory_space<hbm>> -> memref<40x80xi32, #tpu.memory_space<hbm>>
          tpu.enqueue_dma source(%dma_start3A_87 : memref<40x80xi32, #tpu.memory_space<hbm>>) target(%arg7 : memref<40x80xi32, #tpu.memory_space<vmem>>) target_semaphore(%run_scoped3A_81 : memref<!tpu.dma_semaphore, #tpu.memory_space<semaphore_mem>>)
          %dma_wait3A_88 = arith.constant 0 : i32
          %dma_wait3A_89 = tpu.memref_slice %arg3[%add3A, %multiple_of3A, %dma_wait3A_88] : memref<32x125x80xi32, #tpu.memory_space<hbm>> -> memref<1x40x80xi32, #tpu.memory_space<hbm>>
          %dma_wait3A_90 = tpu.memref_squeeze %dma_wait3A_89 : memref<1x40x80xi32, #tpu.memory_space<hbm>> -> memref<40x80xi32, #tpu.memory_space<hbm>>
          %dma_wait3A_91 = arith.constant 0 : i32
          %dma_wait3A_92 = tpu.memref_slice %arg3[%add3A, %multiple_of3A, %dma_wait3A_91] : memref<32x125x80xi32, #tpu.memory_space<hbm>> -> memref<1x40x80xi32, #tpu.memory_space<hbm>>
          %dma_wait3A_93 = tpu.memref_squeeze %dma_wait3A_92 : memref<1x40x80xi32, #tpu.memory_space<hbm>> -> memref<40x80xi32, #tpu.memory_space<hbm>>
          tpu.wait_dma2 semaphore(%run_scoped3A_81 : memref<!tpu.dma_semaphore, #tpu.memory_space<semaphore_mem>>) src(%dma_wait3A_93 : memref<40x80xi32, #tpu.memory_space<hbm>>) dst(%arg7 : memref<40x80xi32, #tpu.memory_space<vmem>>)
          tpu.yield
        }) : () -> ()
        "tpu.region"() ({
          %run_scoped3A_81 = tpu.sem_alloc : memref<!tpu.dma_semaphore, #tpu.memory_space<semaphore_mem>>
          %dma_start3A_82 = arith.constant 0 : i32
          %dma_start3A_83 = tpu.memref_slice %arg4[%add3A, %multiple_of3A, %dma_start3A_82] : memref<32x125x80xi32, #tpu.memory_space<hbm>> -> memref<1x40x80xi32, #tpu.memory_space<hbm>>
          %dma_start3A_84 = tpu.memref_squeeze %dma_start3A_83 : memref<1x40x80xi32, #tpu.memory_space<hbm>> -> memref<40x80xi32, #tpu.memory_space<hbm>>
          %dma_start3A_85 = arith.constant 0 : i32
          %dma_start3A_86 = tpu.memref_slice %arg4[%add3A, %multiple_of3A, %dma_start3A_85] : memref<32x125x80xi32, #tpu.memory_space<hbm>> -> memref<1x40x80xi32, #tpu.memory_space<hbm>>
          %dma_start3A_87 = tpu.memref_squeeze %dma_start3A_86 : memref<1x40x80xi32, #tpu.memory_space<hbm>> -> memref<40x80xi32, #tpu.memory_space<hbm>>
          tpu.enqueue_dma source(%dma_start3A_87 : memref<40x80xi32, #tpu.memory_space<hbm>>) target(%arg8 : memref<40x80xi32, #tpu.memory_space<vmem>>) target_semaphore(%run_scoped3A_81 : memref<!tpu.dma_semaphore, #tpu.memory_space<semaphore_mem>>)
          %dma_wait3A_88 = arith.constant 0 : i32
          %dma_wait3A_89 = tpu.memref_slice %arg4[%add3A, %multiple_of3A, %dma_wait3A_88] : memref<32x125x80xi32, #tpu.memory_space<hbm>> -> memref<1x40x80xi32, #tpu.memory_space<hbm>>
          %dma_wait3A_90 = tpu.memref_squeeze %dma_wait3A_89 : memref<1x40x80xi32, #tpu.memory_space<hbm>> -> memref<40x80xi32, #tpu.memory_space<hbm>>
          %dma_wait3A_91 = arith.constant 0 : i32
          %dma_wait3A_92 = tpu.memref_slice %arg4[%add3A, %multiple_of3A, %dma_wait3A_91] : memref<32x125x80xi32, #tpu.memory_space<hbm>> -> memref<1x40x80xi32, #tpu.memory_space<hbm>>
          %dma_wait3A_93 = tpu.memref_squeeze %dma_wait3A_92 : memref<1x40x80xi32, #tpu.memory_space<hbm>> -> memref<40x80xi32, #tpu.memory_space<hbm>>
          tpu.wait_dma2 semaphore(%run_scoped3A_81 : memref<!tpu.dma_semaphore, #tpu.memory_space<semaphore_mem>>) src(%dma_wait3A_93 : memref<40x80xi32, #tpu.memory_space<hbm>>) dst(%arg8 : memref<40x80xi32, #tpu.memory_space<vmem>>)
          tpu.yield
        }) : () -> ()
      } else {
      }
    }
    %scan3A_37 = arith.constant 3 : i32
    "tpu.region"() ({
      %run_scoped3A_59 = tpu.sem_alloc : memref<!tpu.dma_semaphore, #tpu.memory_space<semaphore_mem>>
      %dma_start3A_60 = arith.constant 0 : i32
      %dma_start3A_61 = arith.constant 0 : i32
      %dma_start3A_62 = tpu.memref_slice %arg7[%dma_start3A_60, %dma_start3A_61] : memref<40x80xi32, #tpu.memory_space<vmem>> -> memref<5x80xi32, #tpu.memory_space<vmem>>
      %dma_start3A_63 = arith.constant 120 : i32
      %dma_start3A_64 = arith.constant 0 : i32
      %dma_start3A_65 = tpu.memref_slice %arg3[%add3A, %dma_start3A_63, %dma_start3A_64] : memref<32x125x80xi32, #tpu.memory_space<hbm>> -> memref<1x5x80xi32, #tpu.memory_space<hbm>>
      %dma_start3A_66 = tpu.memref_squeeze %dma_start3A_65 : memref<1x5x80xi32, #tpu.memory_space<hbm>> -> memref<5x80xi32, #tpu.memory_space<hbm>>
      %dma_start3A_67 = arith.constant 0 : i32
      %dma_start3A_68 = arith.constant 0 : i32
      %dma_start3A_69 = tpu.memref_slice %arg7[%dma_start3A_67, %dma_start3A_68] : memref<40x80xi32, #tpu.memory_space<vmem>> -> memref<5x80xi32, #tpu.memory_space<vmem>>
      %dma_start3A_70 = arith.constant 120 : i32
      %dma_start3A_71 = arith.constant 0 : i32
      %dma_start3A_72 = tpu.memref_slice %arg3[%add3A, %dma_start3A_70, %dma_start3A_71] : memref<32x125x80xi32, #tpu.memory_space<hbm>> -> memref<1x5x80xi32, #tpu.memory_space<hbm>>
      %dma_start3A_73 = tpu.memref_squeeze %dma_start3A_72 : memref<1x5x80xi32, #tpu.memory_space<hbm>> -> memref<5x80xi32, #tpu.memory_space<hbm>>
      tpu.enqueue_dma source(%dma_start3A_73 : memref<5x80xi32, #tpu.memory_space<hbm>>) target(%dma_start3A_69 : memref<5x80xi32, #tpu.memory_space<vmem>>) target_semaphore(%run_scoped3A_59 : memref<!tpu.dma_semaphore, #tpu.memory_space<semaphore_mem>>)
      %dma_wait3A_74 = arith.constant 0 : i32
      %dma_wait3A_75 = arith.constant 0 : i32
      %dma_wait3A_76 = tpu.memref_slice %arg7[%dma_wait3A_74, %dma_wait3A_75] : memref<40x80xi32, #tpu.memory_space<vmem>> -> memref<5x80xi32, #tpu.memory_space<vmem>>
      %dma_wait3A_77 = arith.constant 120 : i32
      %dma_wait3A_78 = arith.constant 0 : i32
      %dma_wait3A_79 = tpu.memref_slice %arg3[%add3A, %dma_wait3A_77, %dma_wait3A_78] : memref<32x125x80xi32, #tpu.memory_space<hbm>> -> memref<1x5x80xi32, #tpu.memory_space<hbm>>
      %dma_wait3A_80 = tpu.memref_squeeze %dma_wait3A_79 : memref<1x5x80xi32, #tpu.memory_space<hbm>> -> memref<5x80xi32, #tpu.memory_space<hbm>>
      %dma_wait3A_81 = arith.constant 0 : i32
      %dma_wait3A_82 = arith.constant 0 : i32
      %dma_wait3A_83 = tpu.memref_slice %arg7[%dma_wait3A_81, %dma_wait3A_82] : memref<40x80xi32, #tpu.memory_space<vmem>> -> memref<5x80xi32, #tpu.memory_space<vmem>>
      %dma_wait3A_84 = arith.constant 120 : i32
      %dma_wait3A_85 = arith.constant 0 : i32
      %dma_wait3A_86 = tpu.memref_slice %arg3[%add3A, %dma_wait3A_84, %dma_wait3A_85] : memref<32x125x80xi32, #tpu.memory_space<hbm>> -> memref<1x5x80xi32, #tpu.memory_space<hbm>>
      %dma_wait3A_87 = tpu.memref_squeeze %dma_wait3A_86 : memref<1x5x80xi32, #tpu.memory_space<hbm>> -> memref<5x80xi32, #tpu.memory_space<hbm>>
      tpu.wait_dma2 semaphore(%run_scoped3A_59 : memref<!tpu.dma_semaphore, #tpu.memory_space<semaphore_mem>>) src(%dma_wait3A_87 : memref<5x80xi32, #tpu.memory_space<hbm>>) dst(%dma_wait3A_83 : memref<5x80xi32, #tpu.memory_space<vmem>>)
      tpu.yield
    }) : () -> ()
    "tpu.region"() ({
      %run_scoped3A_59 = tpu.sem_alloc : memref<!tpu.dma_semaphore, #tpu.memory_space<semaphore_mem>>
      %dma_start3A_60 = arith.constant 0 : i32
      %dma_start3A_61 = arith.constant 0 : i32
      %dma_start3A_62 = tpu.memref_slice %arg8[%dma_start3A_60, %dma_start3A_61] : memref<40x80xi32, #tpu.memory_space<vmem>> -> memref<5x80xi32, #tpu.memory_space<vmem>>
      %dma_start3A_63 = arith.constant 120 : i32
      %dma_start3A_64 = arith.constant 0 : i32
      %dma_start3A_65 = tpu.memref_slice %arg4[%add3A, %dma_start3A_63, %dma_start3A_64] : memref<32x125x80xi32, #tpu.memory_space<hbm>> -> memref<1x5x80xi32, #tpu.memory_space<hbm>>
      %dma_start3A_66 = tpu.memref_squeeze %dma_start3A_65 : memref<1x5x80xi32, #tpu.memory_space<hbm>> -> memref<5x80xi32, #tpu.memory_space<hbm>>
      %dma_start3A_67 = arith.constant 0 : i32
      %dma_start3A_68 = arith.constant 0 : i32
      %dma_start3A_69 = tpu.memref_slice %arg8[%dma_start3A_67, %dma_start3A_68] : memref<40x80xi32, #tpu.memory_space<vmem>> -> memref<5x80xi32, #tpu.memory_space<vmem>>
      %dma_start3A_70 = arith.constant 120 : i32
      %dma_start3A_71 = arith.constant 0 : i32
      %dma_start3A_72 = tpu.memref_slice %arg4[%add3A, %dma_start3A_70, %dma_start3A_71] : memref<32x125x80xi32, #tpu.memory_space<hbm>> -> memref<1x5x80xi32, #tpu.memory_space<hbm>>
      %dma_start3A_73 = tpu.memref_squeeze %dma_start3A_72 : memref<1x5x80xi32, #tpu.memory_space<hbm>> -> memref<5x80xi32, #tpu.memory_space<hbm>>
      tpu.enqueue_dma source(%dma_start3A_73 : memref<5x80xi32, #tpu.memory_space<hbm>>) target(%dma_start3A_69 : memref<5x80xi32, #tpu.memory_space<vmem>>) target_semaphore(%run_scoped3A_59 : memref<!tpu.dma_semaphore, #tpu.memory_space<semaphore_mem>>)
      %dma_wait3A_74 = arith.constant 0 : i32
      %dma_wait3A_75 = arith.constant 0 : i32
      %dma_wait3A_76 = tpu.memref_slice %arg8[%dma_wait3A_74, %dma_wait3A_75] : memref<40x80xi32, #tpu.memory_space<vmem>> -> memref<5x80xi32, #tpu.memory_space<vmem>>
      %dma_wait3A_77 = arith.constant 120 : i32
      %dma_wait3A_78 = arith.constant 0 : i32
      %dma_wait3A_79 = tpu.memref_slice %arg4[%add3A, %dma_wait3A_77, %dma_wait3A_78] : memref<32x125x80xi32, #tpu.memory_space<hbm>> -> memref<1x5x80xi32, #tpu.memory_space<hbm>>
      %dma_wait3A_80 = tpu.memref_squeeze %dma_wait3A_79 : memref<1x5x80xi32, #tpu.memory_space<hbm>> -> memref<5x80xi32, #tpu.memory_space<hbm>>
      %dma_wait3A_81 = arith.constant 0 : i32
      %dma_wait3A_82 = arith.constant 0 : i32
      %dma_wait3A_83 = tpu.memref_slice %arg8[%dma_wait3A_81, %dma_wait3A_82] : memref<40x80xi32, #tpu.memory_space<vmem>> -> memref<5x80xi32, #tpu.memory_space<vmem>>
      %dma_wait3A_84 = arith.constant 120 : i32
      %dma_wait3A_85 = arith.constant 0 : i32
      %dma_wait3A_86 = tpu.memref_slice %arg4[%add3A, %dma_wait3A_84, %dma_wait3A_85] : memref<32x125x80xi32, #tpu.memory_space<hbm>> -> memref<1x5x80xi32, #tpu.memory_space<hbm>>
      %dma_wait3A_87 = tpu.memref_squeeze %dma_wait3A_86 : memref<1x5x80xi32, #tpu.memory_space<hbm>> -> memref<5x80xi32, #tpu.memory_space<hbm>>
      tpu.wait_dma2 semaphore(%run_scoped3A_59 : memref<!tpu.dma_semaphore, #tpu.memory_space<semaphore_mem>>) src(%dma_wait3A_87 : memref<5x80xi32, #tpu.memory_space<hbm>>) dst(%dma_wait3A_83 : memref<5x80xi32, #tpu.memory_space<vmem>>)
      tpu.yield
    }) : () -> ()
    %dma_start3A_38 = arith.constant 0 : i32
    %dma_start3A_39 = arith.constant 0 : i32
    %dma_start3A_40 = tpu.memref_slice %arg7[%dma_start3A_38, %dma_start3A_39] : memref<40x80xi32, #tpu.memory_space<vmem>> -> memref<1x80xi32, #tpu.memory_space<vmem>>
    %dma_start3A_41 = tpu.memref_squeeze %dma_start3A_40 : memref<1x80xi32, #tpu.memory_space<vmem>> -> memref<80xi32, #tpu.memory_space<vmem>>
    %dma_start3A_42 = arith.constant 0 : i32
    %dma_start3A_43 = arith.constant 0 : i32
    %dma_start3A_44 = tpu.memref_slice %arg2[%dma_start3A_42, %dma_start3A_43] : memref<10240x128xf32, #tpu.memory_space<hbm>> -> memref<10240x128xf32, #tpu.memory_space<hbm>>
    tpu.enqueue_indirect_dma source(%dma_start3A_44 : memref<10240x128xf32, #tpu.memory_space<hbm>>) target(%arg9 : memref<80x128xf32, #tpu.memory_space<vmem>>) offsets(%dma_start3A_41 : memref<80xi32, #tpu.memory_space<vmem>>) semaphore(%arg12 : memref<!tpu.dma_semaphore, #tpu.memory_space<semaphore_mem>>)
    %scan3A_45 = arith.constant 0 : i32
    %scan3A_46 = arith.constant 0 : i32
    %scan3A_47 = arith.constant 2 : i32
    %scan3A_48 = arith.addi %scan3A_46, %scan3A_47 : i32
    %scan3A_49 = arith.constant 1 : i32
    scf.for %scan3A_59 = %scan3A_46 to %scan3A_48 step %scan3A_49  : i32 {
      %mul3A_60 = arith.constant 2 : i32
      %mul3A_61 = arith.muli %mul3A_60, %scan3A_59 : i32
      %add3A_62 = arith.constant 1 : i32
      %add3A_63 = arith.addi %mul3A_61, %add3A_62 : i32
      %dma_start3A_64 = arith.constant 0 : i32
      %dma_start3A_65 = tpu.memref_slice %arg7[%add3A_63, %dma_start3A_64] : memref<40x80xi32, #tpu.memory_space<vmem>> -> memref<1x80xi32, #tpu.memory_space<vmem>>
      %dma_start3A_66 = tpu.memref_squeeze %dma_start3A_65 : memref<1x80xi32, #tpu.memory_space<vmem>> -> memref<80xi32, #tpu.memory_space<vmem>>
      %dma_start3A_67 = arith.constant 0 : i32
      %dma_start3A_68 = arith.constant 0 : i32
      %dma_start3A_69 = tpu.memref_slice %arg2[%dma_start3A_67, %dma_start3A_68] : memref<10240x128xf32, #tpu.memory_space<hbm>> -> memref<10240x128xf32, #tpu.memory_space<hbm>>
      tpu.enqueue_indirect_dma source(%dma_start3A_69 : memref<10240x128xf32, #tpu.memory_space<hbm>>) target(%arg10 : memref<80x128xf32, #tpu.memory_space<vmem>>) offsets(%dma_start3A_66 : memref<80xi32, #tpu.memory_space<vmem>>) semaphore(%arg13 : memref<!tpu.dma_semaphore, #tpu.memory_space<semaphore_mem>>)
      %dma_wait3A_70 = arith.constant 0 : i32
      %dma_wait3A_71 = tpu.memref_slice %arg7[%mul3A_61, %dma_wait3A_70] : memref<40x80xi32, #tpu.memory_space<vmem>> -> memref<1x80xi32, #tpu.memory_space<vmem>>
      %dma_wait3A_72 = tpu.memref_squeeze %dma_wait3A_71 : memref<1x80xi32, #tpu.memory_space<vmem>> -> memref<80xi32, #tpu.memory_space<vmem>>
      %dma_wait3A_73 = arith.constant 0 : i32
      %dma_wait3A_74 = arith.constant 0 : i32
      %dma_wait3A_75 = tpu.memref_slice %arg2[%dma_wait3A_73, %dma_wait3A_74] : memref<10240x128xf32, #tpu.memory_space<hbm>> -> memref<10240x128xf32, #tpu.memory_space<hbm>>
      tpu.wait_indirect_dma semaphore(%arg12 : memref<!tpu.dma_semaphore, #tpu.memory_space<semaphore_mem>>) src(%dma_wait3A_75 : memref<10240x128xf32, #tpu.memory_space<hbm>>) dst(%arg9 : memref<80x128xf32, #tpu.memory_space<vmem>>)
      "tpu.region"() ({
        %run_scoped3A_90 = tpu.sem_alloc : memref<!tpu.dma_semaphore, #tpu.memory_space<semaphore_mem>>
        %dma_start3A_91 = arith.constant 0 : i32
        %dma_start3A_92 = tpu.memref_slice %arg8[%mul3A_61, %dma_start3A_91] : memref<40x80xi32, #tpu.memory_space<vmem>> -> memref<1x80xi32, #tpu.memory_space<vmem>>
        %dma_start3A_93 = tpu.memref_squeeze %dma_start3A_92 : memref<1x80xi32, #tpu.memory_space<vmem>> -> memref<80xi32, #tpu.memory_space<vmem>>
        %dma_start3A_94 = arith.constant 0 : i32
        %dma_start3A_95 = arith.constant 0 : i32
        %dma_start3A_96 = tpu.memref_slice %arg11[%dma_start3A_94, %dma_start3A_95] : memref<10240x128xf32, #tpu.memory_space<vmem_shared>> -> memref<10240x128xf32, #tpu.memory_space<vmem_shared>>
        tpu.enqueue_indirect_dma source(%arg9 : memref<80x128xf32, #tpu.memory_space<vmem>>) target(%dma_start3A_96 : memref<10240x128xf32, #tpu.memory_space<vmem_shared>>) offsets(%dma_start3A_93 : memref<80xi32, #tpu.memory_space<vmem>>) semaphore(%run_scoped3A_90 : memref<!tpu.dma_semaphore, #tpu.memory_space<semaphore_mem>>) {add = true}
        %dma_wait3A_97 = arith.constant 0 : i32
        %dma_wait3A_98 = tpu.memref_slice %arg8[%mul3A_61, %dma_wait3A_97] : memref<40x80xi32, #tpu.memory_space<vmem>> -> memref<1x80xi32, #tpu.memory_space<vmem>>
        %dma_wait3A_99 = tpu.memref_squeeze %dma_wait3A_98 : memref<1x80xi32, #tpu.memory_space<vmem>> -> memref<80xi32, #tpu.memory_space<vmem>>
        %dma_wait3A_100 = arith.constant 0 : i32
        %dma_wait3A_101 = arith.constant 0 : i32
        %dma_wait3A_102 = tpu.memref_slice %arg11[%dma_wait3A_100, %dma_wait3A_101] : memref<10240x128xf32, #tpu.memory_space<vmem_shared>> -> memref<10240x128xf32, #tpu.memory_space<vmem_shared>>
        tpu.wait_indirect_dma semaphore(%run_scoped3A_90 : memref<!tpu.dma_semaphore, #tpu.memory_space<semaphore_mem>>) src(%arg9 : memref<80x128xf32, #tpu.memory_space<vmem>>) dst(%dma_wait3A_102 : memref<10240x128xf32, #tpu.memory_space<vmem_shared>>)
        tpu.yield
      }) : () -> ()
      %add3A_76 = arith.constant 2 : i32
      %add3A_77 = arith.addi %mul3A_61, %add3A_76 : i32
      %lt3A = arith.constant 5 : i32
      %lt3A_78 = arith.cmpi slt, %add3A_77, %lt3A : i32
      %convert_element_type3A = arith.extui %lt3A_78 : i1 to i32
      %cond3A = arith.constant 0 : i32
      %cond3A_79 = arith.cmpi ne, %convert_element_type3A, %cond3A : i32
      scf.if %cond3A_79 {
        %add3A_90 = arith.constant 2 : i32
        %add3A_91 = arith.addi %mul3A_61, %add3A_90 : i32
        %dma_start3A_92 = arith.constant 0 : i32
        %dma_start3A_93 = tpu.memref_slice %arg7[%add3A_91, %dma_start3A_92] : memref<40x80xi32, #tpu.memory_space<vmem>> -> memref<1x80xi32, #tpu.memory_space<vmem>>
        %dma_start3A_94 = tpu.memref_squeeze %dma_start3A_93 : memref<1x80xi32, #tpu.memory_space<vmem>> -> memref<80xi32, #tpu.memory_space<vmem>>
        %dma_start3A_95 = arith.constant 0 : i32
        %dma_start3A_96 = arith.constant 0 : i32
        %dma_start3A_97 = tpu.memref_slice %arg2[%dma_start3A_95, %dma_start3A_96] : memref<10240x128xf32, #tpu.memory_space<hbm>> -> memref<10240x128xf32, #tpu.memory_space<hbm>>
        tpu.enqueue_indirect_dma source(%dma_start3A_97 : memref<10240x128xf32, #tpu.memory_space<hbm>>) target(%arg9 : memref<80x128xf32, #tpu.memory_space<vmem>>) offsets(%dma_start3A_94 : memref<80xi32, #tpu.memory_space<vmem>>) semaphore(%arg12 : memref<!tpu.dma_semaphore, #tpu.memory_space<semaphore_mem>>)
      } else {
      }
      %add3A_80 = arith.constant 1 : i32
      %add3A_81 = arith.addi %mul3A_61, %add3A_80 : i32
      %dma_wait3A_82 = arith.constant 0 : i32
      %dma_wait3A_83 = tpu.memref_slice %arg7[%add3A_81, %dma_wait3A_82] : memref<40x80xi32, #tpu.memory_space<vmem>> -> memref<1x80xi32, #tpu.memory_space<vmem>>
      %dma_wait3A_84 = tpu.memref_squeeze %dma_wait3A_83 : memref<1x80xi32, #tpu.memory_space<vmem>> -> memref<80xi32, #tpu.memory_space<vmem>>
      %dma_wait3A_85 = arith.constant 0 : i32
      %dma_wait3A_86 = arith.constant 0 : i32
      %dma_wait3A_87 = tpu.memref_slice %arg2[%dma_wait3A_85, %dma_wait3A_86] : memref<10240x128xf32, #tpu.memory_space<hbm>> -> memref<10240x128xf32, #tpu.memory_space<hbm>>
      tpu.wait_indirect_dma semaphore(%arg13 : memref<!tpu.dma_semaphore, #tpu.memory_space<semaphore_mem>>) src(%dma_wait3A_87 : memref<10240x128xf32, #tpu.memory_space<hbm>>) dst(%arg10 : memref<80x128xf32, #tpu.memory_space<vmem>>)
      %add3A_88 = arith.constant 1 : i32
      %add3A_89 = arith.addi %mul3A_61, %add3A_88 : i32
      "tpu.region"() ({
        %run_scoped3A_90 = tpu.sem_alloc : memref<!tpu.dma_semaphore, #tpu.memory_space<semaphore_mem>>
        %dma_start3A_91 = arith.constant 0 : i32
        %dma_start3A_92 = tpu.memref_slice %arg8[%add3A_89, %dma_start3A_91] : memref<40x80xi32, #tpu.memory_space<vmem>> -> memref<1x80xi32, #tpu.memory_space<vmem>>
        %dma_start3A_93 = tpu.memref_squeeze %dma_start3A_92 : memref<1x80xi32, #tpu.memory_space<vmem>> -> memref<80xi32, #tpu.memory_space<vmem>>
        %dma_start3A_94 = arith.constant 0 : i32
        %dma_start3A_95 = arith.constant 0 : i32
        %dma_start3A_96 = tpu.memref_slice %arg11[%dma_start3A_94, %dma_start3A_95] : memref<10240x128xf32, #tpu.memory_space<vmem_shared>> -> memref<10240x128xf32, #tpu.memory_space<vmem_shared>>
        tpu.enqueue_indirect_dma source(%arg10 : memref<80x128xf32, #tpu.memory_space<vmem>>) target(%dma_start3A_96 : memref<10240x128xf32, #tpu.memory_space<vmem_shared>>) offsets(%dma_start3A_93 : memref<80xi32, #tpu.memory_space<vmem>>) semaphore(%run_scoped3A_90 : memref<!tpu.dma_semaphore, #tpu.memory_space<semaphore_mem>>) {add = true}
        %dma_wait3A_97 = arith.constant 0 : i32
        %dma_wait3A_98 = tpu.memref_slice %arg8[%add3A_89, %dma_wait3A_97] : memref<40x80xi32, #tpu.memory_space<vmem>> -> memref<1x80xi32, #tpu.memory_space<vmem>>
        %dma_wait3A_99 = tpu.memref_squeeze %dma_wait3A_98 : memref<1x80xi32, #tpu.memory_space<vmem>> -> memref<80xi32, #tpu.memory_space<vmem>>
        %dma_wait3A_100 = arith.constant 0 : i32
        %dma_wait3A_101 = arith.constant 0 : i32
        %dma_wait3A_102 = tpu.memref_slice %arg11[%dma_wait3A_100, %dma_wait3A_101] : memref<10240x128xf32, #tpu.memory_space<vmem_shared>> -> memref<10240x128xf32, #tpu.memory_space<vmem_shared>>
        tpu.wait_indirect_dma semaphore(%run_scoped3A_90 : memref<!tpu.dma_semaphore, #tpu.memory_space<semaphore_mem>>) src(%arg10 : memref<80x128xf32, #tpu.memory_space<vmem>>) dst(%dma_wait3A_102 : memref<10240x128xf32, #tpu.memory_space<vmem_shared>>)
        tpu.yield
      }) : () -> ()
    }
    %scan3A_50 = arith.constant 2 : i32
    %dma_wait3A_51 = arith.constant 4 : i32
    %dma_wait3A_52 = arith.constant 0 : i32
    %dma_wait3A_53 = tpu.memref_slice %arg7[%dma_wait3A_51, %dma_wait3A_52] : memref<40x80xi32, #tpu.memory_space<vmem>> -> memref<1x80xi32, #tpu.memory_space<vmem>>
    %dma_wait3A_54 = tpu.memref_squeeze %dma_wait3A_53 : memref<1x80xi32, #tpu.memory_space<vmem>> -> memref<80xi32, #tpu.memory_space<vmem>>
    %dma_wait3A_55 = arith.constant 0 : i32
    %dma_wait3A_56 = arith.constant 0 : i32
    %dma_wait3A_57 = tpu.memref_slice %arg2[%dma_wait3A_55, %dma_wait3A_56] : memref<10240x128xf32, #tpu.memory_space<hbm>> -> memref<10240x128xf32, #tpu.memory_space<hbm>>
    tpu.wait_indirect_dma semaphore(%arg12 : memref<!tpu.dma_semaphore, #tpu.memory_space<semaphore_mem>>) src(%dma_wait3A_57 : memref<10240x128xf32, #tpu.memory_space<hbm>>) dst(%arg9 : memref<80x128xf32, #tpu.memory_space<vmem>>)
    %run_scoped3A = arith.constant 4 : i32
    "tpu.region"() ({
      %run_scoped3A_59 = tpu.sem_alloc : memref<!tpu.dma_semaphore, #tpu.memory_space<semaphore_mem>>
      %dma_start3A_60 = arith.constant 0 : i32
      %dma_start3A_61 = tpu.memref_slice %arg8[%run_scoped3A, %dma_start3A_60] : memref<40x80xi32, #tpu.memory_space<vmem>> -> memref<1x80xi32, #tpu.memory_space<vmem>>
      %dma_start3A_62 = tpu.memref_squeeze %dma_start3A_61 : memref<1x80xi32, #tpu.memory_space<vmem>> -> memref<80xi32, #tpu.memory_space<vmem>>
      %dma_start3A_63 = arith.constant 0 : i32
      %dma_start3A_64 = arith.constant 0 : i32
      %dma_start3A_65 = tpu.memref_slice %arg11[%dma_start3A_63, %dma_start3A_64] : memref<10240x128xf32, #tpu.memory_space<vmem_shared>> -> memref<10240x128xf32, #tpu.memory_space<vmem_shared>>
      tpu.enqueue_indirect_dma source(%arg9 : memref<80x128xf32, #tpu.memory_space<vmem>>) target(%dma_start3A_65 : memref<10240x128xf32, #tpu.memory_space<vmem_shared>>) offsets(%dma_start3A_62 : memref<80xi32, #tpu.memory_space<vmem>>) semaphore(%run_scoped3A_59 : memref<!tpu.dma_semaphore, #tpu.memory_space<semaphore_mem>>) {add = true}
      %dma_wait3A_66 = arith.constant 0 : i32
      %dma_wait3A_67 = tpu.memref_slice %arg8[%run_scoped3A, %dma_wait3A_66] : memref<40x80xi32, #tpu.memory_space<vmem>> -> memref<1x80xi32, #tpu.memory_space<vmem>>
      %dma_wait3A_68 = tpu.memref_squeeze %dma_wait3A_67 : memref<1x80xi32, #tpu.memory_space<vmem>> -> memref<80xi32, #tpu.memory_space<vmem>>
      %dma_wait3A_69 = arith.constant 0 : i32
      %dma_wait3A_70 = arith.constant 0 : i32
      %dma_wait3A_71 = tpu.memref_slice %arg11[%dma_wait3A_69, %dma_wait3A_70] : memref<10240x128xf32, #tpu.memory_space<vmem_shared>> -> memref<10240x128xf32, #tpu.memory_space<vmem_shared>>
      tpu.wait_indirect_dma semaphore(%run_scoped3A_59 : memref<!tpu.dma_semaphore, #tpu.memory_space<semaphore_mem>>) src(%arg9 : memref<80x128xf32, #tpu.memory_space<vmem>>) dst(%dma_wait3A_71 : memref<10240x128xf32, #tpu.memory_space<vmem_shared>>)
      tpu.yield
    }) : () -> ()
    %barrier3A_58 = arith.constant 0 : index
    tpu.barrier barrier_id(%barrier3A_58)
    "tpu.region"() ({
      %run_scoped3A_59 = tpu.sem_alloc : memref<!tpu.dma_semaphore, #tpu.memory_space<semaphore_mem>>
      %dma_start3A_60 = arith.constant 0 : i32
      %dma_start3A_61 = tpu.memref_slice %arg6[%arg0, %mul3A_2, %dma_start3A_60] : memref<2x10240x128xf32, #tpu.memory_space<hbm>> -> memref<1x640x128xf32, #tpu.memory_space<hbm>>
      %dma_start3A_62 = tpu.memref_squeeze %dma_start3A_61 : memref<1x640x128xf32, #tpu.memory_space<hbm>> -> memref<640x128xf32, #tpu.memory_space<hbm>>
      %dma_start3A_63 = arith.constant 0 : i32
      %dma_start3A_64 = tpu.memref_slice %arg11[%mul3A_2, %dma_start3A_63] : memref<10240x128xf32, #tpu.memory_space<vmem_shared>> -> memref<640x128xf32, #tpu.memory_space<vmem_shared>>
      tpu.enqueue_dma source(%dma_start3A_64 : memref<640x128xf32, #tpu.memory_space<vmem_shared>>) target(%dma_start3A_62 : memref<640x128xf32, #tpu.memory_space<hbm>>) target_semaphore(%run_scoped3A_59 : memref<!tpu.dma_semaphore, #tpu.memory_space<semaphore_mem>>)
      %dma_wait3A_65 = arith.constant 0 : i32
      %dma_wait3A_66 = tpu.memref_slice %arg6[%arg0, %mul3A_2, %dma_wait3A_65] : memref<2x10240x128xf32, #tpu.memory_space<hbm>> -> memref<1x640x128xf32, #tpu.memory_space<hbm>>
      %dma_wait3A_67 = tpu.memref_squeeze %dma_wait3A_66 : memref<1x640x128xf32, #tpu.memory_space<hbm>> -> memref<640x128xf32, #tpu.memory_space<hbm>>
      %dma_wait3A_68 = arith.constant 0 : i32
      %dma_wait3A_69 = tpu.memref_slice %arg11[%mul3A_2, %dma_wait3A_68] : memref<10240x128xf32, #tpu.memory_space<vmem_shared>> -> memref<640x128xf32, #tpu.memory_space<vmem_shared>>
      tpu.wait_dma2 semaphore(%run_scoped3A_59 : memref<!tpu.dma_semaphore, #tpu.memory_space<semaphore_mem>>) src(%dma_wait3A_69 : memref<640x128xf32, #tpu.memory_space<vmem_shared>>) dst(%dma_wait3A_67 : memref<640x128xf32, #tpu.memory_space<hbm>>)
      tpu.yield
    }) : () -> ()
    return
  }
}

#map = affine_map<(d0, d1) -> (0, 0)>
#map1 = affine_map<(d0, d1) -> (0, 0, 0)>
module attributes {stable_mosaic.version = 14 : i64} {
  func.func @_sc_scatter_body(%arg0: i32, %arg1: i32, %arg2: memref<10240x128xf32, #tpu.memory_space<hbm>>, %arg3: memref<32x125x80xi32, #tpu.memory_space<hbm>>, %arg4: memref<32x125x80xi32, #tpu.memory_space<hbm>>, %arg5: memref<10240x128xf32, #tpu.memory_space<hbm>>, %arg6: memref<2x10240x128xf32, #tpu.memory_space<hbm>>, %arg7: memref<40x80xi32, #tpu.memory_space<vmem>>, %arg8: memref<40x80xi32, #tpu.memory_space<vmem>>, %arg9: memref<80x128xf32, #tpu.memory_space<vmem>>, %arg10: memref<80x128xf32, #tpu.memory_space<vmem>>, %arg11: memref<10240x128xf32, #tpu.memory_space<vmem_shared>>, %arg12: memref<!tpu.dma_semaphore, #tpu.memory_space<semaphore_mem>>, %arg13: memref<!tpu.dma_semaphore, #tpu.memory_space<semaphore_mem>>, %arg14: memref<!tpu.dma_semaphore, #tpu.memory_space<semaphore_mem>>) attributes {dimension_semantics = [#tpu.dimension_semantics<core_parallel>, #tpu.dimension_semantics<subcore_parallel>], iteration_bounds = array<i64: 2, 16>, scalar_prefetch = 0 : i64, scratch_operands = 8 : i64, tpu.core_type = #tpu.core_type<sc_vector_subcore>, window_params = [{transform_indices = #map}, {transform_indices = #map1}, {transform_indices = #map1}, {transform_indices = #map}, {transform_indices = #map1}]} {
    %mul3A = arith.constant 16 : i32
    %mul3A_0 = arith.muli %arg0, %mul3A : i32
    %add3A = arith.addi %mul3A_0, %arg1 : i32
    %mul3A_1 = arith.constant 640 : i32
    %mul3A_2 = arith.muli %arg1, %mul3A_1 : i32
    %dma_start3A = arith.constant 0 : i32
    %dma_start3A_3 = arith.constant 0 : i32
    %dma_start3A_4 = tpu.memref_slice %arg3[%add3A, %dma_start3A, %dma_start3A_3] : memref<32x125x80xi32, #tpu.memory_space<hbm>> -> memref<1x40x80xi32, #tpu.memory_space<hbm>>
    %dma_start3A_5 = tpu.memref_squeeze %dma_start3A_4 : memref<1x40x80xi32, #tpu.memory_space<hbm>> -> memref<40x80xi32, #tpu.memory_space<hbm>>
    %dma_start3A_6 = arith.constant 0 : i32
    %dma_start3A_7 = arith.constant 0 : i32
    %dma_start3A_8 = tpu.memref_slice %arg3[%add3A, %dma_start3A_6, %dma_start3A_7] : memref<32x125x80xi32, #tpu.memory_space<hbm>> -> memref<1x40x80xi32, #tpu.memory_space<hbm>>
    %dma_start3A_9 = tpu.memref_squeeze %dma_start3A_8 : memref<1x40x80xi32, #tpu.memory_space<hbm>> -> memref<40x80xi32, #tpu.memory_space<hbm>>
    tpu.enqueue_dma source(%dma_start3A_9 : memref<40x80xi32, #tpu.memory_space<hbm>>) target(%arg7 : memref<40x80xi32, #tpu.memory_space<vmem>>) target_semaphore(%arg14 : memref<!tpu.dma_semaphore, #tpu.memory_space<semaphore_mem>>)
    %dma_start3A_10 = arith.constant 0 : i32
    %dma_start3A_11 = arith.constant 0 : i32
    %dma_start3A_12 = tpu.memref_slice %arg4[%add3A, %dma_start3A_10, %dma_start3A_11] : memref<32x125x80xi32, #tpu.memory_space<hbm>> -> memref<1x40x80xi32, #tpu.memory_space<hbm>>
    %dma_start3A_13 = tpu.memref_squeeze %dma_start3A_12 : memref<1x40x80xi32, #tpu.memory_space<hbm>> -> memref<40x80xi32, #tpu.memory_space<hbm>>
    %dma_start3A_14 = arith.constant 0 : i32
    %dma_start3A_15 = arith.constant 0 : i32
    %dma_start3A_16 = tpu.memref_slice %arg4[%add3A, %dma_start3A_14, %dma_start3A_15] : memref<32x125x80xi32, #tpu.memory_space<hbm>> -> memref<1x40x80xi32, #tpu.memory_space<hbm>>
    %dma_start3A_17 = tpu.memref_squeeze %dma_start3A_16 : memref<1x40x80xi32, #tpu.memory_space<hbm>> -> memref<40x80xi32, #tpu.memory_space<hbm>>
    tpu.enqueue_dma source(%dma_start3A_17 : memref<40x80xi32, #tpu.memory_space<hbm>>) target(%arg8 : memref<40x80xi32, #tpu.memory_space<vmem>>) target_semaphore(%arg14 : memref<!tpu.dma_semaphore, #tpu.memory_space<semaphore_mem>>)
    "tpu.region"() ({
      %run_scoped3A_59 = tpu.sem_alloc : memref<!tpu.dma_semaphore, #tpu.memory_space<semaphore_mem>>
      %dma_start3A_60 = arith.constant 0 : i32
      %dma_start3A_61 = tpu.memref_slice %arg11[%mul3A_2, %dma_start3A_60] : memref<10240x128xf32, #tpu.memory_space<vmem_shared>> -> memref<640x128xf32, #tpu.memory_space<vmem_shared>>
      %dma_start3A_62 = arith.constant 0 : i32
      %dma_start3A_63 = tpu.memref_slice %arg5[%mul3A_2, %dma_start3A_62] : memref<10240x128xf32, #tpu.memory_space<hbm>> -> memref<640x128xf32, #tpu.memory_space<hbm>>
      tpu.enqueue_dma source(%dma_start3A_63 : memref<640x128xf32, #tpu.memory_space<hbm>>) target(%dma_start3A_61 : memref<640x128xf32, #tpu.memory_space<vmem_shared>>) target_semaphore(%run_scoped3A_59 : memref<!tpu.dma_semaphore, #tpu.memory_space<semaphore_mem>>)
      %dma_wait3A_64 = arith.constant 0 : i32
      %dma_wait3A_65 = tpu.memref_slice %arg11[%mul3A_2, %dma_wait3A_64] : memref<10240x128xf32, #tpu.memory_space<vmem_shared>> -> memref<640x128xf32, #tpu.memory_space<vmem_shared>>
      %dma_wait3A_66 = arith.constant 0 : i32
      %dma_wait3A_67 = tpu.memref_slice %arg5[%mul3A_2, %dma_wait3A_66] : memref<10240x128xf32, #tpu.memory_space<hbm>> -> memref<640x128xf32, #tpu.memory_space<hbm>>
      tpu.wait_dma2 semaphore(%run_scoped3A_59 : memref<!tpu.dma_semaphore, #tpu.memory_space<semaphore_mem>>) src(%dma_wait3A_67 : memref<640x128xf32, #tpu.memory_space<hbm>>) dst(%dma_wait3A_65 : memref<640x128xf32, #tpu.memory_space<vmem_shared>>)
      tpu.yield
    }) : () -> ()
    %dma_wait3A = arith.constant 0 : i32
    %dma_wait3A_18 = arith.constant 0 : i32
    %dma_wait3A_19 = tpu.memref_slice %arg3[%add3A, %dma_wait3A, %dma_wait3A_18] : memref<32x125x80xi32, #tpu.memory_space<hbm>> -> memref<1x40x80xi32, #tpu.memory_space<hbm>>
    %dma_wait3A_20 = tpu.memref_squeeze %dma_wait3A_19 : memref<1x40x80xi32, #tpu.memory_space<hbm>> -> memref<40x80xi32, #tpu.memory_space<hbm>>
    %dma_wait3A_21 = arith.constant 0 : i32
    %dma_wait3A_22 = arith.constant 0 : i32
    %dma_wait3A_23 = tpu.memref_slice %arg3[%add3A, %dma_wait3A_21, %dma_wait3A_22] : memref<32x125x80xi32, #tpu.memory_space<hbm>> -> memref<1x40x80xi32, #tpu.memory_space<hbm>>
    %dma_wait3A_24 = tpu.memref_squeeze %dma_wait3A_23 : memref<1x40x80xi32, #tpu.memory_space<hbm>> -> memref<40x80xi32, #tpu.memory_space<hbm>>
    tpu.wait_dma2 semaphore(%arg14 : memref<!tpu.dma_semaphore, #tpu.memory_space<semaphore_mem>>) src(%dma_wait3A_24 : memref<40x80xi32, #tpu.memory_space<hbm>>) dst(%arg7 : memref<40x80xi32, #tpu.memory_space<vmem>>)
    %dma_wait3A_25 = arith.constant 0 : i32
    %dma_wait3A_26 = arith.constant 0 : i32
    %dma_wait3A_27 = tpu.memref_slice %arg4[%add3A, %dma_wait3A_25, %dma_wait3A_26] : memref<32x125x80xi32, #tpu.memory_space<hbm>> -> memref<1x40x80xi32, #tpu.memory_space<hbm>>
    %dma_wait3A_28 = tpu.memref_squeeze %dma_wait3A_27 : memref<1x40x80xi32, #tpu.memory_space<hbm>> -> memref<40x80xi32, #tpu.memory_space<hbm>>
    %dma_wait3A_29 = arith.constant 0 : i32
    %dma_wait3A_30 = arith.constant 0 : i32
    %dma_wait3A_31 = tpu.memref_slice %arg4[%add3A, %dma_wait3A_29, %dma_wait3A_30] : memref<32x125x80xi32, #tpu.memory_space<hbm>> -> memref<1x40x80xi32, #tpu.memory_space<hbm>>
    %dma_wait3A_32 = tpu.memref_squeeze %dma_wait3A_31 : memref<1x40x80xi32, #tpu.memory_space<hbm>> -> memref<40x80xi32, #tpu.memory_space<hbm>>
    tpu.wait_dma2 semaphore(%arg14 : memref<!tpu.dma_semaphore, #tpu.memory_space<semaphore_mem>>) src(%dma_wait3A_32 : memref<40x80xi32, #tpu.memory_space<hbm>>) dst(%arg8 : memref<40x80xi32, #tpu.memory_space<vmem>>)
    %barrier3A = arith.constant 0 : index
    tpu.barrier barrier_id(%barrier3A)
    %scan3A = arith.constant 0 : i32
    %scan3A_33 = arith.constant 0 : i32
    %scan3A_34 = arith.constant 3 : i32
    %scan3A_35 = arith.addi %scan3A_33, %scan3A_34 : i32
    %scan3A_36 = arith.constant 1 : i32
    scf.for %scan3A_59 = %scan3A_33 to %scan3A_35 step %scan3A_36  : i32 {
      %dma_start3A_60 = arith.constant 0 : i32
      %dma_start3A_61 = arith.constant 0 : i32
      %dma_start3A_62 = tpu.memref_slice %arg7[%dma_start3A_60, %dma_start3A_61] : memref<40x80xi32, #tpu.memory_space<vmem>> -> memref<1x80xi32, #tpu.memory_space<vmem>>
      %dma_start3A_63 = tpu.memref_squeeze %dma_start3A_62 : memref<1x80xi32, #tpu.memory_space<vmem>> -> memref<80xi32, #tpu.memory_space<vmem>>
      %dma_start3A_64 = arith.constant 0 : i32
      %dma_start3A_65 = arith.constant 0 : i32
      %dma_start3A_66 = tpu.memref_slice %arg2[%dma_start3A_64, %dma_start3A_65] : memref<10240x128xf32, #tpu.memory_space<hbm>> -> memref<10240x128xf32, #tpu.memory_space<hbm>>
      tpu.enqueue_indirect_dma source(%dma_start3A_66 : memref<10240x128xf32, #tpu.memory_space<hbm>>) target(%arg9 : memref<80x128xf32, #tpu.memory_space<vmem>>) offsets(%dma_start3A_63 : memref<80xi32, #tpu.memory_space<vmem>>) semaphore(%arg12 : memref<!tpu.dma_semaphore, #tpu.memory_space<semaphore_mem>>)
      %scan3A_67 = arith.constant 0 : i32
      %scan3A_68 = arith.constant 0 : i32
      %scan3A_69 = arith.constant 20 : i32
      %scan3A_70 = arith.addi %scan3A_68, %scan3A_69 : i32
      %scan3A_71 = arith.constant 1 : i32
      scf.for %scan3A_77 = %scan3A_68 to %scan3A_70 step %scan3A_71  : i32 {
        %mul3A_78 = arith.constant 2 : i32
        %mul3A_79 = arith.muli %mul3A_78, %scan3A_77 : i32
        %add3A_80 = arith.constant 1 : i32
        %add3A_81 = arith.addi %mul3A_79, %add3A_80 : i32
        %dma_start3A_82 = arith.constant 0 : i32
        %dma_start3A_83 = tpu.memref_slice %arg7[%add3A_81, %dma_start3A_82] : memref<40x80xi32, #tpu.memory_space<vmem>> -> memref<1x80xi32, #tpu.memory_space<vmem>>
        %dma_start3A_84 = tpu.memref_squeeze %dma_start3A_83 : memref<1x80xi32, #tpu.memory_space<vmem>> -> memref<80xi32, #tpu.memory_space<vmem>>
        %dma_start3A_85 = arith.constant 0 : i32
        %dma_start3A_86 = arith.constant 0 : i32
        %dma_start3A_87 = tpu.memref_slice %arg2[%dma_start3A_85, %dma_start3A_86] : memref<10240x128xf32, #tpu.memory_space<hbm>> -> memref<10240x128xf32, #tpu.memory_space<hbm>>
        tpu.enqueue_indirect_dma source(%dma_start3A_87 : memref<10240x128xf32, #tpu.memory_space<hbm>>) target(%arg10 : memref<80x128xf32, #tpu.memory_space<vmem>>) offsets(%dma_start3A_84 : memref<80xi32, #tpu.memory_space<vmem>>) semaphore(%arg13 : memref<!tpu.dma_semaphore, #tpu.memory_space<semaphore_mem>>)
        %dma_wait3A_88 = arith.constant 0 : i32
        %dma_wait3A_89 = tpu.memref_slice %arg7[%mul3A_79, %dma_wait3A_88] : memref<40x80xi32, #tpu.memory_space<vmem>> -> memref<1x80xi32, #tpu.memory_space<vmem>>
        %dma_wait3A_90 = tpu.memref_squeeze %dma_wait3A_89 : memref<1x80xi32, #tpu.memory_space<vmem>> -> memref<80xi32, #tpu.memory_space<vmem>>
        %dma_wait3A_91 = arith.constant 0 : i32
        %dma_wait3A_92 = arith.constant 0 : i32
        %dma_wait3A_93 = tpu.memref_slice %arg2[%dma_wait3A_91, %dma_wait3A_92] : memref<10240x128xf32, #tpu.memory_space<hbm>> -> memref<10240x128xf32, #tpu.memory_space<hbm>>
        tpu.wait_indirect_dma semaphore(%arg12 : memref<!tpu.dma_semaphore, #tpu.memory_space<semaphore_mem>>) src(%dma_wait3A_93 : memref<10240x128xf32, #tpu.memory_space<hbm>>) dst(%arg9 : memref<80x128xf32, #tpu.memory_space<vmem>>)
        "tpu.region"() ({
          %run_scoped3A_111 = tpu.sem_alloc : memref<!tpu.dma_semaphore, #tpu.memory_space<semaphore_mem>>
          %dma_start3A_112 = arith.constant 0 : i32
          %dma_start3A_113 = tpu.memref_slice %arg8[%mul3A_79, %dma_start3A_112] : memref<40x80xi32, #tpu.memory_space<vmem>> -> memref<1x80xi32, #tpu.memory_space<vmem>>
          %dma_start3A_114 = tpu.memref_squeeze %dma_start3A_113 : memref<1x80xi32, #tpu.memory_space<vmem>> -> memref<80xi32, #tpu.memory_space<vmem>>
          %dma_start3A_115 = arith.constant 0 : i32
          %dma_start3A_116 = arith.constant 0 : i32
          %dma_start3A_117 = tpu.memref_slice %arg11[%dma_start3A_115, %dma_start3A_116] : memref<10240x128xf32, #tpu.memory_space<vmem_shared>> -> memref<10240x128xf32, #tpu.memory_space<vmem_shared>>
          tpu.enqueue_indirect_dma source(%arg9 : memref<80x128xf32, #tpu.memory_space<vmem>>) target(%dma_start3A_117 : memref<10240x128xf32, #tpu.memory_space<vmem_shared>>) offsets(%dma_start3A_114 : memref<80xi32, #tpu.memory_space<vmem>>) semaphore(%run_scoped3A_111 : memref<!tpu.dma_semaphore, #tpu.memory_space<semaphore_mem>>) {add = true}
          %dma_wait3A_118 = arith.constant 0 : i32
          %dma_wait3A_119 = tpu.memref_slice %arg8[%mul3A_79, %dma_wait3A_118] : memref<40x80xi32, #tpu.memory_space<vmem>> -> memref<1x80xi32, #tpu.memory_space<vmem>>
          %dma_wait3A_120 = tpu.memref_squeeze %dma_wait3A_119 : memref<1x80xi32, #tpu.memory_space<vmem>> -> memref<80xi32, #tpu.memory_space<vmem>>
          %dma_wait3A_121 = arith.constant 0 : i32
          %dma_wait3A_122 = arith.constant 0 : i32
          %dma_wait3A_123 = tpu.memref_slice %arg11[%dma_wait3A_121, %dma_wait3A_122] : memref<10240x128xf32, #tpu.memory_space<vmem_shared>> -> memref<10240x128xf32, #tpu.memory_space<vmem_shared>>
          tpu.wait_indirect_dma semaphore(%run_scoped3A_111 : memref<!tpu.dma_semaphore, #tpu.memory_space<semaphore_mem>>) src(%arg9 : memref<80x128xf32, #tpu.memory_space<vmem>>) dst(%dma_wait3A_123 : memref<10240x128xf32, #tpu.memory_space<vmem_shared>>)
          tpu.yield
        }) : () -> ()
        %add3A_94 = arith.constant 2 : i32
        %add3A_95 = arith.addi %mul3A_79, %add3A_94 : i32
        %lt3A_96 = arith.constant 40 : i32
        %lt3A_97 = arith.cmpi slt, %add3A_95, %lt3A_96 : i32
        %convert_element_type3A_98 = arith.extui %lt3A_97 : i1 to i32
        %cond3A_99 = arith.constant 0 : i32
        %cond3A_100 = arith.cmpi ne, %convert_element_type3A_98, %cond3A_99 : i32
        scf.if %cond3A_100 {
          %add3A_111 = arith.constant 2 : i32
          %add3A_112 = arith.addi %mul3A_79, %add3A_111 : i32
          %dma_start3A_113 = arith.constant 0 : i32
          %dma_start3A_114 = tpu.memref_slice %arg7[%add3A_112, %dma_start3A_113] : memref<40x80xi32, #tpu.memory_space<vmem>> -> memref<1x80xi32, #tpu.memory_space<vmem>>
          %dma_start3A_115 = tpu.memref_squeeze %dma_start3A_114 : memref<1x80xi32, #tpu.memory_space<vmem>> -> memref<80xi32, #tpu.memory_space<vmem>>
          %dma_start3A_116 = arith.constant 0 : i32
          %dma_start3A_117 = arith.constant 0 : i32
          %dma_start3A_118 = tpu.memref_slice %arg2[%dma_start3A_116, %dma_start3A_117] : memref<10240x128xf32, #tpu.memory_space<hbm>> -> memref<10240x128xf32, #tpu.memory_space<hbm>>
          tpu.enqueue_indirect_dma source(%dma_start3A_118 : memref<10240x128xf32, #tpu.memory_space<hbm>>) target(%arg9 : memref<80x128xf32, #tpu.memory_space<vmem>>) offsets(%dma_start3A_115 : memref<80xi32, #tpu.memory_space<vmem>>) semaphore(%arg12 : memref<!tpu.dma_semaphore, #tpu.memory_space<semaphore_mem>>)
        } else {
        }
        %add3A_101 = arith.constant 1 : i32
        %add3A_102 = arith.addi %mul3A_79, %add3A_101 : i32
        %dma_wait3A_103 = arith.constant 0 : i32
        %dma_wait3A_104 = tpu.memref_slice %arg7[%add3A_102, %dma_wait3A_103] : memref<40x80xi32, #tpu.memory_space<vmem>> -> memref<1x80xi32, #tpu.memory_space<vmem>>
        %dma_wait3A_105 = tpu.memref_squeeze %dma_wait3A_104 : memref<1x80xi32, #tpu.memory_space<vmem>> -> memref<80xi32, #tpu.memory_space<vmem>>
        %dma_wait3A_106 = arith.constant 0 : i32
        %dma_wait3A_107 = arith.constant 0 : i32
        %dma_wait3A_108 = tpu.memref_slice %arg2[%dma_wait3A_106, %dma_wait3A_107] : memref<10240x128xf32, #tpu.memory_space<hbm>> -> memref<10240x128xf32, #tpu.memory_space<hbm>>
        tpu.wait_indirect_dma semaphore(%arg13 : memref<!tpu.dma_semaphore, #tpu.memory_space<semaphore_mem>>) src(%dma_wait3A_108 : memref<10240x128xf32, #tpu.memory_space<hbm>>) dst(%arg10 : memref<80x128xf32, #tpu.memory_space<vmem>>)
        %add3A_109 = arith.constant 1 : i32
        %add3A_110 = arith.addi %mul3A_79, %add3A_109 : i32
        "tpu.region"() ({
          %run_scoped3A_111 = tpu.sem_alloc : memref<!tpu.dma_semaphore, #tpu.memory_space<semaphore_mem>>
          %dma_start3A_112 = arith.constant 0 : i32
          %dma_start3A_113 = tpu.memref_slice %arg8[%add3A_110, %dma_start3A_112] : memref<40x80xi32, #tpu.memory_space<vmem>> -> memref<1x80xi32, #tpu.memory_space<vmem>>
          %dma_start3A_114 = tpu.memref_squeeze %dma_start3A_113 : memref<1x80xi32, #tpu.memory_space<vmem>> -> memref<80xi32, #tpu.memory_space<vmem>>
          %dma_start3A_115 = arith.constant 0 : i32
          %dma_start3A_116 = arith.constant 0 : i32
          %dma_start3A_117 = tpu.memref_slice %arg11[%dma_start3A_115, %dma_start3A_116] : memref<10240x128xf32, #tpu.memory_space<vmem_shared>> -> memref<10240x128xf32, #tpu.memory_space<vmem_shared>>
          tpu.enqueue_indirect_dma source(%arg10 : memref<80x128xf32, #tpu.memory_space<vmem>>) target(%dma_start3A_117 : memref<10240x128xf32, #tpu.memory_space<vmem_shared>>) offsets(%dma_start3A_114 : memref<80xi32, #tpu.memory_space<vmem>>) semaphore(%run_scoped3A_111 : memref<!tpu.dma_semaphore, #tpu.memory_space<semaphore_mem>>) {add = true}
          %dma_wait3A_118 = arith.constant 0 : i32
          %dma_wait3A_119 = tpu.memref_slice %arg8[%add3A_110, %dma_wait3A_118] : memref<40x80xi32, #tpu.memory_space<vmem>> -> memref<1x80xi32, #tpu.memory_space<vmem>>
          %dma_wait3A_120 = tpu.memref_squeeze %dma_wait3A_119 : memref<1x80xi32, #tpu.memory_space<vmem>> -> memref<80xi32, #tpu.memory_space<vmem>>
          %dma_wait3A_121 = arith.constant 0 : i32
          %dma_wait3A_122 = arith.constant 0 : i32
          %dma_wait3A_123 = tpu.memref_slice %arg11[%dma_wait3A_121, %dma_wait3A_122] : memref<10240x128xf32, #tpu.memory_space<vmem_shared>> -> memref<10240x128xf32, #tpu.memory_space<vmem_shared>>
          tpu.wait_indirect_dma semaphore(%run_scoped3A_111 : memref<!tpu.dma_semaphore, #tpu.memory_space<semaphore_mem>>) src(%arg10 : memref<80x128xf32, #tpu.memory_space<vmem>>) dst(%dma_wait3A_123 : memref<10240x128xf32, #tpu.memory_space<vmem_shared>>)
          tpu.yield
        }) : () -> ()
      }
      %scan3A_72 = arith.constant 20 : i32
      %add3A_73 = arith.constant 1 : i32
      %add3A_74 = arith.addi %scan3A_59, %add3A_73 : i32
      %lt3A = arith.constant 3 : i32
      %lt3A_75 = arith.cmpi slt, %add3A_74, %lt3A : i32
      %convert_element_type3A = arith.extui %lt3A_75 : i1 to i32
      %cond3A = arith.constant 0 : i32
      %cond3A_76 = arith.cmpi ne, %convert_element_type3A, %cond3A : i32
      scf.if %cond3A_76 {
        %add3A_77 = arith.constant 1 : i32
        %add3A_78 = arith.addi %scan3A_59, %add3A_77 : i32
        %mul3A_79 = arith.constant 40 : i32
        %mul3A_80 = arith.muli %add3A_78, %mul3A_79 : i32
        %multiple_of3A = tpu.assume_multiple %mul3A_80, 40 : i32
        "tpu.region"() ({
          %run_scoped3A_81 = tpu.sem_alloc : memref<!tpu.dma_semaphore, #tpu.memory_space<semaphore_mem>>
          %dma_start3A_82 = arith.constant 0 : i32
          %dma_start3A_83 = tpu.memref_slice %arg3[%add3A, %multiple_of3A, %dma_start3A_82] : memref<32x125x80xi32, #tpu.memory_space<hbm>> -> memref<1x40x80xi32, #tpu.memory_space<hbm>>
          %dma_start3A_84 = tpu.memref_squeeze %dma_start3A_83 : memref<1x40x80xi32, #tpu.memory_space<hbm>> -> memref<40x80xi32, #tpu.memory_space<hbm>>
          %dma_start3A_85 = arith.constant 0 : i32
          %dma_start3A_86 = tpu.memref_slice %arg3[%add3A, %multiple_of3A, %dma_start3A_85] : memref<32x125x80xi32, #tpu.memory_space<hbm>> -> memref<1x40x80xi32, #tpu.memory_space<hbm>>
          %dma_start3A_87 = tpu.memref_squeeze %dma_start3A_86 : memref<1x40x80xi32, #tpu.memory_space<hbm>> -> memref<40x80xi32, #tpu.memory_space<hbm>>
          tpu.enqueue_dma source(%dma_start3A_87 : memref<40x80xi32, #tpu.memory_space<hbm>>) target(%arg7 : memref<40x80xi32, #tpu.memory_space<vmem>>) target_semaphore(%run_scoped3A_81 : memref<!tpu.dma_semaphore, #tpu.memory_space<semaphore_mem>>)
          %dma_wait3A_88 = arith.constant 0 : i32
          %dma_wait3A_89 = tpu.memref_slice %arg3[%add3A, %multiple_of3A, %dma_wait3A_88] : memref<32x125x80xi32, #tpu.memory_space<hbm>> -> memref<1x40x80xi32, #tpu.memory_space<hbm>>
          %dma_wait3A_90 = tpu.memref_squeeze %dma_wait3A_89 : memref<1x40x80xi32, #tpu.memory_space<hbm>> -> memref<40x80xi32, #tpu.memory_space<hbm>>
          %dma_wait3A_91 = arith.constant 0 : i32
          %dma_wait3A_92 = tpu.memref_slice %arg3[%add3A, %multiple_of3A, %dma_wait3A_91] : memref<32x125x80xi32, #tpu.memory_space<hbm>> -> memref<1x40x80xi32, #tpu.memory_space<hbm>>
          %dma_wait3A_93 = tpu.memref_squeeze %dma_wait3A_92 : memref<1x40x80xi32, #tpu.memory_space<hbm>> -> memref<40x80xi32, #tpu.memory_space<hbm>>
          tpu.wait_dma2 semaphore(%run_scoped3A_81 : memref<!tpu.dma_semaphore, #tpu.memory_space<semaphore_mem>>) src(%dma_wait3A_93 : memref<40x80xi32, #tpu.memory_space<hbm>>) dst(%arg7 : memref<40x80xi32, #tpu.memory_space<vmem>>)
          tpu.yield
        }) : () -> ()
        "tpu.region"() ({
          %run_scoped3A_81 = tpu.sem_alloc : memref<!tpu.dma_semaphore, #tpu.memory_space<semaphore_mem>>
          %dma_start3A_82 = arith.constant 0 : i32
          %dma_start3A_83 = tpu.memref_slice %arg4[%add3A, %multiple_of3A, %dma_start3A_82] : memref<32x125x80xi32, #tpu.memory_space<hbm>> -> memref<1x40x80xi32, #tpu.memory_space<hbm>>
          %dma_start3A_84 = tpu.memref_squeeze %dma_start3A_83 : memref<1x40x80xi32, #tpu.memory_space<hbm>> -> memref<40x80xi32, #tpu.memory_space<hbm>>
          %dma_start3A_85 = arith.constant 0 : i32
          %dma_start3A_86 = tpu.memref_slice %arg4[%add3A, %multiple_of3A, %dma_start3A_85] : memref<32x125x80xi32, #tpu.memory_space<hbm>> -> memref<1x40x80xi32, #tpu.memory_space<hbm>>
          %dma_start3A_87 = tpu.memref_squeeze %dma_start3A_86 : memref<1x40x80xi32, #tpu.memory_space<hbm>> -> memref<40x80xi32, #tpu.memory_space<hbm>>
          tpu.enqueue_dma source(%dma_start3A_87 : memref<40x80xi32, #tpu.memory_space<hbm>>) target(%arg8 : memref<40x80xi32, #tpu.memory_space<vmem>>) target_semaphore(%run_scoped3A_81 : memref<!tpu.dma_semaphore, #tpu.memory_space<semaphore_mem>>)
          %dma_wait3A_88 = arith.constant 0 : i32
          %dma_wait3A_89 = tpu.memref_slice %arg4[%add3A, %multiple_of3A, %dma_wait3A_88] : memref<32x125x80xi32, #tpu.memory_space<hbm>> -> memref<1x40x80xi32, #tpu.memory_space<hbm>>
          %dma_wait3A_90 = tpu.memref_squeeze %dma_wait3A_89 : memref<1x40x80xi32, #tpu.memory_space<hbm>> -> memref<40x80xi32, #tpu.memory_space<hbm>>
          %dma_wait3A_91 = arith.constant 0 : i32
          %dma_wait3A_92 = tpu.memref_slice %arg4[%add3A, %multiple_of3A, %dma_wait3A_91] : memref<32x125x80xi32, #tpu.memory_space<hbm>> -> memref<1x40x80xi32, #tpu.memory_space<hbm>>
          %dma_wait3A_93 = tpu.memref_squeeze %dma_wait3A_92 : memref<1x40x80xi32, #tpu.memory_space<hbm>> -> memref<40x80xi32, #tpu.memory_space<hbm>>
          tpu.wait_dma2 semaphore(%run_scoped3A_81 : memref<!tpu.dma_semaphore, #tpu.memory_space<semaphore_mem>>) src(%dma_wait3A_93 : memref<40x80xi32, #tpu.memory_space<hbm>>) dst(%arg8 : memref<40x80xi32, #tpu.memory_space<vmem>>)
          tpu.yield
        }) : () -> ()
      } else {
      }
    }
    %scan3A_37 = arith.constant 3 : i32
    "tpu.region"() ({
      %run_scoped3A_59 = tpu.sem_alloc : memref<!tpu.dma_semaphore, #tpu.memory_space<semaphore_mem>>
      %dma_start3A_60 = arith.constant 0 : i32
      %dma_start3A_61 = arith.constant 0 : i32
      %dma_start3A_62 = tpu.memref_slice %arg7[%dma_start3A_60, %dma_start3A_61] : memref<40x80xi32, #tpu.memory_space<vmem>> -> memref<5x80xi32, #tpu.memory_space<vmem>>
      %dma_start3A_63 = arith.constant 120 : i32
      %dma_start3A_64 = arith.constant 0 : i32
      %dma_start3A_65 = tpu.memref_slice %arg3[%add3A, %dma_start3A_63, %dma_start3A_64] : memref<32x125x80xi32, #tpu.memory_space<hbm>> -> memref<1x5x80xi32, #tpu.memory_space<hbm>>
      %dma_start3A_66 = tpu.memref_squeeze %dma_start3A_65 : memref<1x5x80xi32, #tpu.memory_space<hbm>> -> memref<5x80xi32, #tpu.memory_space<hbm>>
      %dma_start3A_67 = arith.constant 0 : i32
      %dma_start3A_68 = arith.constant 0 : i32
      %dma_start3A_69 = tpu.memref_slice %arg7[%dma_start3A_67, %dma_start3A_68] : memref<40x80xi32, #tpu.memory_space<vmem>> -> memref<5x80xi32, #tpu.memory_space<vmem>>
      %dma_start3A_70 = arith.constant 120 : i32
      %dma_start3A_71 = arith.constant 0 : i32
      %dma_start3A_72 = tpu.memref_slice %arg3[%add3A, %dma_start3A_70, %dma_start3A_71] : memref<32x125x80xi32, #tpu.memory_space<hbm>> -> memref<1x5x80xi32, #tpu.memory_space<hbm>>
      %dma_start3A_73 = tpu.memref_squeeze %dma_start3A_72 : memref<1x5x80xi32, #tpu.memory_space<hbm>> -> memref<5x80xi32, #tpu.memory_space<hbm>>
      tpu.enqueue_dma source(%dma_start3A_73 : memref<5x80xi32, #tpu.memory_space<hbm>>) target(%dma_start3A_69 : memref<5x80xi32, #tpu.memory_space<vmem>>) target_semaphore(%run_scoped3A_59 : memref<!tpu.dma_semaphore, #tpu.memory_space<semaphore_mem>>)
      %dma_wait3A_74 = arith.constant 0 : i32
      %dma_wait3A_75 = arith.constant 0 : i32
      %dma_wait3A_76 = tpu.memref_slice %arg7[%dma_wait3A_74, %dma_wait3A_75] : memref<40x80xi32, #tpu.memory_space<vmem>> -> memref<5x80xi32, #tpu.memory_space<vmem>>
      %dma_wait3A_77 = arith.constant 120 : i32
      %dma_wait3A_78 = arith.constant 0 : i32
      %dma_wait3A_79 = tpu.memref_slice %arg3[%add3A, %dma_wait3A_77, %dma_wait3A_78] : memref<32x125x80xi32, #tpu.memory_space<hbm>> -> memref<1x5x80xi32, #tpu.memory_space<hbm>>
      %dma_wait3A_80 = tpu.memref_squeeze %dma_wait3A_79 : memref<1x5x80xi32, #tpu.memory_space<hbm>> -> memref<5x80xi32, #tpu.memory_space<hbm>>
      %dma_wait3A_81 = arith.constant 0 : i32
      %dma_wait3A_82 = arith.constant 0 : i32
      %dma_wait3A_83 = tpu.memref_slice %arg7[%dma_wait3A_81, %dma_wait3A_82] : memref<40x80xi32, #tpu.memory_space<vmem>> -> memref<5x80xi32, #tpu.memory_space<vmem>>
      %dma_wait3A_84 = arith.constant 120 : i32
      %dma_wait3A_85 = arith.constant 0 : i32
      %dma_wait3A_86 = tpu.memref_slice %arg3[%add3A, %dma_wait3A_84, %dma_wait3A_85] : memref<32x125x80xi32, #tpu.memory_space<hbm>> -> memref<1x5x80xi32, #tpu.memory_space<hbm>>
      %dma_wait3A_87 = tpu.memref_squeeze %dma_wait3A_86 : memref<1x5x80xi32, #tpu.memory_space<hbm>> -> memref<5x80xi32, #tpu.memory_space<hbm>>
      tpu.wait_dma2 semaphore(%run_scoped3A_59 : memref<!tpu.dma_semaphore, #tpu.memory_space<semaphore_mem>>) src(%dma_wait3A_87 : memref<5x80xi32, #tpu.memory_space<hbm>>) dst(%dma_wait3A_83 : memref<5x80xi32, #tpu.memory_space<vmem>>)
      tpu.yield
    }) : () -> ()
    "tpu.region"() ({
      %run_scoped3A_59 = tpu.sem_alloc : memref<!tpu.dma_semaphore, #tpu.memory_space<semaphore_mem>>
      %dma_start3A_60 = arith.constant 0 : i32
      %dma_start3A_61 = arith.constant 0 : i32
      %dma_start3A_62 = tpu.memref_slice %arg8[%dma_start3A_60, %dma_start3A_61] : memref<40x80xi32, #tpu.memory_space<vmem>> -> memref<5x80xi32, #tpu.memory_space<vmem>>
      %dma_start3A_63 = arith.constant 120 : i32
      %dma_start3A_64 = arith.constant 0 : i32
      %dma_start3A_65 = tpu.memref_slice %arg4[%add3A, %dma_start3A_63, %dma_start3A_64] : memref<32x125x80xi32, #tpu.memory_space<hbm>> -> memref<1x5x80xi32, #tpu.memory_space<hbm>>
      %dma_start3A_66 = tpu.memref_squeeze %dma_start3A_65 : memref<1x5x80xi32, #tpu.memory_space<hbm>> -> memref<5x80xi32, #tpu.memory_space<hbm>>
      %dma_start3A_67 = arith.constant 0 : i32
      %dma_start3A_68 = arith.constant 0 : i32
      %dma_start3A_69 = tpu.memref_slice %arg8[%dma_start3A_67, %dma_start3A_68] : memref<40x80xi32, #tpu.memory_space<vmem>> -> memref<5x80xi32, #tpu.memory_space<vmem>>
      %dma_start3A_70 = arith.constant 120 : i32
      %dma_start3A_71 = arith.constant 0 : i32
      %dma_start3A_72 = tpu.memref_slice %arg4[%add3A, %dma_start3A_70, %dma_start3A_71] : memref<32x125x80xi32, #tpu.memory_space<hbm>> -> memref<1x5x80xi32, #tpu.memory_space<hbm>>
      %dma_start3A_73 = tpu.memref_squeeze %dma_start3A_72 : memref<1x5x80xi32, #tpu.memory_space<hbm>> -> memref<5x80xi32, #tpu.memory_space<hbm>>
      tpu.enqueue_dma source(%dma_start3A_73 : memref<5x80xi32, #tpu.memory_space<hbm>>) target(%dma_start3A_69 : memref<5x80xi32, #tpu.memory_space<vmem>>) target_semaphore(%run_scoped3A_59 : memref<!tpu.dma_semaphore, #tpu.memory_space<semaphore_mem>>)
      %dma_wait3A_74 = arith.constant 0 : i32
      %dma_wait3A_75 = arith.constant 0 : i32
      %dma_wait3A_76 = tpu.memref_slice %arg8[%dma_wait3A_74, %dma_wait3A_75] : memref<40x80xi32, #tpu.memory_space<vmem>> -> memref<5x80xi32, #tpu.memory_space<vmem>>
      %dma_wait3A_77 = arith.constant 120 : i32
      %dma_wait3A_78 = arith.constant 0 : i32
      %dma_wait3A_79 = tpu.memref_slice %arg4[%add3A, %dma_wait3A_77, %dma_wait3A_78] : memref<32x125x80xi32, #tpu.memory_space<hbm>> -> memref<1x5x80xi32, #tpu.memory_space<hbm>>
      %dma_wait3A_80 = tpu.memref_squeeze %dma_wait3A_79 : memref<1x5x80xi32, #tpu.memory_space<hbm>> -> memref<5x80xi32, #tpu.memory_space<hbm>>
      %dma_wait3A_81 = arith.constant 0 : i32
      %dma_wait3A_82 = arith.constant 0 : i32
      %dma_wait3A_83 = tpu.memref_slice %arg8[%dma_wait3A_81, %dma_wait3A_82] : memref<40x80xi32, #tpu.memory_space<vmem>> -> memref<5x80xi32, #tpu.memory_space<vmem>>
      %dma_wait3A_84 = arith.constant 120 : i32
      %dma_wait3A_85 = arith.constant 0 : i32
      %dma_wait3A_86 = tpu.memref_slice %arg4[%add3A, %dma_wait3A_84, %dma_wait3A_85] : memref<32x125x80xi32, #tpu.memory_space<hbm>> -> memref<1x5x80xi32, #tpu.memory_space<hbm>>
      %dma_wait3A_87 = tpu.memref_squeeze %dma_wait3A_86 : memref<1x5x80xi32, #tpu.memory_space<hbm>> -> memref<5x80xi32, #tpu.memory_space<hbm>>
      tpu.wait_dma2 semaphore(%run_scoped3A_59 : memref<!tpu.dma_semaphore, #tpu.memory_space<semaphore_mem>>) src(%dma_wait3A_87 : memref<5x80xi32, #tpu.memory_space<hbm>>) dst(%dma_wait3A_83 : memref<5x80xi32, #tpu.memory_space<vmem>>)
      tpu.yield
    }) : () -> ()
    %dma_start3A_38 = arith.constant 0 : i32
    %dma_start3A_39 = arith.constant 0 : i32
    %dma_start3A_40 = tpu.memref_slice %arg7[%dma_start3A_38, %dma_start3A_39] : memref<40x80xi32, #tpu.memory_space<vmem>> -> memref<1x80xi32, #tpu.memory_space<vmem>>
    %dma_start3A_41 = tpu.memref_squeeze %dma_start3A_40 : memref<1x80xi32, #tpu.memory_space<vmem>> -> memref<80xi32, #tpu.memory_space<vmem>>
    %dma_start3A_42 = arith.constant 0 : i32
    %dma_start3A_43 = arith.constant 0 : i32
    %dma_start3A_44 = tpu.memref_slice %arg2[%dma_start3A_42, %dma_start3A_43] : memref<10240x128xf32, #tpu.memory_space<hbm>> -> memref<10240x128xf32, #tpu.memory_space<hbm>>
    tpu.enqueue_indirect_dma source(%dma_start3A_44 : memref<10240x128xf32, #tpu.memory_space<hbm>>) target(%arg9 : memref<80x128xf32, #tpu.memory_space<vmem>>) offsets(%dma_start3A_41 : memref<80xi32, #tpu.memory_space<vmem>>) semaphore(%arg12 : memref<!tpu.dma_semaphore, #tpu.memory_space<semaphore_mem>>)
    %scan3A_45 = arith.constant 0 : i32
    %scan3A_46 = arith.constant 0 : i32
    %scan3A_47 = arith.constant 2 : i32
    %scan3A_48 = arith.addi %scan3A_46, %scan3A_47 : i32
    %scan3A_49 = arith.constant 1 : i32
    scf.for %scan3A_59 = %scan3A_46 to %scan3A_48 step %scan3A_49  : i32 {
      %mul3A_60 = arith.constant 2 : i32
      %mul3A_61 = arith.muli %mul3A_60, %scan3A_59 : i32
      %add3A_62 = arith.constant 1 : i32
      %add3A_63 = arith.addi %mul3A_61, %add3A_62 : i32
      %dma_start3A_64 = arith.constant 0 : i32
      %dma_start3A_65 = tpu.memref_slice %arg7[%add3A_63, %dma_start3A_64] : memref<40x80xi32, #tpu.memory_space<vmem>> -> memref<1x80xi32, #tpu.memory_space<vmem>>
      %dma_start3A_66 = tpu.memref_squeeze %dma_start3A_65 : memref<1x80xi32, #tpu.memory_space<vmem>> -> memref<80xi32, #tpu.memory_space<vmem>>
      %dma_start3A_67 = arith.constant 0 : i32
      %dma_start3A_68 = arith.constant 0 : i32
      %dma_start3A_69 = tpu.memref_slice %arg2[%dma_start3A_67, %dma_start3A_68] : memref<10240x128xf32, #tpu.memory_space<hbm>> -> memref<10240x128xf32, #tpu.memory_space<hbm>>
      tpu.enqueue_indirect_dma source(%dma_start3A_69 : memref<10240x128xf32, #tpu.memory_space<hbm>>) target(%arg10 : memref<80x128xf32, #tpu.memory_space<vmem>>) offsets(%dma_start3A_66 : memref<80xi32, #tpu.memory_space<vmem>>) semaphore(%arg13 : memref<!tpu.dma_semaphore, #tpu.memory_space<semaphore_mem>>)
      %dma_wait3A_70 = arith.constant 0 : i32
      %dma_wait3A_71 = tpu.memref_slice %arg7[%mul3A_61, %dma_wait3A_70] : memref<40x80xi32, #tpu.memory_space<vmem>> -> memref<1x80xi32, #tpu.memory_space<vmem>>
      %dma_wait3A_72 = tpu.memref_squeeze %dma_wait3A_71 : memref<1x80xi32, #tpu.memory_space<vmem>> -> memref<80xi32, #tpu.memory_space<vmem>>
      %dma_wait3A_73 = arith.constant 0 : i32
      %dma_wait3A_74 = arith.constant 0 : i32
      %dma_wait3A_75 = tpu.memref_slice %arg2[%dma_wait3A_73, %dma_wait3A_74] : memref<10240x128xf32, #tpu.memory_space<hbm>> -> memref<10240x128xf32, #tpu.memory_space<hbm>>
      tpu.wait_indirect_dma semaphore(%arg12 : memref<!tpu.dma_semaphore, #tpu.memory_space<semaphore_mem>>) src(%dma_wait3A_75 : memref<10240x128xf32, #tpu.memory_space<hbm>>) dst(%arg9 : memref<80x128xf32, #tpu.memory_space<vmem>>)
      "tpu.region"() ({
        %run_scoped3A_90 = tpu.sem_alloc : memref<!tpu.dma_semaphore, #tpu.memory_space<semaphore_mem>>
        %dma_start3A_91 = arith.constant 0 : i32
        %dma_start3A_92 = tpu.memref_slice %arg8[%mul3A_61, %dma_start3A_91] : memref<40x80xi32, #tpu.memory_space<vmem>> -> memref<1x80xi32, #tpu.memory_space<vmem>>
        %dma_start3A_93 = tpu.memref_squeeze %dma_start3A_92 : memref<1x80xi32, #tpu.memory_space<vmem>> -> memref<80xi32, #tpu.memory_space<vmem>>
        %dma_start3A_94 = arith.constant 0 : i32
        %dma_start3A_95 = arith.constant 0 : i32
        %dma_start3A_96 = tpu.memref_slice %arg11[%dma_start3A_94, %dma_start3A_95] : memref<10240x128xf32, #tpu.memory_space<vmem_shared>> -> memref<10240x128xf32, #tpu.memory_space<vmem_shared>>
        tpu.enqueue_indirect_dma source(%arg9 : memref<80x128xf32, #tpu.memory_space<vmem>>) target(%dma_start3A_96 : memref<10240x128xf32, #tpu.memory_space<vmem_shared>>) offsets(%dma_start3A_93 : memref<80xi32, #tpu.memory_space<vmem>>) semaphore(%run_scoped3A_90 : memref<!tpu.dma_semaphore, #tpu.memory_space<semaphore_mem>>) {add = true}
        %dma_wait3A_97 = arith.constant 0 : i32
        %dma_wait3A_98 = tpu.memref_slice %arg8[%mul3A_61, %dma_wait3A_97] : memref<40x80xi32, #tpu.memory_space<vmem>> -> memref<1x80xi32, #tpu.memory_space<vmem>>
        %dma_wait3A_99 = tpu.memref_squeeze %dma_wait3A_98 : memref<1x80xi32, #tpu.memory_space<vmem>> -> memref<80xi32, #tpu.memory_space<vmem>>
        %dma_wait3A_100 = arith.constant 0 : i32
        %dma_wait3A_101 = arith.constant 0 : i32
        %dma_wait3A_102 = tpu.memref_slice %arg11[%dma_wait3A_100, %dma_wait3A_101] : memref<10240x128xf32, #tpu.memory_space<vmem_shared>> -> memref<10240x128xf32, #tpu.memory_space<vmem_shared>>
        tpu.wait_indirect_dma semaphore(%run_scoped3A_90 : memref<!tpu.dma_semaphore, #tpu.memory_space<semaphore_mem>>) src(%arg9 : memref<80x128xf32, #tpu.memory_space<vmem>>) dst(%dma_wait3A_102 : memref<10240x128xf32, #tpu.memory_space<vmem_shared>>)
        tpu.yield
      }) : () -> ()
      %add3A_76 = arith.constant 2 : i32
      %add3A_77 = arith.addi %mul3A_61, %add3A_76 : i32
      %lt3A = arith.constant 5 : i32
      %lt3A_78 = arith.cmpi slt, %add3A_77, %lt3A : i32
      %convert_element_type3A = arith.extui %lt3A_78 : i1 to i32
      %cond3A = arith.constant 0 : i32
      %cond3A_79 = arith.cmpi ne, %convert_element_type3A, %cond3A : i32
      scf.if %cond3A_79 {
        %add3A_90 = arith.constant 2 : i32
        %add3A_91 = arith.addi %mul3A_61, %add3A_90 : i32
        %dma_start3A_92 = arith.constant 0 : i32
        %dma_start3A_93 = tpu.memref_slice %arg7[%add3A_91, %dma_start3A_92] : memref<40x80xi32, #tpu.memory_space<vmem>> -> memref<1x80xi32, #tpu.memory_space<vmem>>
        %dma_start3A_94 = tpu.memref_squeeze %dma_start3A_93 : memref<1x80xi32, #tpu.memory_space<vmem>> -> memref<80xi32, #tpu.memory_space<vmem>>
        %dma_start3A_95 = arith.constant 0 : i32
        %dma_start3A_96 = arith.constant 0 : i32
        %dma_start3A_97 = tpu.memref_slice %arg2[%dma_start3A_95, %dma_start3A_96] : memref<10240x128xf32, #tpu.memory_space<hbm>> -> memref<10240x128xf32, #tpu.memory_space<hbm>>
        tpu.enqueue_indirect_dma source(%dma_start3A_97 : memref<10240x128xf32, #tpu.memory_space<hbm>>) target(%arg9 : memref<80x128xf32, #tpu.memory_space<vmem>>) offsets(%dma_start3A_94 : memref<80xi32, #tpu.memory_space<vmem>>) semaphore(%arg12 : memref<!tpu.dma_semaphore, #tpu.memory_space<semaphore_mem>>)
      } else {
      }
      %add3A_80 = arith.constant 1 : i32
      %add3A_81 = arith.addi %mul3A_61, %add3A_80 : i32
      %dma_wait3A_82 = arith.constant 0 : i32
      %dma_wait3A_83 = tpu.memref_slice %arg7[%add3A_81, %dma_wait3A_82] : memref<40x80xi32, #tpu.memory_space<vmem>> -> memref<1x80xi32, #tpu.memory_space<vmem>>
      %dma_wait3A_84 = tpu.memref_squeeze %dma_wait3A_83 : memref<1x80xi32, #tpu.memory_space<vmem>> -> memref<80xi32, #tpu.memory_space<vmem>>
      %dma_wait3A_85 = arith.constant 0 : i32
      %dma_wait3A_86 = arith.constant 0 : i32
      %dma_wait3A_87 = tpu.memref_slice %arg2[%dma_wait3A_85, %dma_wait3A_86] : memref<10240x128xf32, #tpu.memory_space<hbm>> -> memref<10240x128xf32, #tpu.memory_space<hbm>>
      tpu.wait_indirect_dma semaphore(%arg13 : memref<!tpu.dma_semaphore, #tpu.memory_space<semaphore_mem>>) src(%dma_wait3A_87 : memref<10240x128xf32, #tpu.memory_space<hbm>>) dst(%arg10 : memref<80x128xf32, #tpu.memory_space<vmem>>)
      %add3A_88 = arith.constant 1 : i32
      %add3A_89 = arith.addi %mul3A_61, %add3A_88 : i32
      "tpu.region"() ({
        %run_scoped3A_90 = tpu.sem_alloc : memref<!tpu.dma_semaphore, #tpu.memory_space<semaphore_mem>>
        %dma_start3A_91 = arith.constant 0 : i32
        %dma_start3A_92 = tpu.memref_slice %arg8[%add3A_89, %dma_start3A_91] : memref<40x80xi32, #tpu.memory_space<vmem>> -> memref<1x80xi32, #tpu.memory_space<vmem>>
        %dma_start3A_93 = tpu.memref_squeeze %dma_start3A_92 : memref<1x80xi32, #tpu.memory_space<vmem>> -> memref<80xi32, #tpu.memory_space<vmem>>
        %dma_start3A_94 = arith.constant 0 : i32
        %dma_start3A_95 = arith.constant 0 : i32
        %dma_start3A_96 = tpu.memref_slice %arg11[%dma_start3A_94, %dma_start3A_95] : memref<10240x128xf32, #tpu.memory_space<vmem_shared>> -> memref<10240x128xf32, #tpu.memory_space<vmem_shared>>
        tpu.enqueue_indirect_dma source(%arg10 : memref<80x128xf32, #tpu.memory_space<vmem>>) target(%dma_start3A_96 : memref<10240x128xf32, #tpu.memory_space<vmem_shared>>) offsets(%dma_start3A_93 : memref<80xi32, #tpu.memory_space<vmem>>) semaphore(%run_scoped3A_90 : memref<!tpu.dma_semaphore, #tpu.memory_space<semaphore_mem>>) {add = true}
        %dma_wait3A_97 = arith.constant 0 : i32
        %dma_wait3A_98 = tpu.memref_slice %arg8[%add3A_89, %dma_wait3A_97] : memref<40x80xi32, #tpu.memory_space<vmem>> -> memref<1x80xi32, #tpu.memory_space<vmem>>
        %dma_wait3A_99 = tpu.memref_squeeze %dma_wait3A_98 : memref<1x80xi32, #tpu.memory_space<vmem>> -> memref<80xi32, #tpu.memory_space<vmem>>
        %dma_wait3A_100 = arith.constant 0 : i32
        %dma_wait3A_101 = arith.constant 0 : i32
        %dma_wait3A_102 = tpu.memref_slice %arg11[%dma_wait3A_100, %dma_wait3A_101] : memref<10240x128xf32, #tpu.memory_space<vmem_shared>> -> memref<10240x128xf32, #tpu.memory_space<vmem_shared>>
        tpu.wait_indirect_dma semaphore(%run_scoped3A_90 : memref<!tpu.dma_semaphore, #tpu.memory_space<semaphore_mem>>) src(%arg10 : memref<80x128xf32, #tpu.memory_space<vmem>>) dst(%dma_wait3A_102 : memref<10240x128xf32, #tpu.memory_space<vmem_shared>>)
        tpu.yield
      }) : () -> ()
    }
    %scan3A_50 = arith.constant 2 : i32
    %dma_wait3A_51 = arith.constant 4 : i32
    %dma_wait3A_52 = arith.constant 0 : i32
    %dma_wait3A_53 = tpu.memref_slice %arg7[%dma_wait3A_51, %dma_wait3A_52] : memref<40x80xi32, #tpu.memory_space<vmem>> -> memref<1x80xi32, #tpu.memory_space<vmem>>
    %dma_wait3A_54 = tpu.memref_squeeze %dma_wait3A_53 : memref<1x80xi32, #tpu.memory_space<vmem>> -> memref<80xi32, #tpu.memory_space<vmem>>
    %dma_wait3A_55 = arith.constant 0 : i32
    %dma_wait3A_56 = arith.constant 0 : i32
    %dma_wait3A_57 = tpu.memref_slice %arg2[%dma_wait3A_55, %dma_wait3A_56] : memref<10240x128xf32, #tpu.memory_space<hbm>> -> memref<10240x128xf32, #tpu.memory_space<hbm>>
    tpu.wait_indirect_dma semaphore(%arg12 : memref<!tpu.dma_semaphore, #tpu.memory_space<semaphore_mem>>) src(%dma_wait3A_57 : memref<10240x128xf32, #tpu.memory_space<hbm>>) dst(%arg9 : memref<80x128xf32, #tpu.memory_space<vmem>>)
    %run_scoped3A = arith.constant 4 : i32
    "tpu.region"() ({
      %run_scoped3A_59 = tpu.sem_alloc : memref<!tpu.dma_semaphore, #tpu.memory_space<semaphore_mem>>
      %dma_start3A_60 = arith.constant 0 : i32
      %dma_start3A_61 = tpu.memref_slice %arg8[%run_scoped3A, %dma_start3A_60] : memref<40x80xi32, #tpu.memory_space<vmem>> -> memref<1x80xi32, #tpu.memory_space<vmem>>
      %dma_start3A_62 = tpu.memref_squeeze %dma_start3A_61 : memref<1x80xi32, #tpu.memory_space<vmem>> -> memref<80xi32, #tpu.memory_space<vmem>>
      %dma_start3A_63 = arith.constant 0 : i32
      %dma_start3A_64 = arith.constant 0 : i32
      %dma_start3A_65 = tpu.memref_slice %arg11[%dma_start3A_63, %dma_start3A_64] : memref<10240x128xf32, #tpu.memory_space<vmem_shared>> -> memref<10240x128xf32, #tpu.memory_space<vmem_shared>>
      tpu.enqueue_indirect_dma source(%arg9 : memref<80x128xf32, #tpu.memory_space<vmem>>) target(%dma_start3A_65 : memref<10240x128xf32, #tpu.memory_space<vmem_shared>>) offsets(%dma_start3A_62 : memref<80xi32, #tpu.memory_space<vmem>>) semaphore(%run_scoped3A_59 : memref<!tpu.dma_semaphore, #tpu.memory_space<semaphore_mem>>) {add = true}
      %dma_wait3A_66 = arith.constant 0 : i32
      %dma_wait3A_67 = tpu.memref_slice %arg8[%run_scoped3A, %dma_wait3A_66] : memref<40x80xi32, #tpu.memory_space<vmem>> -> memref<1x80xi32, #tpu.memory_space<vmem>>
      %dma_wait3A_68 = tpu.memref_squeeze %dma_wait3A_67 : memref<1x80xi32, #tpu.memory_space<vmem>> -> memref<80xi32, #tpu.memory_space<vmem>>
      %dma_wait3A_69 = arith.constant 0 : i32
      %dma_wait3A_70 = arith.constant 0 : i32
      %dma_wait3A_71 = tpu.memref_slice %arg11[%dma_wait3A_69, %dma_wait3A_70] : memref<10240x128xf32, #tpu.memory_space<vmem_shared>> -> memref<10240x128xf32, #tpu.memory_space<vmem_shared>>
      tpu.wait_indirect_dma semaphore(%run_scoped3A_59 : memref<!tpu.dma_semaphore, #tpu.memory_space<semaphore_mem>>) src(%arg9 : memref<80x128xf32, #tpu.memory_space<vmem>>) dst(%dma_wait3A_71 : memref<10240x128xf32, #tpu.memory_space<vmem_shared>>)
      tpu.yield
    }) : () -> ()
    %barrier3A_58 = arith.constant 0 : index
    tpu.barrier barrier_id(%barrier3A_58)
    "tpu.region"() ({
      %run_scoped3A_59 = tpu.sem_alloc : memref<!tpu.dma_semaphore, #tpu.memory_space<semaphore_mem>>
      %dma_start3A_60 = arith.constant 0 : i32
      %dma_start3A_61 = tpu.memref_slice %arg6[%arg0, %mul3A_2, %dma_start3A_60] : memref<2x10240x128xf32, #tpu.memory_space<hbm>> -> memref<1x640x128xf32, #tpu.memory_space<hbm>>
      %dma_start3A_62 = tpu.memref_squeeze %dma_start3A_61 : memref<1x640x128xf32, #tpu.memory_space<hbm>> -> memref<640x128xf32, #tpu.memory_space<hbm>>
      %dma_start3A_63 = arith.constant 0 : i32
      %dma_start3A_64 = tpu.memref_slice %arg11[%mul3A_2, %dma_start3A_63] : memref<10240x128xf32, #tpu.memory_space<vmem_shared>> -> memref<640x128xf32, #tpu.memory_space<vmem_shared>>
      tpu.enqueue_dma source(%dma_start3A_64 : memref<640x128xf32, #tpu.memory_space<vmem_shared>>) target(%dma_start3A_62 : memref<640x128xf32, #tpu.memory_space<hbm>>) target_semaphore(%run_scoped3A_59 : memref<!tpu.dma_semaphore, #tpu.memory_space<semaphore_mem>>)
      %dma_wait3A_65 = arith.constant 0 : i32
      %dma_wait3A_66 = tpu.memref_slice %arg6[%arg0, %mul3A_2, %dma_wait3A_65] : memref<2x10240x128xf32, #tpu.memory_space<hbm>> -> memref<1x640x128xf32, #tpu.memory_space<hbm>>
      %dma_wait3A_67 = tpu.memref_squeeze %dma_wait3A_66 : memref<1x640x128xf32, #tpu.memory_space<hbm>> -> memref<640x128xf32, #tpu.memory_space<hbm>>
      %dma_wait3A_68 = arith.constant 0 : i32
      %dma_wait3A_69 = tpu.memref_slice %arg11[%mul3A_2, %dma_wait3A_68] : memref<10240x128xf32, #tpu.memory_space<vmem_shared>> -> memref<640x128xf32, #tpu.memory_space<vmem_shared>>
      tpu.wait_dma2 semaphore(%run_scoped3A_59 : memref<!tpu.dma_semaphore, #tpu.memory_space<semaphore_mem>>) src(%dma_wait3A_69 : memref<640x128xf32, #tpu.memory_space<vmem_shared>>) dst(%dma_wait3A_67 : memref<640x128xf32, #tpu.memory_space<hbm>>)
      tpu.yield
    }) : () -> ()
    return
  }
}

module attributes {stable_mosaic.version = 14 : i64} {
  func.func @_tc2_body(%arg0: i32, %arg1: memref<2x512x128xf32, #tpu.memory_space<vmem>>, %arg2: memref<512x128xf32, #tpu.memory_space<vmem>>, %arg3: memref<512x1xf32, #tpu.memory_space<vmem>>, %arg4: memref<1x128xf32, #tpu.memory_space<vmem>>, %arg5: memref<128x128xf32, #tpu.memory_space<vmem>>, %arg6: memref<512x128xf32, #tpu.memory_space<vmem>>) attributes {dimension_semantics = [#tpu.dimension_semantics<arbitrary>], iteration_bounds = array<i64: 20>, scalar_prefetch = 0 : i64, scratch_operands = 0 : i64, tpu.core_type = #tpu.core_type<tc>, window_params = [{transform_indices = @transform_0, window_bounds = array<i64: 2, 512, 128>}, {transform_indices = @transform_1, window_bounds = array<i64: 512, 128>}, {transform_indices = @transform_2, window_bounds = array<i64: 512, 1>}, {pipeline_mode = #tpu.pipeline_mode<synchronous>, transform_indices = @transform_3, window_bounds = array<i64: 1, 128>}, {pipeline_mode = #tpu.pipeline_mode<synchronous>, transform_indices = @transform_4, window_bounds = array<i64: 128, 128>}, {transform_indices = @transform_5, window_bounds = array<i64: 512, 128>}]} {
    %get3A = arith.constant 0 : index
    %get3A_0 = arith.constant 0 : index
    %get3A_1 = vector.load %arg3[%get3A, %get3A_0] : memref<512x1xf32, #tpu.memory_space<vmem>>, vector<512x1xf32>
    %get3A_2 = arith.constant 0 : index
    %get3A_3 = arith.constant 0 : index
    %get3A_4 = arith.constant 0 : index
    %get3A_5 = vector.load %arg1[%get3A_2, %get3A_3, %get3A_4] : memref<2x512x128xf32, #tpu.memory_space<vmem>>, vector<1x512x128xf32>
    %get3A_6 = vector.shape_cast %get3A_5 : vector<1x512x128xf32> to vector<512x128xf32>
    %get3A_7 = arith.constant 1 : index
    %get3A_8 = arith.constant 0 : index
    %get3A_9 = arith.constant 0 : index
    %get3A_10 = vector.load %arg1[%get3A_7, %get3A_8, %get3A_9] : memref<2x512x128xf32, #tpu.memory_space<vmem>>, vector<1x512x128xf32>
    %get3A_11 = vector.shape_cast %get3A_10 : vector<1x512x128xf32> to vector<512x128xf32>
    %add3A = arith.addf %get3A_6, %get3A_11 : vector<512x128xf32>
    %get3A_12 = arith.constant 0 : index
    %get3A_13 = arith.constant 0 : index
    %get3A_14 = vector.load %arg2[%get3A_12, %get3A_13] : memref<512x128xf32, #tpu.memory_space<vmem>>, vector<512x128xf32>
    %add3A_15 = arith.addf %add3A, %get3A_14 : vector<512x128xf32>
    %mul3A = vector.broadcast %get3A_1 : vector<512x1xf32> to vector<512x128xf32>
    %mul3A_16 = arith.mulf %mul3A, %add3A_15 : vector<512x128xf32>
    %get3A_17 = arith.constant 0 : index
    %get3A_18 = arith.constant 0 : index
    %get3A_19 = vector.load %arg4[%get3A_17, %get3A_18] : memref<1x128xf32, #tpu.memory_space<vmem>>, vector<1x128xf32>
    %add3A_20 = vector.broadcast %get3A_19 : vector<1x128xf32> to vector<512x128xf32>
    %add3A_21 = arith.addf %mul3A_16, %add3A_20 : vector<512x128xf32>
    %max3A = arith.constant 0.000000e+00 : f32
    %max3A_22 = vector.broadcast %max3A : f32 to vector<512x128xf32>
    %max3A_23 = arith.maximumf %add3A_21, %max3A_22 : vector<512x128xf32>
    %get3A_24 = arith.constant 0 : index
    %get3A_25 = arith.constant 0 : index
    %get3A_26 = vector.load %arg5[%get3A_24, %get3A_25] : memref<128x128xf32, #tpu.memory_space<vmem>>, vector<128x128xf32>
    %dot_general3A = arith.constant dense<0.000000e+00> : vector<512x128xf32>
    %dot_general3A_27 = tpu.matmul %max3A_23, %get3A_26, %dot_general3A {dimension_numbers = #tpu.dot_dimension_numbers<[1], [0], [0], [1], [0, 0, 1, 1], [], []>, transpose_lhs_hint = false} : vector<512x128xf32>, vector<128x128xf32>, vector<512x128xf32> -> vector<512x128xf32>
    %mul3A_28 = vector.broadcast %get3A_1 : vector<512x1xf32> to vector<512x128xf32>
    %mul3A_29 = arith.mulf %mul3A_28, %dot_general3A_27 : vector<512x128xf32>
    %swap3A = arith.constant 0 : index
    %swap3A_30 = arith.constant 0 : index
    %swap3A_31 = vector.load %arg6[%swap3A, %swap3A_30] : memref<512x128xf32, #tpu.memory_space<vmem>>, vector<512x128xf32>
    tpu.vector_store %arg6[%swap3A, %swap3A_30], %mul3A_29 {strides = array<i32>} : memref<512x128xf32, #tpu.memory_space<vmem>>, vector<512x128xf32>,
    return
  }
  func.func @transform_0(%arg0: i32) -> (i32, i32, i32) {
    %c0_i32 = arith.constant 0 : i32
    %c0_i32_0 = arith.constant 0 : i32
    %c0_i32_1 = arith.constant 0 : i32
    return %c0_i32, %arg0, %c0_i32_0 : i32, i32, i32
  }
  func.func @transform_1(%arg0: i32) -> (i32, i32) {
    %c0_i32 = arith.constant 0 : i32
    %c0_i32_0 = arith.constant 0 : i32
    return %arg0, %c0_i32 : i32, i32
  }
  func.func @transform_2(%arg0: i32) -> (i32, i32) {
    %c0_i32 = arith.constant 0 : i32
    %c0_i32_0 = arith.constant 0 : i32
    return %arg0, %c0_i32 : i32, i32
  }
  func.func @transform_3(%arg0: i32) -> (i32, i32) {
    %c0_i32 = arith.constant 0 : i32
    %c0_i32_0 = arith.constant 0 : i32
    %c0_i32_1 = arith.constant 0 : i32
    return %c0_i32, %c0_i32_0 : i32, i32
  }
  func.func @transform_4(%arg0: i32) -> (i32, i32) {
    %c0_i32 = arith.constant 0 : i32
    %c0_i32_0 = arith.constant 0 : i32
    %c0_i32_1 = arith.constant 0 : i32
    return %c0_i32, %c0_i32_0 : i32, i32
  }
  func.func @transform_5(%arg0: i32) -> (i32, i32) {
    %c0_i32 = arith.constant 0 : i32
    %c0_i32_0 = arith.constant 0 : i32
    return %arg0, %c0_i32 : i32, i32
  }
}

module attributes {stable_mosaic.version = 14 : i64} {
  func.func @_tc1_body(%arg0: i32, %arg1: memref<2x512x128xf32, #tpu.memory_space<vmem>>, %arg2: memref<512x128xf32, #tpu.memory_space<vmem>>, %arg3: memref<128x128xf32, #tpu.memory_space<vmem>>, %arg4: memref<512x128xf32, #tpu.memory_space<vmem>>, %arg5: memref<512x1xf32, #tpu.memory_space<vmem>>) attributes {dimension_semantics = [#tpu.dimension_semantics<arbitrary>], iteration_bounds = array<i64: 20>, scalar_prefetch = 0 : i64, scratch_operands = 0 : i64, tpu.core_type = #tpu.core_type<tc>, window_params = [{transform_indices = @transform_0, window_bounds = array<i64: 2, 512, 128>}, {transform_indices = @transform_1, window_bounds = array<i64: 512, 128>}, {pipeline_mode = #tpu.pipeline_mode<synchronous>, transform_indices = @transform_2, window_bounds = array<i64: 128, 128>}, {transform_indices = @transform_3, window_bounds = array<i64: 512, 128>}, {transform_indices = @transform_4, window_bounds = array<i64: 512, 1>}]} {
    %get3A = arith.constant 0 : index
    %get3A_0 = arith.constant 0 : index
    %get3A_1 = arith.constant 0 : index
    %get3A_2 = vector.load %arg1[%get3A, %get3A_0, %get3A_1] : memref<2x512x128xf32, #tpu.memory_space<vmem>>, vector<1x512x1xf32>
    %get3A_3 = vector.shape_cast %get3A_2 : vector<1x512x1xf32> to vector<512x1xf32>
    %get3A_4 = arith.constant 1 : index
    %get3A_5 = arith.constant 0 : index
    %get3A_6 = arith.constant 0 : index
    %get3A_7 = vector.load %arg1[%get3A_4, %get3A_5, %get3A_6] : memref<2x512x128xf32, #tpu.memory_space<vmem>>, vector<1x512x1xf32>
    %get3A_8 = vector.shape_cast %get3A_7 : vector<1x512x1xf32> to vector<512x1xf32>
    %add3A = arith.addf %get3A_3, %get3A_8 : vector<512x1xf32>
    %add3A_9 = arith.constant 1.000000e+00 : f32
    %add3A_10 = vector.broadcast %add3A_9 : f32 to vector<512x1xf32>
    %add3A_11 = arith.addf %add3A, %add3A_10 : vector<512x1xf32>
    %rsqrt3A = math.rsqrt %add3A_11 : vector<512x1xf32>
    %get3A_12 = arith.constant 0 : index
    %get3A_13 = arith.constant 0 : index
    %get3A_14 = vector.load %arg2[%get3A_12, %get3A_13] : memref<512x128xf32, #tpu.memory_space<vmem>>, vector<512x128xf32>
    %get3A_15 = arith.constant 0 : index
    %get3A_16 = arith.constant 0 : index
    %get3A_17 = vector.load %arg3[%get3A_15, %get3A_16] : memref<128x128xf32, #tpu.memory_space<vmem>>, vector<128x128xf32>
    %dot_general3A = arith.constant dense<0.000000e+00> : vector<512x128xf32>
    %dot_general3A_18 = tpu.matmul %get3A_14, %get3A_17, %dot_general3A {dimension_numbers = #tpu.dot_dimension_numbers<[1], [0], [0], [1], [0, 0, 1, 1], [], []>, transpose_lhs_hint = false} : vector<512x128xf32>, vector<128x128xf32>, vector<512x128xf32> -> vector<512x128xf32>
    %mul3A = vector.broadcast %rsqrt3A : vector<512x1xf32> to vector<512x128xf32>
    %mul3A_19 = arith.mulf %mul3A, %dot_general3A_18 : vector<512x128xf32>
    %swap3A = arith.constant 0 : index
    %swap3A_20 = arith.constant 0 : index
    %swap3A_21 = vector.load %arg4[%swap3A, %swap3A_20] : memref<512x128xf32, #tpu.memory_space<vmem>>, vector<512x128xf32>
    tpu.vector_store %arg4[%swap3A, %swap3A_20], %mul3A_19 {strides = array<i32>} : memref<512x128xf32, #tpu.memory_space<vmem>>, vector<512x128xf32>,
    %swap3A_22 = arith.constant 0 : index
    %swap3A_23 = arith.constant 0 : index
    %swap3A_24 = vector.load %arg5[%swap3A_22, %swap3A_23] : memref<512x1xf32, #tpu.memory_space<vmem>>, vector<512x1xf32>
    tpu.vector_store %arg5[%swap3A_22, %swap3A_23], %rsqrt3A {strides = array<i32>} : memref<512x1xf32, #tpu.memory_space<vmem>>, vector<512x1xf32>,
    return
  }
  func.func @transform_0(%arg0: i32) -> (i32, i32, i32) {
    %c0_i32 = arith.constant 0 : i32
    %c0_i32_0 = arith.constant 0 : i32
    %c0_i32_1 = arith.constant 0 : i32
    return %c0_i32, %arg0, %c0_i32_0 : i32, i32, i32
  }
  func.func @transform_1(%arg0: i32) -> (i32, i32) {
    %c0_i32 = arith.constant 0 : i32
    %c0_i32_0 = arith.constant 0 : i32
    return %arg0, %c0_i32 : i32, i32
  }
  func.func @transform_2(%arg0: i32) -> (i32, i32) {
    %c0_i32 = arith.constant 0 : i32
    %c0_i32_0 = arith.constant 0 : i32
    %c0_i32_1 = arith.constant 0 : i32
    return %c0_i32, %c0_i32_0 : i32, i32
  }
  func.func @transform_3(%arg0: i32) -> (i32, i32) {
    %c0_i32 = arith.constant 0 : i32
    %c0_i32_0 = arith.constant 0 : i32
    return %arg0, %c0_i32 : i32, i32
  }
  func.func @transform_4(%arg0: i32) -> (i32, i32) {
    %c0_i32 = arith.constant 0 : i32
    %c0_i32_0 = arith.constant 0 : i32
    return %arg0, %c0_i32 : i32, i32
  }
}

module attributes {stable_mosaic.version = 14 : i64} {
  func.func @_tc3_body(%arg0: i32, %arg1: memref<2x512x128xf32, #tpu.memory_space<vmem>>, %arg2: memref<512x128xf32, #tpu.memory_space<vmem>>, %arg3: memref<512x1xf32, #tpu.memory_space<vmem>>, %arg4: memref<1x128xf32, #tpu.memory_space<vmem>>, %arg5: memref<128x64xf32, #tpu.memory_space<vmem>>, %arg6: memref<1x64xf32, #tpu.memory_space<vmem>>, %arg7: memref<64x1xf32, #tpu.memory_space<vmem>>, %arg8: memref<1x1xf32, #tpu.memory_space<vmem>>, %arg9: memref<512x1xf32, #tpu.memory_space<vmem>>) attributes {dimension_semantics = [#tpu.dimension_semantics<arbitrary>], iteration_bounds = array<i64: 20>, scalar_prefetch = 0 : i64, scratch_operands = 0 : i64, tpu.core_type = #tpu.core_type<tc>, window_params = [{transform_indices = @transform_0, window_bounds = array<i64: 2, 512, 128>}, {transform_indices = @transform_1, window_bounds = array<i64: 512, 128>}, {transform_indices = @transform_2, window_bounds = array<i64: 512, 1>}, {pipeline_mode = #tpu.pipeline_mode<synchronous>, transform_indices = @transform_3, window_bounds = array<i64: 1, 128>}, {pipeline_mode = #tpu.pipeline_mode<synchronous>, transform_indices = @transform_4, window_bounds = array<i64: 128, 64>}, {pipeline_mode = #tpu.pipeline_mode<synchronous>, transform_indices = @transform_5, window_bounds = array<i64: 1, 64>}, {pipeline_mode = #tpu.pipeline_mode<synchronous>, transform_indices = @transform_6, window_bounds = array<i64: 64, 1>}, {pipeline_mode = #tpu.pipeline_mode<synchronous>, transform_indices = @transform_7, window_bounds = array<i64: 1, 1>}, {transform_indices = @transform_8, window_bounds = array<i64: 512, 1>}]} {
    %get3A = arith.constant 0 : index
    %get3A_0 = arith.constant 0 : index
    %get3A_1 = vector.load %arg3[%get3A, %get3A_0] : memref<512x1xf32, #tpu.memory_space<vmem>>, vector<512x1xf32>
    %get3A_2 = arith.constant 0 : index
    %get3A_3 = arith.constant 0 : index
    %get3A_4 = arith.constant 0 : index
    %get3A_5 = vector.load %arg1[%get3A_2, %get3A_3, %get3A_4] : memref<2x512x128xf32, #tpu.memory_space<vmem>>, vector<1x512x128xf32>
    %get3A_6 = vector.shape_cast %get3A_5 : vector<1x512x128xf32> to vector<512x128xf32>
    %get3A_7 = arith.constant 1 : index
    %get3A_8 = arith.constant 0 : index
    %get3A_9 = arith.constant 0 : index
    %get3A_10 = vector.load %arg1[%get3A_7, %get3A_8, %get3A_9] : memref<2x512x128xf32, #tpu.memory_space<vmem>>, vector<1x512x128xf32>
    %get3A_11 = vector.shape_cast %get3A_10 : vector<1x512x128xf32> to vector<512x128xf32>
    %add3A = arith.addf %get3A_6, %get3A_11 : vector<512x128xf32>
    %get3A_12 = arith.constant 0 : index
    %get3A_13 = arith.constant 0 : index
    %get3A_14 = vector.load %arg2[%get3A_12, %get3A_13] : memref<512x128xf32, #tpu.memory_space<vmem>>, vector<512x128xf32>
    %add3A_15 = arith.addf %add3A, %get3A_14 : vector<512x128xf32>
    %mul3A = vector.broadcast %get3A_1 : vector<512x1xf32> to vector<512x128xf32>
    %mul3A_16 = arith.mulf %mul3A, %add3A_15 : vector<512x128xf32>
    %get3A_17 = arith.constant 0 : index
    %get3A_18 = arith.constant 0 : index
    %get3A_19 = vector.load %arg4[%get3A_17, %get3A_18] : memref<1x128xf32, #tpu.memory_space<vmem>>, vector<1x128xf32>
    %add3A_20 = vector.broadcast %get3A_19 : vector<1x128xf32> to vector<512x128xf32>
    %add3A_21 = arith.addf %mul3A_16, %add3A_20 : vector<512x128xf32>
    %max3A = arith.constant 0.000000e+00 : f32
    %max3A_22 = vector.broadcast %max3A : f32 to vector<512x128xf32>
    %max3A_23 = arith.maximumf %add3A_21, %max3A_22 : vector<512x128xf32>
    %get3A_24 = arith.constant 0 : index
    %get3A_25 = arith.constant 0 : index
    %get3A_26 = vector.load %arg5[%get3A_24, %get3A_25] : memref<128x64xf32, #tpu.memory_space<vmem>>, vector<128x64xf32>
    %dot_general3A = arith.constant dense<0.000000e+00> : vector<512x64xf32>
    %dot_general3A_27 = tpu.matmul %max3A_23, %get3A_26, %dot_general3A {dimension_numbers = #tpu.dot_dimension_numbers<[1], [0], [0], [1], [0, 0, 1, 1], [], []>, transpose_lhs_hint = false} : vector<512x128xf32>, vector<128x64xf32>, vector<512x64xf32> -> vector<512x64xf32>
    %get3A_28 = arith.constant 0 : index
    %get3A_29 = arith.constant 0 : index
    %get3A_30 = vector.load %arg6[%get3A_28, %get3A_29] : memref<1x64xf32, #tpu.memory_space<vmem>>, vector<1x64xf32>
    %add3A_31 = vector.broadcast %get3A_30 : vector<1x64xf32> to vector<512x64xf32>
    %add3A_32 = arith.addf %dot_general3A_27, %add3A_31 : vector<512x64xf32>
    %max3A_33 = arith.constant 0.000000e+00 : f32
    %max3A_34 = vector.broadcast %max3A_33 : f32 to vector<512x64xf32>
    %max3A_35 = arith.maximumf %add3A_32, %max3A_34 : vector<512x64xf32>
    %get3A_36 = arith.constant 0 : index
    %get3A_37 = arith.constant 0 : index
    %get3A_38 = vector.load %arg7[%get3A_36, %get3A_37] : memref<64x1xf32, #tpu.memory_space<vmem>>, vector<64x1xf32>
    %dot_general3A_39 = arith.constant dense<0.000000e+00> : vector<512x1xf32>
    %dot_general3A_40 = tpu.matmul %max3A_35, %get3A_38, %dot_general3A_39 {dimension_numbers = #tpu.dot_dimension_numbers<[1], [0], [0], [1], [0, 0, 1, 1], [], []>, transpose_lhs_hint = false} : vector<512x64xf32>, vector<64x1xf32>, vector<512x1xf32> -> vector<512x1xf32>
    %get3A_41 = arith.constant 0 : index
    %get3A_42 = arith.constant 0 : index
    %get3A_43 = vector.load %arg8[%get3A_41, %get3A_42] : memref<1x1xf32, #tpu.memory_space<vmem>>, vector<1x1xf32>
    %add3A_44 = vector.broadcast %get3A_43 : vector<1x1xf32> to vector<512x1xf32>
    %add3A_45 = arith.addf %dot_general3A_40, %add3A_44 : vector<512x1xf32>
    %swap3A = arith.constant 0 : index
    %swap3A_46 = arith.constant 0 : index
    %swap3A_47 = vector.load %arg9[%swap3A, %swap3A_46] : memref<512x1xf32, #tpu.memory_space<vmem>>, vector<512x1xf32>
    tpu.vector_store %arg9[%swap3A, %swap3A_46], %add3A_45 {strides = array<i32>} : memref<512x1xf32, #tpu.memory_space<vmem>>, vector<512x1xf32>,
    return
  }
  func.func @transform_0(%arg0: i32) -> (i32, i32, i32) {
    %c0_i32 = arith.constant 0 : i32
    %c0_i32_0 = arith.constant 0 : i32
    %c0_i32_1 = arith.constant 0 : i32
    return %c0_i32, %arg0, %c0_i32_0 : i32, i32, i32
  }
  func.func @transform_1(%arg0: i32) -> (i32, i32) {
    %c0_i32 = arith.constant 0 : i32
    %c0_i32_0 = arith.constant 0 : i32
    return %arg0, %c0_i32 : i32, i32
  }
  func.func @transform_2(%arg0: i32) -> (i32, i32) {
    %c0_i32 = arith.constant 0 : i32
    %c0_i32_0 = arith.constant 0 : i32
    return %arg0, %c0_i32 : i32, i32
  }
  func.func @transform_3(%arg0: i32) -> (i32, i32) {
    %c0_i32 = arith.constant 0 : i32
    %c0_i32_0 = arith.constant 0 : i32
    %c0_i32_1 = arith.constant 0 : i32
    return %c0_i32, %c0_i32_0 : i32, i32
  }
  func.func @transform_4(%arg0: i32) -> (i32, i32) {
    %c0_i32 = arith.constant 0 : i32
    %c0_i32_0 = arith.constant 0 : i32
    %c0_i32_1 = arith.constant 0 : i32
    return %c0_i32, %c0_i32_0 : i32, i32
  }
  func.func @transform_5(%arg0: i32) -> (i32, i32) {
    %c0_i32 = arith.constant 0 : i32
    %c0_i32_0 = arith.constant 0 : i32
    %c0_i32_1 = arith.constant 0 : i32
    return %c0_i32, %c0_i32_0 : i32, i32
  }
  func.func @transform_6(%arg0: i32) -> (i32, i32) {
    %c0_i32 = arith.constant 0 : i32
    %c0_i32_0 = arith.constant 0 : i32
    %c0_i32_1 = arith.constant 0 : i32
    return %c0_i32, %c0_i32_0 : i32, i32
  }
  func.func @transform_7(%arg0: i32) -> (i32, i32) {
    %c0_i32 = arith.constant 0 : i32
    %c0_i32_0 = arith.constant 0 : i32
    %c0_i32_1 = arith.constant 0 : i32
    return %c0_i32, %c0_i32_0 : i32, i32
  }
  func.func @transform_8(%arg0: i32) -> (i32, i32) {
    %c0_i32 = arith.constant 0 : i32
    %c0_i32_0 = arith.constant 0 : i32
    return %arg0, %c0_i32 : i32, i32
  }
}

</mosaic_0001>

<sc_bundles>
// kernel: kernel.11.cloned.1.call-start
scs
__scs_entry_jumppad:
0x0: {  	(pc) =	sbr.rel $0x88, $3  }
0x1: {  	(tag) =	ssettag $0x0;
	lr =	simm.s32 $0x1  }
0x2: {  	[smem:$0x3F97] =	sst lr;
	_ =	strace $0xD0000000  }
0x3: {  	_ = 	snop  }
0x4: {  	_ = 	snop  }
0x5: {  	_ = 	snop  }
0x6: {  	_ = 	snop  }
0x7: {  	_ = 	snop  }
__scs_overlays_trampoline_lowered:
0x8: {  	[smem:$0x3FA6] =	sst s0  }
0x9: {  	[smem:$0x3FA7] =	sst s1  }
0xa: {  	[smem:$0x3FA8] =	sst s2  }
0xb: {  	[smem:$0x3FA9] =	sst s3  }
0xc: {  	[smem:$0x3FAA] =	sst s4  }
0xd: {  	[smem:$0x3FAB] =	sst s5  }
0xe: {  	[smem:$0x3FAC] =	sst s6  }
0xf: {  	[smem:$0x3FAD] =	sst s7  }
0x10: {  	[smem:$0x3FAE] =	sst s8  }
0x11: {  	[smem:$0x3FAF] =	sst s9;
	s0 =	simm.s32 @!p0 $0x0  }
0x12: {  	s1 =	sld [smem:$0x3F95];
	s0 =	simm.s32 @p0 $0x1  }
0x13: {  	[smem:$0x3FB0] =	sst s0;
	s0 =	simm.s32 @!p1 $0x0  }
0x14: {  	s2 =	sld [smem:$0x3F94];
	s0 =	simm.s32 @p1 $0x1  }
0x15: {  	[smem:$0x3FB1] =	sst s0;
	s0 =	simm.s32 @!p2 $0x0  }
0x16: {  	s3 =	sld [smem:$0x3FDB];
	s0 =	simm.s32 @p2 $0x1  }
0x17: {  	s4 =	simm.s32 $0x1BF5;
	[smem:$0x3FB3] =	sst s0  }
0x18: {  	s0 =	sld [smem:$0x3F96];
	_ =	swait.ge [sflag:s4], $0x0  }
0x19: {  	s7 =	sld [smem:$0x3F97]  }
0x1a: {  	s8 =	sadd.s32 $0xFFFFE003, lr  }
0x1b: {  	s9 =	sadd.s32 $0xFFFFFEF7, lr;
	s5 =	simm.s32 $0xFFFFFFFF;
	p2 =	slt.u32 s8, $0xFFFFF086  }
0x1c: {  	p1 =	slt.u32 s9, $0xF7A;
	s5 =	simm.s32 @!p2 $0x0  }
0x1d: {  	s5 =	simm.s32 @p1 $0x1;
	p0 =	seq.s32 s7, s2  }
0x1e: {  	s7 =	smul.u32 @!p0 $0xF7A, s2;
	p2 =	seq.s32 @!p0 s5, $0x0  }
0x1f: {  	s9 =	smul.u32 $0xF7A, s1;
	s8 =	simm.s32 @!p0 $0x1BF5;
	p2 =	por !p2, p0  }
0x20: {  	[sflag:s8] =	ssyncset.s32 @!p0 $0xFFFFF086;
	s6 =	sadd.s32 @!p0 s3, s7;
	s7 =	simm.s32 @!p0 $0x108  }
0x21: {  	s3 =	sadd.s32 s3, s9;
	s6 =	sadd.s32 @!p0 $0x88, s6;
	s7 =	simm.s32 @p2 $0x1082  }
0x22: {  	[simem:s7], [sflag:s8] =	dma.local @!p0 [hbm:s6], $0xF7A  }
0x23: {  	s9 =	sor.u32 $0xD0000000, s2;
	s6 =	simm.s32 $0x108;
	_ =	swait.ge @!p0 [sflag:s8], $0x0  }
0x24: {  	s3 =	sadd.s32 $0x88, s3;
	s6 =	simm.s32 @!p1 $0x1082;
	[sflag:s4] =	ssyncset.s32 $0xFFFFF086  }
0x25: {  	[simem:s6], [sflag:s4] =	dma.local [hbm:s3], $0xF7A  }
0x26: {  	[smem:$0x3F97] =	sst s1;
	(tag) =	ssettag s2;
	_ =	strace s9  }
0x27: {  	s1 =	sld [smem:$0x3FA7]  }
0x28: {  	s2 =	sld [smem:$0x3FA8]  }
0x29: {  	s4 =	sld [smem:$0x3FAA]  }
0x2a: {  	p0 =	seq.s32 s5, $0x0;
	s5 =	sld [smem:$0x3FAB]  }
0x2b: {  	s6 =	sld [smem:$0x3FAC]  }
0x2c: {  	s7 =	sld [smem:$0x3FAD]  }
0x2d: {  	s3 =	simm.s32 $0x108;
	s8 =	sld [smem:$0x3FAE]  }
0x2e: {  	s3 =	simm.s32 @!p0 $0x1082;
	s9 =	sld [smem:$0x3FAF]  }
0x2f: {  	lr =	sadd.s32 s0, s3;
	s0 =	sld [smem:$0x3FA6]  }
0x30: {  	s3 =	sld [smem:$0x3FA9]  }
0x31: {  	[smem:$0x3FB2] =	sst s10  }
0x32: {  	s10 =	sld [smem:$0x3FB0];
	_ =	sdelay $0x3  }
0x33: {  	p0 =	seq.s32 s10, $0x1;
	s10 =	sld [smem:$0x3FB2];
	_ =	sdelay $0x3  }
0x34: {  	[smem:$0x3FB2] =	sst s10  }
0x35: {  	s10 =	sld [smem:$0x3FB1];
	_ =	sdelay $0x3  }
0x36: {  	p1 =	seq.s32 s10, $0x1;
	s10 =	sld [smem:$0x3FB2];
	_ =	sdelay $0x3  }
0x37: {  	[smem:$0x3FB2] =	sst s10  }
0x38: {  	s10 =	sld [smem:$0x3FB3]  }
0x39: {  	_ = 	snop;
	(pc) =	sbr.ind lr, $3  }
0x3a: {  	_ = 	snop  }
0x3b: {  	_ = 	snop  }
0x3c: {  	p2 =	seq.s32 s10, $0x1;
	s10 =	sld [smem:$0x3FB2]  }
0x3d: {  	_ =	shalt  }
0x3e: {  	_ =	shalt  }
0x3f: {  	_ =	shalt  }
0x40: {  	_ =	shalt  }
0x41: {  	_ =	shalt  }
0x42: {  	_ =	shalt  }
0x43: {  	_ =	shalt  }
0x44: {  	_ =	shalt  }
0x45: {  	_ =	shalt  }
0x46: {  	_ =	shalt  }
0x47: {  	_ =	shalt  }
0x48: {  	_ =	shalt  }
0x49: {  	_ =	shalt  }
0x4a: {  	_ =	shalt  }
0x4b: {  	_ =	shalt  }
0x4c: {  	_ =	shalt  }
0x4d: {  	_ =	shalt  }
0x4e: {  	_ =	shalt  }
0x4f: {  	_ =	shalt  }
0x50: {  	_ =	shalt  }
0x51: {  	_ =	shalt  }
0x52: {  	_ =	shalt  }
0x53: {  	_ =	shalt  }
0x54: {  	_ =	shalt  }
0x55: {  	_ =	shalt  }
0x56: {  	_ =	shalt  }
0x57: {  	_ =	shalt  }
0x58: {  	_ =	shalt  }
0x59: {  	_ =	shalt  }
0x5a: {  	_ =	shalt  }
0x5b: {  	_ =	shalt  }
0x5c: {  	_ =	shalt  }
0x5d: {  	_ =	shalt  }
0x5e: {  	_ =	shalt  }
0x5f: {  	_ =	shalt  }
0x60: {  	_ =	shalt  }
0x61: {  	_ =	shalt  }
0x62: {  	_ =	shalt  }
0x63: {  	_ =	shalt  }
0x64: {  	_ =	shalt  }
0x65: {  	_ =	shalt  }
0x66: {  	_ =	shalt  }
0x67: {  	_ =	shalt  }
0x68: {  	_ =	shalt  }
0x69: {  	_ =	shalt  }
0x6a: {  	_ =	shalt  }
0x6b: {  	_ =	shalt  }
0x6c: {  	_ =	shalt  }
0x6d: {  	_ =	shalt  }
0x6e: {  	_ =	shalt  }
0x6f: {  	_ =	shalt  }
0x70: {  	_ =	shalt  }
0x71: {  	_ =	shalt  }
0x72: {  	_ =	shalt  }
0x73: {  	_ =	shalt  }
0x74: {  	_ =	shalt  }
0x75: {  	_ =	shalt  }
0x76: {  	_ =	shalt  }
0x77: {  	_ =	shalt  }
0x78: {  	_ =	shalt  }
0x79: {  	_ =	shalt  }
0x7a: {  	_ =	shalt  }
0x7b: {  	_ =	shalt  }
0x7c: {  	_ =	shalt  }
0x7d: {  	_ =	shalt  }
0x7e: {  	_ =	shalt  }
0x7f: {  	_ =	shalt  }
0x80: {  	_ =	shalt  }
0x81: {  	_ =	shalt  }
0x82: {  	_ =	shalt  }
0x83: {  	_ =	shalt  }
0x84: {  	_ =	shalt  }
0x85: {  	_ =	shalt  }
0x86: {  	_ =	shalt  }
0x87: {  	_ =	shalt  }
.Lfunc_end0:
.L_simem_size_0:
called_computation.1_lowered:
.L_overlay_start_0:
0x88: {  	s2 =	sld [smem:$0x3FD9]  }
0x89: {  	s3 =	sld [smem:$0x3FFE];
	_ =	sdelay $0x1  }
0x8a: {  	s1 =	srdreg.scid  }
0x8b: {  	s0 =	sand.u32 $0x1, s1  }
0x8c: {  	s16 =	sshll.u32 s0, $0xA;
	s2 =	sadd.s32 s3, s2  }
0x8d: {  	s2 =	sadd.s32 s2, s16  }
0x8e: {  	[smem:$0x3FBE] =	sst s2  }
0x8f: {  	_ = 	snop  }
0x90: {  	(tm) =	ssettm $0x1  }
0x91: {  	s17 =	sld [smem:$0x3FFB];
	_ =	sdelay $0x3  }
0x92: {  	_ =	strace s17  }
0x93: {  	s2 =	sld [smem:$0x3FFC];
	_ =	sdelay $0x3  }
0x94: {  	_ =	strace s2  }
0x95: {  	s2 =	sld [smem:$0x3FFD];
	_ =	sdelay $0x3  }
0x96: {  	_ =	strace s2  }
0x97: {  	_ =	strace $0x8FFFFFFF  }
0x98: {  	s18 =	sld [smem:$0x3FDB];
	_ =	sdelay $0x1  }
0x99: {  	s19 =	simm.s32 $_scs_section_size  }
0x9a: {  	s4 =	simm.s32 $_size__tile_overlayer_lowered;
	s5 =	simm.s32 $_tile_overlayer_lowered  }
0x9b: {  	s22 =	simm.s32 $0x1BFF;
	s21 =	sshll.u32 s5, $0x1;
	s2 =	sadd.s32 s19, s18  }
0x9c: {  	s6 =	simm.s32 $0x0;
	s20 =	sshll.u32 s4, $0x1;
	s4 =	sadd.s32 s21, s2  }
0x9d: {  	[timem:s6], [sflag:s22] =	dma.local [hbm:s4], s20  }
0x9e: {  	_ =	swait.ge [sflag:s22], s20  }
0x9f: {  	s3 =	ssub.s32 $0x0, s20;
	[sflag:s22] =	ssyncset.done $0x0  }
0xa0: {  	[sflag:s22] =	ssyncadd.s32 s3;
	_ =	sdelay $0x1  }
0xa1: {  	s23 =	simm.s32 $0x1B8B  }
0xa2: {  	_ =	swait.ge [sflag:s23], $0x1  }
0xa3: {  	[sflag:s23] =	ssyncset.done $0x0  }
0xa4: {  	s25 =	simm.s32 $0x1B8E;
	s24 =	sld [smem:$0x3FFE];
	[sflag:s23] =	ssyncadd.s32 $0xFFFFFFFF  }
0xa5: {  	s26 =	simm.s32 $execute0_lowered;
	[smem:$0x3FD2] =	sst s25  }
0xa6: {  	s4 =	sshll.u32 s26, $0x1;
	_ =	strace $0x80000049;
	[dreg:$0x1] =	wrdreg $0xFFFFFFFF  }
0xa7: {  	s28 =	simm.s32 $_size_execute0_lowered;
	s2 =	sadd.s32 s2, s4;
	[dreg:$0x0] =	wrdreg $0x0  }
0xa8: {  	s4 =	sshll.u32 s28, $0x1;
	[dreg:$0x2] =	wrdreg s2  }
0xa9: {  	[dreg:$0x3] =	wrdreg s4  }
0xaa: {  	[dreg:$0x4] =	wrdreg $0xC0  }
0xab: {  	_ =	task [dreg:s6], $0x5FFFF  }
0xac: {  	[dreg:$0x1] =	wrdreg $0xFFFFFFFF  }
0xad: {  	[dreg:$0x0] =	wrdreg $0x60  }
0xae: {  	[dreg:$0x2] =	wrdreg s24  }
0xaf: {  	[dreg:$0x3] =	wrdreg $0x78000  }
0xb0: {  	[dreg:$0x4] =	wrdreg $0x9  }
0xb1: {  	_ =	task.clear_ibuf [dreg:s6], $0x5FFFF;
	_ =	strace $0x90000049  }
0xb2: {  	s29 =	simm.s32 $0x9;
	_ =	strace $0x8000004B  }
0xb3: {  	_ =	swait.ge [sflag:s29], $0x1  }
0xb4: {  	[sflag:s29] =	ssyncadd.s32 $0xFFFFFFFF  }
0xb5: {  	_ =	strace $0x9000004B  }
0xb6: {  	_ =	sfence  }
0xb7: {  	s30 =	sld [smem:$0x0];
	_ =	sdelay $0x2  }
0xb8: {  	s31 =	sshll.u32 s1, $0xD;
	s1 =	sshrl.u32 s1, $0x2  }
0xb9: {  	s3 =	sand.u32 $0x4000, s31;
	s1 =	sadd.s32 s1, s30  }
0xba: {  	s0 =	sor.u32 s3, s0;
	s1 =	sshll.u32 s1, $0x11  }
0xbb: {  	s0 =	sor.u32 s1, s0  }
0xbc: {  	s0 =	sadd.s32 $0x8F2B, s0  }
0xbd: {  	[sflag:s0] =	ssyncadd.remote.s32 $0x1  }
0xbe: {  	_ =	sfence.sel $0xFFFF  }
0xbf: {  	[dreg:$0x0] =	wrdreg $0xFFFFFFFF;
	(pc) =	sbr.abs _section_cstart, $3  }
0xc0: {  	[dreg:$0x1] =	wrdreg $0xFFFFFFFF  }
0xc1: {  	_ =	task.clear_ibuf [dreg:s6], $0x2FFFF;
	_ =	strace $0x9FFFFFFF  }
0xc2: {  	(tm) =	ssettm $0x7FFFFFFF  }
0xc3: {  	_ =	shalt  }
tec
execute0_lowered:
.L_overlay_start_1:
0x0: {  	(tag) =	ssettag $0x1  }
0x1: {  	s0 =	rddreg [dreg:$0x0]  }
0x2: {  	s2 =	rddreg [dreg:$0x1]  }
0x3: {  	s13 =	stileid.u32;
	s1 =	srdreg.scid  }
0x4: {  	s3 =	simm.s32 $0x0;
	s16 =	simm.s32 $0x1400;
	s18 =	simm.s32 $0x4  }
0x5: {  	s28 =	simm.s32 $0x2700;
	s29 =	simm.s32 $0x2780;
	s30 =	simm.s32 $0x0  }
0x6: {  	s7 =	smul.u32 $0x14000, s13;
	s1 =	sand.u32 $0x1, s1;
	[smem:$0x7FF] =	sst s3  }
0x7: {  	s4 =	sadd.s32 $0x4A400, s0;
	s5 =	sadd.s32 $0x2400, s0;
	s6 =	sadd.s32 $0x12400, s0  }
0x8: {  	s20 =	sshll.u32 s13, $0xE;
	s11 =	smul.u32 $0x50000, s13;
	s26 =	sshll.u32 s13, $0x6  }
0x9: {  	s8 =	smul.u32 $0x140000, s1;
	_ =	strace $0x8000004A;
	s19 =	ssub.s32 $0x2, s1  }
0xa: {  	s1 =	sshll.u32 s1, $0x12;
	s9 =	sshrl.u32 s7, $0x3;
	s12 =	sshrl.u32 s19, $0x1  }
0xb: {  	s11 =	sshrl.u32 s11, $0x2;
	s7 =	sadd.s32 s7, s8;
	s10 =	sadd.s32 s9, s0  }
0xc: {  	s21 =	ssub.s32 s19, s12;
	s17 =	sadd.s32 s11, s2;
	s11 =	sor.u32 $0x1C04, s26  }
0xd: {  	s19 =	simm.s32 $0x3;
	s26 =	simm.s32 $0x1380;
	s7 =	sshrl.u32 s7, $0x3  }
0xe: {  	s25 =	sadd.s32 $0x22400, s10;
	s15 =	smax.u32 s21, $0x1;
	s17 =	sshrl.u32 s17, $0x3  }
0xf: {  	s21 =	simm.s32 $0x2800;
	s0 =	sadd.s32 s7, s0;
	s7 =	sor.u32 s20, s1  }
0x10: {  	[dreg:$0x5] =	wrdreg s25;
	s20 =	simm.s32 $0x50;
	s22 =	sshrl.u32 s7, $0x3  }
0x11: {  	s25 =	simm.s32 $0x2;
	s14 =	sadd.s32 $0x72400, s0;
	s23 =	sadd.s32 s5, s22  }
0x12: {  	s24 =	sadd.s32 s6, s22;
	s31 =	sor.u32 $0x780, s22;
	[dreg:$0x3] =	wrdreg s23  }
0x13: {  	s22 =	simm.s32 $0x5000;
	[dreg:$0x4] =	wrdreg s24;
	s12 =	sadd.s32 s5, s31  }
0x14: {  	s13 =	sadd.s32 s6, s31;
	s23 =	simm.s32 $0x1;
	s24 =	simm.s32 $0x5  }
.LBB2_1:
0x15: {  	s0 =	rddreg [dreg:$0x3]  }
0x16: {  	s9 =	rddreg [dreg:$0x4]  }
0x17: {  	[tilespmem:s3], [sflag:$0x3] =	stream.linear.gather [hbm4b:s0+s3], $0x1400, $0x38;
	[tilespmem:$0x1B800] =	vst v63  }
0x18: {  	s10 =	rddreg [dreg:$0x5]  }
0x19: {  	[tilespmem:s16], [sflag:$0x3] =	stream.linear.gather [hbm4b:s9+s3], $0x1400, $0x38;
	[tilespmem:$0x1B800] =	vst v63  }
0x1a: {  	[spmem:s17], [sflag:s11] =	dma.local [hbm:s10], $0x2800  }
0x1b: {  	_ =	swait.ge [sflag:s18], $0x2800  }
0x1c: {  	[sflag:s18] =	ssyncset.done $0x0  }
0x1d: {  	[sflag:s18] =	ssyncadd.s32 $0xFFFFD800  }
0x1e: {  	_ =	swait.ge [sflag:s19], $0x1400  }
0x1f: {  	[sflag:s19] =	ssyncset.done $0x0  }
0x20: {  	[sflag:s19] =	ssyncadd.s32 $0xFFFFEC00  }
0x21: {  	_ =	swait.ge [sflag:s19], $0x1400  }
0x22: {  	[sflag:s19] =	ssyncset.done $0x0  }
0x23: {  	[sflag:s19] =	ssyncadd.s32 $0xFFFFEC00  }
0x24: {  	s31 =	simm.s32 $0x0;
	[bflag:$0x0] =	sbarrier.arrive $0xFFFF  }
.LBB2_2:
0x25: {  	s0 =	simm.s32 $0x0  }
0x26: {  	[tilespmem:s21], [sflag:$0x1] =	stream.indirect.gather [hbm4b:s4+s20], $0x80, s0, s20, $0xb8;
	[tilespmem:$0x1B800] =	vst v63  }
0x27: {  	s1 =	simm.s32 $0x80  }
0x28: {  	[tilespmem:s22], [sflag:$0x2] =	stream.indirect.gather [hbm4b:s4+s20], $0x80, s1, s20, $0xb8;
	[tilespmem:$0x1B800] =	vst v63  }
0x29: {  	_ =	swait.ge [sflag:s23], $0x2800  }
0x2a: {  	[sflag:s23] =	ssyncset.done $0x0  }
0x2b: {  	s8 =	simm.s32 $0x1400;
	[sflag:s23] =	ssyncadd.s32 $0xFFFFD800  }
0x2c: {  	[spmem:s2] =	stream.indirect.scatter.add.f32 [tilespmem:s21], [sflag:$0x5], $0x80, s8, s20, $0xb8;
	[tilespmem:$0x1B800] =	vst v63  }
0x2d: {  	_ =	swait.ge [sflag:s24], $0x2800  }
0x2e: {  	[sflag:s24] =	ssyncset.done $0x0  }
0x2f: {  	s9 =	simm.s32 $0x100;
	[sflag:s24] =	ssyncadd.s32 $0xFFFFD800  }
0x30: {  	[tilespmem:s21], [sflag:$0x1] =	stream.indirect.gather [hbm4b:s4+s20], $0x80, s9, s20, $0xb8;
	[tilespmem:$0x1B800] =	vst v63  }
0x31: {  	_ =	swait.ge [sflag:s25], $0x2800  }
0x32: {  	[sflag:s25] =	ssyncset.done $0x0  }
0x33: {  	s10 =	simm.s32 $0x1480;
	[sflag:s25] =	ssyncadd.s32 $0xFFFFD800  }
0x34: {  	[spmem:s2] =	stream.indirect.scatter.add.f32 [tilespmem:s22], [sflag:$0x5], $0x80, s10, s20, $0xb8;
	[tilespmem:$0x1B800] =	vst v63  }
0x35: {  	_ =	swait.ge [sflag:s24], $0x2800  }
0x36: {  	s0 =	simm.s32 $0x100;
	s1 =	simm.s32 $0x800;
	[sflag:s24] =	ssyncset.done $0x0  }
.LBB2_3:
0x37: {  	s8 =	sadd.s32 $0x80, s0  }
0x38: {  	[sflag:s24] =	ssyncadd.s32 $0xFFFFD800;
	s9 =	smov.u32 s1;
	s10 =	sadd.s32 $0x400, s1  }
0x39: {  	[tilespmem:s22], [sflag:$0x2] =	stream.indirect.gather [hbm4b:s4+s20], $0x80, s8, s20, $0xb8;
	[tilespmem:$0x1B800] =	vst v63  }
0x3a: {  	p0 =	sne.s32 s1, $0x4800;
	_ =	swait.ge [sflag:s23], $0x2800  }
0x3b: {  	[sflag:s23] =	ssyncset.done $0x0  }
0x3c: {  	s1 =	sadd.s32 $0x1400, s0;
	[sflag:s23] =	ssyncadd.s32 $0xFFFFD800  }
0x3d: {  	[spmem:s2] =	stream.indirect.scatter.add.f32 [tilespmem:s21], [sflag:$0x5], $0x80, s1, s20, $0xb8;
	[tilespmem:$0x1B800] =	vst v63  }
0x3e: {  	_ =	swait.ge [sflag:s24], $0x2800  }
0x3f: {  	[sflag:s24] =	ssyncset.done $0x0  }
0x40: {  	s1 =	sadd.s32 $0x100, s0;
	[sflag:s24] =	ssyncadd.s32 $0xFFFFD800  }
0x41: {  	[tilespmem:s21], [sflag:$0x1] =	stream.indirect.gather [hbm4b:s4+s20], $0x80, s1, s20, $0xb8;
	[tilespmem:$0x1B800] =	vst v63  }
0x42: {  	_ =	swait.ge [sflag:s25], $0x2800  }
.Ltmp0:
0x43: {  	[sflag:s25] =	ssyncset.done $0x0;
	(pc) =	sbr.rel @p0 .LBB2_3-.Ltmp0, $4  }
0x44: {  	s0 =	sadd.s32 $0x1480, s0;
	[sflag:s25] =	ssyncadd.s32 $0xFFFFD800  }
0x45: {  	[spmem:s2] =	stream.indirect.scatter.add.f32 [tilespmem:s22], [sflag:$0x5], $0x80, s0, s20, $0xb8;
	[tilespmem:$0x1B800] =	vst v63  }
0x46: {  	_ =	swait.ge [sflag:s24], $0x2800  }
0x47: {  	s1 =	smov.u32 s10;
	s0 =	sshra.s32 s9, $0x2;
	[sflag:s24] =	ssyncset.done $0x0  }
0x48: {  	s1 =	sadd.s32 $0x80, s0;
	[sflag:s24] =	ssyncadd.s32 $0xFFFFD800  }
0x49: {  	[tilespmem:s22], [sflag:$0x2] =	stream.indirect.gather [hbm4b:s4+s20], $0x80, s1, s20, $0xb8;
	[tilespmem:$0x1B800] =	vst v63  }
0x4a: {  	_ =	swait.ge [sflag:s23], $0x2800  }
0x4b: {  	[sflag:s23] =	ssyncset.done $0x0  }
0x4c: {  	s8 =	sadd.s32 $0x1400, s0;
	[sflag:s23] =	ssyncadd.s32 $0xFFFFD800  }
0x4d: {  	[spmem:s2] =	stream.indirect.scatter.add.f32 [tilespmem:s21], [sflag:$0x5], $0x80, s8, s20, $0xb8;
	[tilespmem:$0x1B800] =	vst v63  }
0x4e: {  	_ =	swait.ge [sflag:s24], $0x2800  }
0x4f: {  	[sflag:s24] =	ssyncset.done $0x0  }
0x50: {  	s9 =	sadd.s32 $0x100, s0;
	[sflag:s24] =	ssyncadd.s32 $0xFFFFD800  }
0x51: {  	[tilespmem:s21], [sflag:$0x1] =	stream.indirect.gather [hbm4b:s4+s20], $0x80, s9, s20, $0xb8;
	[tilespmem:$0x1B800] =	vst v63  }
0x52: {  	_ =	swait.ge [sflag:s25], $0x2800  }
0x53: {  	[sflag:s25] =	ssyncset.done $0x0  }
0x54: {  	s10 =	sadd.s32 $0x1480, s0;
	[sflag:s25] =	ssyncadd.s32 $0xFFFFD800  }
0x55: {  	[spmem:s2] =	stream.indirect.scatter.add.f32 [tilespmem:s22], [sflag:$0x5], $0x80, s10, s20, $0xb8;
	[tilespmem:$0x1B800] =	vst v63  }
0x56: {  	_ =	swait.ge [sflag:s24], $0x2800  }
0x57: {  	[sflag:s24] =	ssyncset.done $0x0  }
0x58: {  	[sflag:s24] =	ssyncadd.s32 $0xFFFFD800  }
0x59: {  	[tilespmem:s22], [sflag:$0x2] =	stream.indirect.gather [hbm4b:s4+s20], $0x80, s26, s20, $0xb8;
	[tilespmem:$0x1B800] =	vst v63  }
0x5a: {  	_ =	swait.ge [sflag:s23], $0x2800  }
0x5b: {  	[sflag:s23] =	ssyncset.done $0x0  }
0x5c: {  	[sflag:s23] =	ssyncadd.s32 $0xFFFFD800  }
0x5d: {  	[spmem:s2] =	stream.indirect.scatter.add.f32 [tilespmem:s21], [sflag:$0x5], $0x80, s28, s20, $0xb8;
	[tilespmem:$0x1B800] =	vst v63  }
0x5e: {  	_ =	swait.ge [sflag:s24], $0x2800  }
0x5f: {  	[sflag:s24] =	ssyncset.done $0x0  }
0x60: {  	[sflag:s24] =	ssyncadd.s32 $0xFFFFD800  }
0x61: {  	p0 =	seq.s32 s31, $0x2;
	_ =	swait.ge [sflag:s25], $0x2800  }
0x62: {  	s31 =	sadd.s32 @!p0 $0x1, s31;
	[sflag:s25] =	ssyncset.done $0x0  }
0x63: {  	s0 =	smul.u32 @!p0 $0x1400, s31;
	[sflag:s25] =	ssyncadd.s32 $0xFFFFD800  }
0x64: {  	[spmem:s2] =	stream.indirect.scatter.add.f32 [tilespmem:s22], [sflag:$0x5], $0x80, s29, s20, $0xb8;
	[tilespmem:$0x1B800] =	vst v63  }
0x65: {  	s0 =	sadd.s32 @!p0 s7, s0;
	_ =	swait.ge [sflag:s24], $0x2800  }
0x66: {  	s0 =	sshrl.u32 @!p0 s0, $0x3;
	[sflag:s24] =	ssyncset.done $0x0  }
0x67: {  	s8 =	simm.s32 @!p0 $0x0;
	s1 =	sadd.s32 @!p0 s5, s0;
	[sflag:s24] =	ssyncadd.s32 $0xFFFFD800  }
0x68: {  	[tilespmem:s8], [sflag:$0x5] =	stream.linear.gather @!p0 [hbm4b:s1+s8], $0x1400, $0x38;
	[tilespmem:$0x1B800] =	vst v63  }
0x69: {  	s1 =	simm.s32 @!p0 $0x5  }
0x6a: {  	p1 =	sne.s32 @!p0 s31, $0x3;
	_ =	swait.ge @!p0 [sflag:s1], $0x1400  }
0x6b: {  	p1 =	por p0, !p1;
	[sflag:s1] =	ssyncset.done @!p0 $0x0  }
0x6c: {  	s0 =	sadd.s32 @!p0 s6, s0;
	[sflag:s1] =	ssyncadd.s32 @!p0 $0xFFFFEC00;
	s1 =	simm.s32 @!p0 $0x1400  }
0x6d: {  	[tilespmem:s1], [sflag:$0x4] =	stream.linear.gather @!p0 [hbm4b:s0+s8], $0x1400, $0x38;
	[tilespmem:$0x1B800] =	vst v63  }
.Ltmp1:
0x6e: {  	_ = 	snop;
	(pc) =	sbr.rel @!p1 .LBB2_2-.Ltmp1, $4  }
0x6f: {  	s0 =	simm.s32 @!p0 $0x4  }
0x70: {  	_ =	swait.ge @!p0 [sflag:s0], $0x1400  }
0x71: {  	[sflag:s0] =	ssyncset.done @!p0 $0x0  }
0x72: {  	[sflag:s0] =	ssyncadd.s32 @!p0 $0xFFFFEC00  }
0x73: {  	[tilespmem:s3], [sflag:$0x4] =	stream.linear.gather [hbm4b:s12+s3], $0x280, $0x38;
	[tilespmem:$0x1B800] =	vst v63  }
0x74: {  	_ =	swait.ge [sflag:s18], $0x280  }
0x75: {  	[sflag:s18] =	ssyncset.done $0x0  }
0x76: {  	[sflag:s18] =	ssyncadd.s32 $0xFFFFFD80  }
0x77: {  	[tilespmem:s16], [sflag:$0x4] =	stream.linear.gather [hbm4b:s13+s3], $0x280, $0x38;
	[tilespmem:$0x1B800] =	vst v63  }
0x78: {  	_ =	swait.ge [sflag:s18], $0x280  }
0x79: {  	[sflag:s18] =	ssyncset.done $0x0  }
0x7a: {  	[sflag:s18] =	ssyncadd.s32 $0xFFFFFD80  }
0x7b: {  	[tilespmem:s21], [sflag:$0x1] =	stream.indirect.gather [hbm4b:s4+s20], $0x80, s3, s20, $0xb8;
	[tilespmem:$0x1B800] =	vst v63  }
0x7c: {  	s0 =	simm.s32 $0x80  }
0x7d: {  	[tilespmem:s22], [sflag:$0x2] =	stream.indirect.gather [hbm4b:s4+s20], $0x80, s0, s20, $0xb8;
	[tilespmem:$0x1B800] =	vst v63  }
0x7e: {  	_ =	swait.ge [sflag:s23], $0x2800  }
0x7f: {  	[sflag:s23] =	ssyncset.done $0x0  }
0x80: {  	[sflag:s23] =	ssyncadd.s32 $0xFFFFD800  }
0x81: {  	[spmem:s2] =	stream.indirect.scatter.add.f32 [tilespmem:s21], [sflag:$0x4], $0x80, s16, s20, $0xb8;
	[tilespmem:$0x1B800] =	vst v63  }
0x82: {  	_ =	swait.ge [sflag:s18], $0x2800  }
0x83: {  	[sflag:s18] =	ssyncset.done $0x0  }
0x84: {  	s10 =	simm.s32 $0x100;
	[sflag:s18] =	ssyncadd.s32 $0xFFFFD800  }
0x85: {  	[tilespmem:s21], [sflag:$0x1] =	stream.indirect.gather [hbm4b:s4+s20], $0x80, s10, s20, $0xb8;
	[tilespmem:$0x1B800] =	vst v63  }
0x86: {  	_ =	swait.ge [sflag:s25], $0x2800  }
0x87: {  	[sflag:s25] =	ssyncset.done $0x0  }
0x88: {  	s31 =	simm.s32 $0x1480;
	[sflag:s25] =	ssyncadd.s32 $0xFFFFD800  }
0x89: {  	[spmem:s2] =	stream.indirect.scatter.add.f32 [tilespmem:s22], [sflag:$0x4], $0x80, s31, s20, $0xb8;
	[tilespmem:$0x1B800] =	vst v63  }
0x8a: {  	_ =	swait.ge [sflag:s18], $0x2800  }
0x8b: {  	[sflag:s18] =	ssyncset.done $0x0  }
0x8c: {  	s1 =	simm.s32 $0x180;
	[sflag:s18] =	ssyncadd.s32 $0xFFFFD800  }
0x8d: {  	[tilespmem:s22], [sflag:$0x2] =	stream.indirect.gather [hbm4b:s4+s20], $0x80, s1, s20, $0xb8;
	[tilespmem:$0x1B800] =	vst v63  }
0x8e: {  	_ =	swait.ge [sflag:s23], $0x2800  }
0x8f: {  	[sflag:s23] =	ssyncset.done $0x0  }
0x90: {  	s8 =	simm.s32 $0x1500;
	[sflag:s23] =	ssyncadd.s32 $0xFFFFD800  }
0x91: {  	[spmem:s2] =	stream.indirect.scatter.add.f32 [tilespmem:s21], [sflag:$0x4], $0x80, s8, s20, $0xb8;
	[tilespmem:$0x1B800] =	vst v63  }
0x92: {  	_ =	swait.ge [sflag:s18], $0x2800  }
0x93: {  	[sflag:s18] =	ssyncset.done $0x0  }
0x94: {  	s9 =	simm.s32 $0x200;
	[sflag:s18] =	ssyncadd.s32 $0xFFFFD800  }
0x95: {  	[tilespmem:s21], [sflag:$0x1] =	stream.indirect.gather [hbm4b:s4+s20], $0x80, s9, s20, $0xb8;
	[tilespmem:$0x1B800] =	vst v63  }
0x96: {  	_ =	swait.ge [sflag:s25], $0x2800  }
0x97: {  	[sflag:s25] =	ssyncset.done $0x0  }
0x98: {  	s10 =	simm.s32 $0x1580;
	[sflag:s25] =	ssyncadd.s32 $0xFFFFD800  }
0x99: {  	[spmem:s2] =	stream.indirect.scatter.add.f32 [tilespmem:s22], [sflag:$0x4], $0x80, s10, s20, $0xb8;
	[tilespmem:$0x1B800] =	vst v63  }
0x9a: {  	_ =	swait.ge [sflag:s18], $0x2800  }
0x9b: {  	[sflag:s18] =	ssyncset.done $0x0  }
0x9c: {  	[sflag:s18] =	ssyncadd.s32 $0xFFFFD800  }
0x9d: {  	_ =	swait.ge [sflag:s23], $0x2800  }
0x9e: {  	[sflag:s23] =	ssyncset.done $0x0  }
0x9f: {  	s31 =	simm.s32 $0x1600;
	[sflag:s23] =	ssyncadd.s32 $0xFFFFD800  }
0xa0: {  	[spmem:s2] =	stream.indirect.scatter.add.f32 [tilespmem:s21], [sflag:$0x4], $0x80, s31, s20, $0xb8;
	[tilespmem:$0x1B800] =	vst v63  }
0xa1: {  	_ =	swait.ge [sflag:s18], $0x2800  }
0xa2: {  	s30 =	sadd.s32 $0x1, s30;
	[sflag:s18] =	ssyncset.done $0x0  }
0xa3: {  	p0 =	sne.s32 s30, s15;
	[sflag:s18] =	ssyncadd.s32 $0xFFFFD800  }
.Ltmp2:
0xa4: {  	[bflag:$0x0] =	sbarrier.arrive $0xFFFF;
	(pc) =	sbr.rel @p0 .LBB2_1-.Ltmp2, $4  }
0xa5: {  	[hbm:s14], [sflag:s11] =	dma.local [spmem:s17], $0x2800  }
0xa6: {  	_ =	swait.ge [sflag:s18], $0x2800  }
0xa7: {  	[sflag:s18] =	ssyncset.done $0x0  }
0xa8: {  	[sflag:s18] =	ssyncadd.s32 $0xFFFFD800  }
0xa9: {  	_ =	sfence.sel $0x180000  }
0xaa: {  	[bflag:$0x0] =	sbarrier.arrive $0xFFFF  }
0xab: {  	_ =	strace $0x9000004A  }
0xac: {  	s0 =	stileid.u32;
	[bflag:$0x2] =	sbarrier.arrive $0xFFFF  }
0xad: {  	p0 =	sne.s32 s0, $0x0;
	s0 =	rddreg [dreg:$0x2]  }
0xae: {  	s0 =	sadd.s32 @!p0 $0x100000, s0  }
0xaf: {  	[sflag:s0] =	ssyncadd.tile.s32 @!p0 $0x1;
	_ =	shalt  }
.Lfunc_end2:
_tile_overlayer_lowered:
.L_overlay_start_2:
0xb0: {  	(tag) =	ssettag $0x2  }
0xb1: {  	s0 =	rddreg [dreg:$0x0];
	s2 =	stileid.u32  }
0xb2: {  	s1 =	rddreg [dreg:$0x1];
	p0 =	sne.s32 s2, $0x0  }
0xb3: {  	s3 =	rddreg [dreg:$0x2];
	[bflag:$0x3] =	sbarrier.arrive $0xFFFF;
	s2 =	simm.s32 @!p0 $0x1C04  }
0xb4: {  	[timem:s3], [sflag:s2] =	dma.local @!p0 [hbm:s0], s1  }
0xb5: {  	s0 =	simm.s32 @!p0 $0x4  }
0xb6: {  	_ =	swait.ge @!p0 [sflag:s0], s1  }
0xb7: {  	s1 =	ssub.s32 @!p0 $0x0, s1;
	[sflag:s0] =	ssyncset.done @!p0 $0x0  }
0xb8: {  	[sflag:s0] =	ssyncadd.s32 @!p0 s1  }
0xb9: {  	[bflag:$0x3] =	sbarrier.arrive $0xFFFF  }
0xba: {  	_ =	shalt  }

// kernel: kernel.14.cloned.1.call-start
scs
__scs_entry_jumppad:
0x0: {  	(pc) =	sbr.rel $0x88, $3  }
0x1: {  	(tag) =	ssettag $0x0;
	lr =	simm.s32 $0x1  }
0x2: {  	[smem:$0x3F97] =	sst lr;
	_ =	strace $0xD0000000  }
0x3: {  	_ = 	snop  }
0x4: {  	_ = 	snop  }
0x5: {  	_ = 	snop  }
0x6: {  	_ = 	snop  }
0x7: {  	_ = 	snop  }
__scs_overlays_trampoline_lowered:
0x8: {  	[smem:$0x3FA6] =	sst s0  }
0x9: {  	[smem:$0x3FA7] =	sst s1  }
0xa: {  	[smem:$0x3FA8] =	sst s2  }
0xb: {  	[smem:$0x3FA9] =	sst s3  }
0xc: {  	[smem:$0x3FAA] =	sst s4  }
0xd: {  	[smem:$0x3FAB] =	sst s5  }
0xe: {  	[smem:$0x3FAC] =	sst s6  }
0xf: {  	[smem:$0x3FAD] =	sst s7  }
0x10: {  	[smem:$0x3FAE] =	sst s8  }
0x11: {  	[smem:$0x3FAF] =	sst s9;
	s0 =	simm.s32 @!p0 $0x0  }
0x12: {  	s1 =	sld [smem:$0x3F95];
	s0 =	simm.s32 @p0 $0x1  }
0x13: {  	[smem:$0x3FB0] =	sst s0;
	s0 =	simm.s32 @!p1 $0x0  }
0x14: {  	s2 =	sld [smem:$0x3F94];
	s0 =	simm.s32 @p1 $0x1  }
0x15: {  	[smem:$0x3FB1] =	sst s0;
	s0 =	simm.s32 @!p2 $0x0  }
0x16: {  	s3 =	sld [smem:$0x3FDB];
	s0 =	simm.s32 @p2 $0x1  }
0x17: {  	s4 =	simm.s32 $0x1BF5;
	[smem:$0x3FB3] =	sst s0  }
0x18: {  	s0 =	sld [smem:$0x3F96];
	_ =	swait.ge [sflag:s4], $0x0  }
0x19: {  	s7 =	sld [smem:$0x3F97]  }
0x1a: {  	s8 =	sadd.s32 $0xFFFFE003, lr  }
0x1b: {  	s9 =	sadd.s32 $0xFFFFFEF7, lr;
	s5 =	simm.s32 $0xFFFFFFFF;
	p2 =	slt.u32 s8, $0xFFFFF086  }
0x1c: {  	p1 =	slt.u32 s9, $0xF7A;
	s5 =	simm.s32 @!p2 $0x0  }
0x1d: {  	s5 =	simm.s32 @p1 $0x1;
	p0 =	seq.s32 s7, s2  }
0x1e: {  	s7 =	smul.u32 @!p0 $0xF7A, s2;
	p2 =	seq.s32 @!p0 s5, $0x0  }
0x1f: {  	s9 =	smul.u32 $0xF7A, s1;
	s8 =	simm.s32 @!p0 $0x1BF5;
	p2 =	por !p2, p0  }
0x20: {  	[sflag:s8] =	ssyncset.s32 @!p0 $0xFFFFF086;
	s6 =	sadd.s32 @!p0 s3, s7;
	s7 =	simm.s32 @!p0 $0x108  }
0x21: {  	s3 =	sadd.s32 s3, s9;
	s6 =	sadd.s32 @!p0 $0x88, s6;
	s7 =	simm.s32 @p2 $0x1082  }
0x22: {  	[simem:s7], [sflag:s8] =	dma.local @!p0 [hbm:s6], $0xF7A  }
0x23: {  	s9 =	sor.u32 $0xD0000000, s2;
	s6 =	simm.s32 $0x108;
	_ =	swait.ge @!p0 [sflag:s8], $0x0  }
0x24: {  	s3 =	sadd.s32 $0x88, s3;
	s6 =	simm.s32 @!p1 $0x1082;
	[sflag:s4] =	ssyncset.s32 $0xFFFFF086  }
0x25: {  	[simem:s6], [sflag:s4] =	dma.local [hbm:s3], $0xF7A  }
0x26: {  	[smem:$0x3F97] =	sst s1;
	(tag) =	ssettag s2;
	_ =	strace s9  }
0x27: {  	s1 =	sld [smem:$0x3FA7]  }
0x28: {  	s2 =	sld [smem:$0x3FA8]  }
0x29: {  	s4 =	sld [smem:$0x3FAA]  }
0x2a: {  	p0 =	seq.s32 s5, $0x0;
	s5 =	sld [smem:$0x3FAB]  }
0x2b: {  	s6 =	sld [smem:$0x3FAC]  }
0x2c: {  	s7 =	sld [smem:$0x3FAD]  }
0x2d: {  	s3 =	simm.s32 $0x108;
	s8 =	sld [smem:$0x3FAE]  }
0x2e: {  	s3 =	simm.s32 @!p0 $0x1082;
	s9 =	sld [smem:$0x3FAF]  }
0x2f: {  	lr =	sadd.s32 s0, s3;
	s0 =	sld [smem:$0x3FA6]  }
0x30: {  	s3 =	sld [smem:$0x3FA9]  }
0x31: {  	[smem:$0x3FB2] =	sst s10  }
0x32: {  	s10 =	sld [smem:$0x3FB0];
	_ =	sdelay $0x3  }
0x33: {  	p0 =	seq.s32 s10, $0x1;
	s10 =	sld [smem:$0x3FB2];
	_ =	sdelay $0x3  }
0x34: {  	[smem:$0x3FB2] =	sst s10  }
0x35: {  	s10 =	sld [smem:$0x3FB1];
	_ =	sdelay $0x3  }
0x36: {  	p1 =	seq.s32 s10, $0x1;
	s10 =	sld [smem:$0x3FB2];
	_ =	sdelay $0x3  }
0x37: {  	[smem:$0x3FB2] =	sst s10  }
0x38: {  	s10 =	sld [smem:$0x3FB3]  }
0x39: {  	_ = 	snop;
	(pc) =	sbr.ind lr, $3  }
0x3a: {  	_ = 	snop  }
0x3b: {  	_ = 	snop  }
0x3c: {  	p2 =	seq.s32 s10, $0x1;
	s10 =	sld [smem:$0x3FB2]  }
0x3d: {  	_ =	shalt  }
0x3e: {  	_ =	shalt  }
0x3f: {  	_ =	shalt  }
0x40: {  	_ =	shalt  }
0x41: {  	_ =	shalt  }
0x42: {  	_ =	shalt  }
0x43: {  	_ =	shalt  }
0x44: {  	_ =	shalt  }
0x45: {  	_ =	shalt  }
0x46: {  	_ =	shalt  }
0x47: {  	_ =	shalt  }
0x48: {  	_ =	shalt  }
0x49: {  	_ =	shalt  }
0x4a: {  	_ =	shalt  }
0x4b: {  	_ =	shalt  }
0x4c: {  	_ =	shalt  }
0x4d: {  	_ =	shalt  }
0x4e: {  	_ =	shalt  }
0x4f: {  	_ =	shalt  }
0x50: {  	_ =	shalt  }
0x51: {  	_ =	shalt  }
0x52: {  	_ =	shalt  }
0x53: {  	_ =	shalt  }
0x54: {  	_ =	shalt  }
0x55: {  	_ =	shalt  }
0x56: {  	_ =	shalt  }
0x57: {  	_ =	shalt  }
0x58: {  	_ =	shalt  }
0x59: {  	_ =	shalt  }
0x5a: {  	_ =	shalt  }
0x5b: {  	_ =	shalt  }
0x5c: {  	_ =	shalt  }
0x5d: {  	_ =	shalt  }
0x5e: {  	_ =	shalt  }
0x5f: {  	_ =	shalt  }
0x60: {  	_ =	shalt  }
0x61: {  	_ =	shalt  }
0x62: {  	_ =	shalt  }
0x63: {  	_ =	shalt  }
0x64: {  	_ =	shalt  }
0x65: {  	_ =	shalt  }
0x66: {  	_ =	shalt  }
0x67: {  	_ =	shalt  }
0x68: {  	_ =	shalt  }
0x69: {  	_ =	shalt  }
0x6a: {  	_ =	shalt  }
0x6b: {  	_ =	shalt  }
0x6c: {  	_ =	shalt  }
0x6d: {  	_ =	shalt  }
0x6e: {  	_ =	shalt  }
0x6f: {  	_ =	shalt  }
0x70: {  	_ =	shalt  }
0x71: {  	_ =	shalt  }
0x72: {  	_ =	shalt  }
0x73: {  	_ =	shalt  }
0x74: {  	_ =	shalt  }
0x75: {  	_ =	shalt  }
0x76: {  	_ =	shalt  }
0x77: {  	_ =	shalt  }
0x78: {  	_ =	shalt  }
0x79: {  	_ =	shalt  }
0x7a: {  	_ =	shalt  }
0x7b: {  	_ =	shalt  }
0x7c: {  	_ =	shalt  }
0x7d: {  	_ =	shalt  }
0x7e: {  	_ =	shalt  }
0x7f: {  	_ =	shalt  }
0x80: {  	_ =	shalt  }
0x81: {  	_ =	shalt  }
0x82: {  	_ =	shalt  }
0x83: {  	_ =	shalt  }
0x84: {  	_ =	shalt  }
0x85: {  	_ =	shalt  }
0x86: {  	_ =	shalt  }
0x87: {  	_ =	shalt  }
.Lfunc_end0:
.L_simem_size_0:
called_computation.2_lowered:
.L_overlay_start_0:
0x88: {  	s2 =	sld [smem:$0x3FD9]  }
0x89: {  	s3 =	sld [smem:$0x3FFE];
	_ =	sdelay $0x1  }
0x8a: {  	s1 =	srdreg.scid  }
0x8b: {  	s0 =	sand.u32 $0x1, s1  }
0x8c: {  	s16 =	sshll.u32 s0, $0xA;
	s2 =	sadd.s32 s3, s2  }
0x8d: {  	s2 =	sadd.s32 s2, s16  }
0x8e: {  	[smem:$0x3FBE] =	sst s2  }
0x8f: {  	_ = 	snop  }
0x90: {  	(tm) =	ssettm $0x1  }
0x91: {  	s17 =	sld [smem:$0x3FFB];
	_ =	sdelay $0x3  }
0x92: {  	_ =	strace s17  }
0x93: {  	s2 =	sld [smem:$0x3FFC];
	_ =	sdelay $0x3  }
0x94: {  	_ =	strace s2  }
0x95: {  	s2 =	sld [smem:$0x3FFD];
	_ =	sdelay $0x3  }
0x96: {  	_ =	strace s2  }
0x97: {  	_ =	strace $0x8FFFFFFF  }
0x98: {  	s18 =	sld [smem:$0x3FDB];
	_ =	sdelay $0x1  }
0x99: {  	s19 =	simm.s32 $_scs_section_size  }
0x9a: {  	s4 =	simm.s32 $_size__tile_overlayer_lowered;
	s5 =	simm.s32 $_tile_overlayer_lowered  }
0x9b: {  	s22 =	simm.s32 $0x1BFF;
	s21 =	sshll.u32 s5, $0x1;
	s2 =	sadd.s32 s19, s18  }
0x9c: {  	s6 =	simm.s32 $0x0;
	s20 =	sshll.u32 s4, $0x1;
	s4 =	sadd.s32 s21, s2  }
0x9d: {  	[timem:s6], [sflag:s22] =	dma.local [hbm:s4], s20  }
0x9e: {  	_ =	swait.ge [sflag:s22], s20  }
0x9f: {  	s3 =	ssub.s32 $0x0, s20;
	[sflag:s22] =	ssyncset.done $0x0  }
0xa0: {  	[sflag:s22] =	ssyncadd.s32 s3;
	_ =	sdelay $0x1  }
0xa1: {  	s23 =	simm.s32 $0x1B8B  }
0xa2: {  	_ =	swait.ge [sflag:s23], $0x1  }
0xa3: {  	[sflag:s23] =	ssyncset.done $0x0  }
0xa4: {  	s25 =	simm.s32 $0x1B8E;
	s24 =	sld [smem:$0x3FFE];
	[sflag:s23] =	ssyncadd.s32 $0xFFFFFFFF  }
0xa5: {  	s26 =	simm.s32 $execute0_lowered;
	[smem:$0x3FD2] =	sst s25  }
0xa6: {  	s4 =	sshll.u32 s26, $0x1;
	_ =	strace $0x8000004C;
	[dreg:$0x1] =	wrdreg $0xFFFFFFFF  }
0xa7: {  	s28 =	simm.s32 $_size_execute0_lowered;
	s2 =	sadd.s32 s2, s4;
	[dreg:$0x0] =	wrdreg $0x0  }
0xa8: {  	s4 =	sshll.u32 s28, $0x1;
	[dreg:$0x2] =	wrdreg s2  }
0xa9: {  	[dreg:$0x3] =	wrdreg s4  }
0xaa: {  	[dreg:$0x4] =	wrdreg $0xC0  }
0xab: {  	_ =	task [dreg:s6], $0x5FFFF  }
0xac: {  	[dreg:$0x1] =	wrdreg $0xFFFFFFFF  }
0xad: {  	[dreg:$0x0] =	wrdreg $0x60  }
0xae: {  	[dreg:$0x2] =	wrdreg s24  }
0xaf: {  	[dreg:$0x3] =	wrdreg $0x78000  }
0xb0: {  	[dreg:$0x4] =	wrdreg $0x9  }
0xb1: {  	_ =	task.clear_ibuf [dreg:s6], $0x5FFFF;
	_ =	strace $0x9000004C  }
0xb2: {  	s29 =	simm.s32 $0x9;
	_ =	strace $0x8000004E  }
0xb3: {  	_ =	swait.ge [sflag:s29], $0x1  }
0xb4: {  	[sflag:s29] =	ssyncadd.s32 $0xFFFFFFFF  }
0xb5: {  	_ =	strace $0x9000004E  }
0xb6: {  	_ =	sfence  }
0xb7: {  	s30 =	sld [smem:$0x0];
	_ =	sdelay $0x2  }
0xb8: {  	s31 =	sshll.u32 s1, $0xD;
	s1 =	sshrl.u32 s1, $0x2  }
0xb9: {  	s3 =	sand.u32 $0x4000, s31;
	s1 =	sadd.s32 s1, s30  }
0xba: {  	s0 =	sor.u32 s3, s0;
	s1 =	sshll.u32 s1, $0x11  }
0xbb: {  	s0 =	sor.u32 s1, s0  }
0xbc: {  	s0 =	sadd.s32 $0x8F2B, s0  }
0xbd: {  	[sflag:s0] =	ssyncadd.remote.s32 $0x1  }
0xbe: {  	_ =	sfence.sel $0xFFFF  }
0xbf: {  	[dreg:$0x0] =	wrdreg $0xFFFFFFFF;
	(pc) =	sbr.abs _section_cstart, $3  }
0xc0: {  	[dreg:$0x1] =	wrdreg $0xFFFFFFFF  }
0xc1: {  	_ =	task.clear_ibuf [dreg:s6], $0x2FFFF;
	_ =	strace $0x9FFFFFFF  }
0xc2: {  	(tm) =	ssettm $0x7FFFFFFF  }
0xc3: {  	_ =	shalt  }
tec
execute0_lowered:
.L_overlay_start_1:
0x0: {  	(tag) =	ssettag $0x1  }
0x1: {  	s0 =	rddreg [dreg:$0x0]  }
0x2: {  	s2 =	rddreg [dreg:$0x1]  }
0x3: {  	s13 =	stileid.u32;
	s1 =	srdreg.scid  }
0x4: {  	s3 =	simm.s32 $0x0;
	s16 =	simm.s32 $0x1400;
	s18 =	simm.s32 $0x4  }
0x5: {  	s28 =	simm.s32 $0x2700;
	s29 =	simm.s32 $0x2780;
	s30 =	simm.s32 $0x0  }
0x6: {  	s7 =	smul.u32 $0x14000, s13;
	s1 =	sand.u32 $0x1, s1;
	[smem:$0x7FF] =	sst s3  }
0x7: {  	s4 =	sadd.s32 $0x4A400, s0;
	s5 =	sadd.s32 $0x2400, s0;
	s6 =	sadd.s32 $0x12400, s0  }
0x8: {  	s20 =	sshll.u32 s13, $0xE;
	s11 =	smul.u32 $0x50000, s13;
	s26 =	sshll.u32 s13, $0x6  }
0x9: {  	s8 =	smul.u32 $0x140000, s1;
	_ =	strace $0x8000004D;
	s19 =	ssub.s32 $0x2, s1  }
0xa: {  	s1 =	sshll.u32 s1, $0x12;
	s9 =	sshrl.u32 s7, $0x3;
	s12 =	sshrl.u32 s19, $0x1  }
0xb: {  	s11 =	sshrl.u32 s11, $0x2;
	s7 =	sadd.s32 s7, s8;
	s10 =	sadd.s32 s9, s0  }
0xc: {  	s21 =	ssub.s32 s19, s12;
	s17 =	sadd.s32 s11, s2;
	s11 =	sor.u32 $0x1C04, s26  }
0xd: {  	s19 =	simm.s32 $0x3;
	s26 =	simm.s32 $0x1380;
	s7 =	sshrl.u32 s7, $0x3  }
0xe: {  	s25 =	sadd.s32 $0x22400, s10;
	s15 =	smax.u32 s21, $0x1;
	s17 =	sshrl.u32 s17, $0x3  }
0xf: {  	s21 =	simm.s32 $0x2800;
	s0 =	sadd.s32 s7, s0;
	s7 =	sor.u32 s20, s1  }
0x10: {  	[dreg:$0x5] =	wrdreg s25;
	s20 =	simm.s32 $0x50;
	s22 =	sshrl.u32 s7, $0x3  }
0x11: {  	s25 =	simm.s32 $0x2;
	s14 =	sadd.s32 $0x72400, s0;
	s23 =	sadd.s32 s5, s22  }
0x12: {  	s24 =	sadd.s32 s6, s22;
	s31 =	sor.u32 $0x780, s22;
	[dreg:$0x3] =	wrdreg s23  }
0x13: {  	s22 =	simm.s32 $0x5000;
	[dreg:$0x4] =	wrdreg s24;
	s12 =	sadd.s32 s5, s31  }
0x14: {  	s13 =	sadd.s32 s6, s31;
	s23 =	simm.s32 $0x1;
	s24 =	simm.s32 $0x5  }
.LBB2_1:
0x15: {  	s0 =	rddreg [dreg:$0x3]  }
0x16: {  	s9 =	rddreg [dreg:$0x4]  }
0x17: {  	[tilespmem:s3], [sflag:$0x3] =	stream.linear.gather [hbm4b:s0+s3], $0x1400, $0x38;
	[tilespmem:$0x1B800] =	vst v63  }
0x18: {  	s10 =	rddreg [dreg:$0x5]  }
0x19: {  	[tilespmem:s16], [sflag:$0x3] =	stream.linear.gather [hbm4b:s9+s3], $0x1400, $0x38;
	[tilespmem:$0x1B800] =	vst v63  }
0x1a: {  	[spmem:s17], [sflag:s11] =	dma.local [hbm:s10], $0x2800  }
0x1b: {  	_ =	swait.ge [sflag:s18], $0x2800  }
0x1c: {  	[sflag:s18] =	ssyncset.done $0x0  }
0x1d: {  	[sflag:s18] =	ssyncadd.s32 $0xFFFFD800  }
0x1e: {  	_ =	swait.ge [sflag:s19], $0x1400  }
0x1f: {  	[sflag:s19] =	ssyncset.done $0x0  }
0x20: {  	[sflag:s19] =	ssyncadd.s32 $0xFFFFEC00  }
0x21: {  	_ =	swait.ge [sflag:s19], $0x1400  }
0x22: {  	[sflag:s19] =	ssyncset.done $0x0  }
0x23: {  	[sflag:s19] =	ssyncadd.s32 $0xFFFFEC00  }
0x24: {  	s31 =	simm.s32 $0x0;
	[bflag:$0x0] =	sbarrier.arrive $0xFFFF  }
.LBB2_2:
0x25: {  	s0 =	simm.s32 $0x0  }
0x26: {  	[tilespmem:s21], [sflag:$0x1] =	stream.indirect.gather [hbm4b:s4+s20], $0x80, s0, s20, $0xb8;
	[tilespmem:$0x1B800] =	vst v63  }
0x27: {  	s1 =	simm.s32 $0x80  }
0x28: {  	[tilespmem:s22], [sflag:$0x2] =	stream.indirect.gather [hbm4b:s4+s20], $0x80, s1, s20, $0xb8;
	[tilespmem:$0x1B800] =	vst v63  }
0x29: {  	_ =	swait.ge [sflag:s23], $0x2800  }
0x2a: {  	[sflag:s23] =	ssyncset.done $0x0  }
0x2b: {  	s8 =	simm.s32 $0x1400;
	[sflag:s23] =	ssyncadd.s32 $0xFFFFD800  }
0x2c: {  	[spmem:s2] =	stream.indirect.scatter.add.f32 [tilespmem:s21], [sflag:$0x5], $0x80, s8, s20, $0xb8;
	[tilespmem:$0x1B800] =	vst v63  }
0x2d: {  	_ =	swait.ge [sflag:s24], $0x2800  }
0x2e: {  	[sflag:s24] =	ssyncset.done $0x0  }
0x2f: {  	s9 =	simm.s32 $0x100;
	[sflag:s24] =	ssyncadd.s32 $0xFFFFD800  }
0x30: {  	[tilespmem:s21], [sflag:$0x1] =	stream.indirect.gather [hbm4b:s4+s20], $0x80, s9, s20, $0xb8;
	[tilespmem:$0x1B800] =	vst v63  }
0x31: {  	_ =	swait.ge [sflag:s25], $0x2800  }
0x32: {  	[sflag:s25] =	ssyncset.done $0x0  }
0x33: {  	s10 =	simm.s32 $0x1480;
	[sflag:s25] =	ssyncadd.s32 $0xFFFFD800  }
0x34: {  	[spmem:s2] =	stream.indirect.scatter.add.f32 [tilespmem:s22], [sflag:$0x5], $0x80, s10, s20, $0xb8;
	[tilespmem:$0x1B800] =	vst v63  }
0x35: {  	_ =	swait.ge [sflag:s24], $0x2800  }
0x36: {  	s0 =	simm.s32 $0x100;
	s1 =	simm.s32 $0x800;
	[sflag:s24] =	ssyncset.done $0x0  }
.LBB2_3:
0x37: {  	s8 =	sadd.s32 $0x80, s0  }
0x38: {  	[sflag:s24] =	ssyncadd.s32 $0xFFFFD800;
	s9 =	smov.u32 s1;
	s10 =	sadd.s32 $0x400, s1  }
0x39: {  	[tilespmem:s22], [sflag:$0x2] =	stream.indirect.gather [hbm4b:s4+s20], $0x80, s8, s20, $0xb8;
	[tilespmem:$0x1B800] =	vst v63  }
0x3a: {  	p0 =	sne.s32 s1, $0x4800;
	_ =	swait.ge [sflag:s23], $0x2800  }
0x3b: {  	[sflag:s23] =	ssyncset.done $0x0  }
0x3c: {  	s1 =	sadd.s32 $0x1400, s0;
	[sflag:s23] =	ssyncadd.s32 $0xFFFFD800  }
0x3d: {  	[spmem:s2] =	stream.indirect.scatter.add.f32 [tilespmem:s21], [sflag:$0x5], $0x80, s1, s20, $0xb8;
	[tilespmem:$0x1B800] =	vst v63  }
0x3e: {  	_ =	swait.ge [sflag:s24], $0x2800  }
0x3f: {  	[sflag:s24] =	ssyncset.done $0x0  }
0x40: {  	s1 =	sadd.s32 $0x100, s0;
	[sflag:s24] =	ssyncadd.s32 $0xFFFFD800  }
0x41: {  	[tilespmem:s21], [sflag:$0x1] =	stream.indirect.gather [hbm4b:s4+s20], $0x80, s1, s20, $0xb8;
	[tilespmem:$0x1B800] =	vst v63  }
0x42: {  	_ =	swait.ge [sflag:s25], $0x2800  }
.Ltmp0:
0x43: {  	[sflag:s25] =	ssyncset.done $0x0;
	(pc) =	sbr.rel @p0 .LBB2_3-.Ltmp0, $4  }
0x44: {  	s0 =	sadd.s32 $0x1480, s0;
	[sflag:s25] =	ssyncadd.s32 $0xFFFFD800  }
0x45: {  	[spmem:s2] =	stream.indirect.scatter.add.f32 [tilespmem:s22], [sflag:$0x5], $0x80, s0, s20, $0xb8;
	[tilespmem:$0x1B800] =	vst v63  }
0x46: {  	_ =	swait.ge [sflag:s24], $0x2800  }
0x47: {  	s1 =	smov.u32 s10;
	s0 =	sshra.s32 s9, $0x2;
	[sflag:s24] =	ssyncset.done $0x0  }
0x48: {  	s1 =	sadd.s32 $0x80, s0;
	[sflag:s24] =	ssyncadd.s32 $0xFFFFD800  }
0x49: {  	[tilespmem:s22], [sflag:$0x2] =	stream.indirect.gather [hbm4b:s4+s20], $0x80, s1, s20, $0xb8;
	[tilespmem:$0x1B800] =	vst v63  }
0x4a: {  	_ =	swait.ge [sflag:s23], $0x2800  }
0x4b: {  	[sflag:s23] =	ssyncset.done $0x0  }
0x4c: {  	s8 =	sadd.s32 $0x1400, s0;
	[sflag:s23] =	ssyncadd.s32 $0xFFFFD800  }
0x4d: {  	[spmem:s2] =	stream.indirect.scatter.add.f32 [tilespmem:s21], [sflag:$0x5], $0x80, s8, s20, $0xb8;
	[tilespmem:$0x1B800] =	vst v63  }
0x4e: {  	_ =	swait.ge [sflag:s24], $0x2800  }
0x4f: {  	[sflag:s24] =	ssyncset.done $0x0  }
0x50: {  	s9 =	sadd.s32 $0x100, s0;
	[sflag:s24] =	ssyncadd.s32 $0xFFFFD800  }
0x51: {  	[tilespmem:s21], [sflag:$0x1] =	stream.indirect.gather [hbm4b:s4+s20], $0x80, s9, s20, $0xb8;
	[tilespmem:$0x1B800] =	vst v63  }
0x52: {  	_ =	swait.ge [sflag:s25], $0x2800  }
0x53: {  	[sflag:s25] =	ssyncset.done $0x0  }
0x54: {  	s10 =	sadd.s32 $0x1480, s0;
	[sflag:s25] =	ssyncadd.s32 $0xFFFFD800  }
0x55: {  	[spmem:s2] =	stream.indirect.scatter.add.f32 [tilespmem:s22], [sflag:$0x5], $0x80, s10, s20, $0xb8;
	[tilespmem:$0x1B800] =	vst v63  }
0x56: {  	_ =	swait.ge [sflag:s24], $0x2800  }
0x57: {  	[sflag:s24] =	ssyncset.done $0x0  }
0x58: {  	[sflag:s24] =	ssyncadd.s32 $0xFFFFD800  }
0x59: {  	[tilespmem:s22], [sflag:$0x2] =	stream.indirect.gather [hbm4b:s4+s20], $0x80, s26, s20, $0xb8;
	[tilespmem:$0x1B800] =	vst v63  }
0x5a: {  	_ =	swait.ge [sflag:s23], $0x2800  }
0x5b: {  	[sflag:s23] =	ssyncset.done $0x0  }
0x5c: {  	[sflag:s23] =	ssyncadd.s32 $0xFFFFD800  }
0x5d: {  	[spmem:s2] =	stream.indirect.scatter.add.f32 [tilespmem:s21], [sflag:$0x5], $0x80, s28, s20, $0xb8;
	[tilespmem:$0x1B800] =	vst v63  }
0x5e: {  	_ =	swait.ge [sflag:s24], $0x2800  }
0x5f: {  	[sflag:s24] =	ssyncset.done $0x0  }
0x60: {  	[sflag:s24] =	ssyncadd.s32 $0xFFFFD800  }
0x61: {  	p0 =	seq.s32 s31, $0x2;
	_ =	swait.ge [sflag:s25], $0x2800  }
0x62: {  	s31 =	sadd.s32 @!p0 $0x1, s31;
	[sflag:s25] =	ssyncset.done $0x0  }
0x63: {  	s0 =	smul.u32 @!p0 $0x1400, s31;
	[sflag:s25] =	ssyncadd.s32 $0xFFFFD800  }
0x64: {  	[spmem:s2] =	stream.indirect.scatter.add.f32 [tilespmem:s22], [sflag:$0x5], $0x80, s29, s20, $0xb8;
	[tilespmem:$0x1B800] =	vst v63  }
0x65: {  	s0 =	sadd.s32 @!p0 s7, s0;
	_ =	swait.ge [sflag:s24], $0x2800  }
0x66: {  	s0 =	sshrl.u32 @!p0 s0, $0x3;
	[sflag:s24] =	ssyncset.done $0x0  }
0x67: {  	s8 =	simm.s32 @!p0 $0x0;
	s1 =	sadd.s32 @!p0 s5, s0;
	[sflag:s24] =	ssyncadd.s32 $0xFFFFD800  }
0x68: {  	[tilespmem:s8], [sflag:$0x5] =	stream.linear.gather @!p0 [hbm4b:s1+s8], $0x1400, $0x38;
	[tilespmem:$0x1B800] =	vst v63  }
0x69: {  	s1 =	simm.s32 @!p0 $0x5  }
0x6a: {  	p1 =	sne.s32 @!p0 s31, $0x3;
	_ =	swait.ge @!p0 [sflag:s1], $0x1400  }
0x6b: {  	p1 =	por p0, !p1;
	[sflag:s1] =	ssyncset.done @!p0 $0x0  }
0x6c: {  	s0 =	sadd.s32 @!p0 s6, s0;
	[sflag:s1] =	ssyncadd.s32 @!p0 $0xFFFFEC00;
	s1 =	simm.s32 @!p0 $0x1400  }
0x6d: {  	[tilespmem:s1], [sflag:$0x4] =	stream.linear.gather @!p0 [hbm4b:s0+s8], $0x1400, $0x38;
	[tilespmem:$0x1B800] =	vst v63  }
.Ltmp1:
0x6e: {  	_ = 	snop;
	(pc) =	sbr.rel @!p1 .LBB2_2-.Ltmp1, $4  }
0x6f: {  	s0 =	simm.s32 @!p0 $0x4  }
0x70: {  	_ =	swait.ge @!p0 [sflag:s0], $0x1400  }
0x71: {  	[sflag:s0] =	ssyncset.done @!p0 $0x0  }
0x72: {  	[sflag:s0] =	ssyncadd.s32 @!p0 $0xFFFFEC00  }
0x73: {  	[tilespmem:s3], [sflag:$0x4] =	stream.linear.gather [hbm4b:s12+s3], $0x280, $0x38;
	[tilespmem:$0x1B800] =	vst v63  }
0x74: {  	_ =	swait.ge [sflag:s18], $0x280  }
0x75: {  	[sflag:s18] =	ssyncset.done $0x0  }
0x76: {  	[sflag:s18] =	ssyncadd.s32 $0xFFFFFD80  }
0x77: {  	[tilespmem:s16], [sflag:$0x4] =	stream.linear.gather [hbm4b:s13+s3], $0x280, $0x38;
	[tilespmem:$0x1B800] =	vst v63  }
0x78: {  	_ =	swait.ge [sflag:s18], $0x280  }
0x79: {  	[sflag:s18] =	ssyncset.done $0x0  }
0x7a: {  	[sflag:s18] =	ssyncadd.s32 $0xFFFFFD80  }
0x7b: {  	[tilespmem:s21], [sflag:$0x1] =	stream.indirect.gather [hbm4b:s4+s20], $0x80, s3, s20, $0xb8;
	[tilespmem:$0x1B800] =	vst v63  }
0x7c: {  	s0 =	simm.s32 $0x80  }
0x7d: {  	[tilespmem:s22], [sflag:$0x2] =	stream.indirect.gather [hbm4b:s4+s20], $0x80, s0, s20, $0xb8;
	[tilespmem:$0x1B800] =	vst v63  }
0x7e: {  	_ =	swait.ge [sflag:s23], $0x2800  }
0x7f: {  	[sflag:s23] =	ssyncset.done $0x0  }
0x80: {  	[sflag:s23] =	ssyncadd.s32 $0xFFFFD800  }
0x81: {  	[spmem:s2] =	stream.indirect.scatter.add.f32 [tilespmem:s21], [sflag:$0x4], $0x80, s16, s20, $0xb8;
	[tilespmem:$0x1B800] =	vst v63  }
0x82: {  	_ =	swait.ge [sflag:s18], $0x2800  }
0x83: {  	[sflag:s18] =	ssyncset.done $0x0  }
0x84: {  	s10 =	simm.s32 $0x100;
	[sflag:s18] =	ssyncadd.s32 $0xFFFFD800  }
0x85: {  	[tilespmem:s21], [sflag:$0x1] =	stream.indirect.gather [hbm4b:s4+s20], $0x80, s10, s20, $0xb8;
	[tilespmem:$0x1B800] =	vst v63  }
0x86: {  	_ =	swait.ge [sflag:s25], $0x2800  }
0x87: {  	[sflag:s25] =	ssyncset.done $0x0  }
0x88: {  	s31 =	simm.s32 $0x1480;
	[sflag:s25] =	ssyncadd.s32 $0xFFFFD800  }
0x89: {  	[spmem:s2] =	stream.indirect.scatter.add.f32 [tilespmem:s22], [sflag:$0x4], $0x80, s31, s20, $0xb8;
	[tilespmem:$0x1B800] =	vst v63  }
0x8a: {  	_ =	swait.ge [sflag:s18], $0x2800  }
0x8b: {  	[sflag:s18] =	ssyncset.done $0x0  }
0x8c: {  	s1 =	simm.s32 $0x180;
	[sflag:s18] =	ssyncadd.s32 $0xFFFFD800  }
0x8d: {  	[tilespmem:s22], [sflag:$0x2] =	stream.indirect.gather [hbm4b:s4+s20], $0x80, s1, s20, $0xb8;
	[tilespmem:$0x1B800] =	vst v63  }
0x8e: {  	_ =	swait.ge [sflag:s23], $0x2800  }
0x8f: {  	[sflag:s23] =	ssyncset.done $0x0  }
0x90: {  	s8 =	simm.s32 $0x1500;
	[sflag:s23] =	ssyncadd.s32 $0xFFFFD800  }
0x91: {  	[spmem:s2] =	stream.indirect.scatter.add.f32 [tilespmem:s21], [sflag:$0x4], $0x80, s8, s20, $0xb8;
	[tilespmem:$0x1B800] =	vst v63  }
0x92: {  	_ =	swait.ge [sflag:s18], $0x2800  }
0x93: {  	[sflag:s18] =	ssyncset.done $0x0  }
0x94: {  	s9 =	simm.s32 $0x200;
	[sflag:s18] =	ssyncadd.s32 $0xFFFFD800  }
0x95: {  	[tilespmem:s21], [sflag:$0x1] =	stream.indirect.gather [hbm4b:s4+s20], $0x80, s9, s20, $0xb8;
	[tilespmem:$0x1B800] =	vst v63  }
0x96: {  	_ =	swait.ge [sflag:s25], $0x2800  }
0x97: {  	[sflag:s25] =	ssyncset.done $0x0  }
0x98: {  	s10 =	simm.s32 $0x1580;
	[sflag:s25] =	ssyncadd.s32 $0xFFFFD800  }
0x99: {  	[spmem:s2] =	stream.indirect.scatter.add.f32 [tilespmem:s22], [sflag:$0x4], $0x80, s10, s20, $0xb8;
	[tilespmem:$0x1B800] =	vst v63  }
0x9a: {  	_ =	swait.ge [sflag:s18], $0x2800  }
0x9b: {  	[sflag:s18] =	ssyncset.done $0x0  }
0x9c: {  	[sflag:s18] =	ssyncadd.s32 $0xFFFFD800  }
0x9d: {  	_ =	swait.ge [sflag:s23], $0x2800  }
0x9e: {  	[sflag:s23] =	ssyncset.done $0x0  }
0x9f: {  	s31 =	simm.s32 $0x1600;
	[sflag:s23] =	ssyncadd.s32 $0xFFFFD800  }
0xa0: {  	[spmem:s2] =	stream.indirect.scatter.add.f32 [tilespmem:s21], [sflag:$0x4], $0x80, s31, s20, $0xb8;
	[tilespmem:$0x1B800] =	vst v63  }
0xa1: {  	_ =	swait.ge [sflag:s18], $0x2800  }
0xa2: {  	s30 =	sadd.s32 $0x1, s30;
	[sflag:s18] =	ssyncset.done $0x0  }
0xa3: {  	p0 =	sne.s32 s30, s15;
	[sflag:s18] =	ssyncadd.s32 $0xFFFFD800  }
.Ltmp2:
0xa4: {  	[bflag:$0x0] =	sbarrier.arrive $0xFFFF;
	(pc) =	sbr.rel @p0 .LBB2_1-.Ltmp2, $4  }
0xa5: {  	[hbm:s14], [sflag:s11] =	dma.local [spmem:s17], $0x2800  }
0xa6: {  	_ =	swait.ge [sflag:s18], $0x2800  }
0xa7: {  	[sflag:s18] =	ssyncset.done $0x0  }
0xa8: {  	[sflag:s18] =	ssyncadd.s32 $0xFFFFD800  }
0xa9: {  	_ =	sfence.sel $0x180000  }
0xaa: {  	[bflag:$0x0] =	sbarrier.arrive $0xFFFF  }
0xab: {  	_ =	strace $0x9000004D  }
0xac: {  	s0 =	stileid.u32;
	[bflag:$0x2] =	sbarrier.arrive $0xFFFF  }
0xad: {  	p0 =	sne.s32 s0, $0x0;
	s0 =	rddreg [dreg:$0x2]  }
0xae: {  	s0 =	sadd.s32 @!p0 $0x100000, s0  }
0xaf: {  	[sflag:s0] =	ssyncadd.tile.s32 @!p0 $0x1;
	_ =	shalt  }
.Lfunc_end2:
_tile_overlayer_lowered:
.L_overlay_start_2:
0xb0: {  	(tag) =	ssettag $0x2  }
0xb1: {  	s0 =	rddreg [dreg:$0x0];
	s2 =	stileid.u32  }
0xb2: {  	s1 =	rddreg [dreg:$0x1];
	p0 =	sne.s32 s2, $0x0  }
0xb3: {  	s3 =	rddreg [dreg:$0x2];
	[bflag:$0x3] =	sbarrier.arrive $0xFFFF;
	s2 =	simm.s32 @!p0 $0x1C04  }
0xb4: {  	[timem:s3], [sflag:s2] =	dma.local @!p0 [hbm:s0], s1  }
0xb5: {  	s0 =	simm.s32 @!p0 $0x4  }
0xb6: {  	_ =	swait.ge @!p0 [sflag:s0], s1  }
0xb7: {  	s1 =	ssub.s32 @!p0 $0x0, s1;
	[sflag:s0] =	ssyncset.done @!p0 $0x0  }
0xb8: {  	[sflag:s0] =	ssyncadd.s32 @!p0 s1  }
0xb9: {  	[bflag:$0x3] =	sbarrier.arrive $0xFFFF  }
0xba: {  	_ =	shalt  }

// kernel: kernel.8.cloned.1.call-start
scs
__scs_entry_jumppad:
0x0: {  	(pc) =	sbr.rel $0x88, $3  }
0x1: {  	(tag) =	ssettag $0x0;
	lr =	simm.s32 $0x1  }
0x2: {  	[smem:$0x3F97] =	sst lr;
	_ =	strace $0xD0000000  }
0x3: {  	_ = 	snop  }
0x4: {  	_ = 	snop  }
0x5: {  	_ = 	snop  }
0x6: {  	_ = 	snop  }
0x7: {  	_ = 	snop  }
__scs_overlays_trampoline_lowered:
0x8: {  	[smem:$0x3FA6] =	sst s0  }
0x9: {  	[smem:$0x3FA7] =	sst s1  }
0xa: {  	[smem:$0x3FA8] =	sst s2  }
0xb: {  	[smem:$0x3FA9] =	sst s3  }
0xc: {  	[smem:$0x3FAA] =	sst s4  }
0xd: {  	[smem:$0x3FAB] =	sst s5  }
0xe: {  	[smem:$0x3FAC] =	sst s6  }
0xf: {  	[smem:$0x3FAD] =	sst s7  }
0x10: {  	[smem:$0x3FAE] =	sst s8  }
0x11: {  	[smem:$0x3FAF] =	sst s9;
	s0 =	simm.s32 @!p0 $0x0  }
0x12: {  	s1 =	sld [smem:$0x3F95];
	s0 =	simm.s32 @p0 $0x1  }
0x13: {  	[smem:$0x3FB0] =	sst s0;
	s0 =	simm.s32 @!p1 $0x0  }
0x14: {  	s2 =	sld [smem:$0x3F94];
	s0 =	simm.s32 @p1 $0x1  }
0x15: {  	[smem:$0x3FB1] =	sst s0;
	s0 =	simm.s32 @!p2 $0x0  }
0x16: {  	s3 =	sld [smem:$0x3FDB];
	s0 =	simm.s32 @p2 $0x1  }
0x17: {  	s4 =	simm.s32 $0x1BF5;
	[smem:$0x3FB3] =	sst s0  }
0x18: {  	s0 =	sld [smem:$0x3F96];
	_ =	swait.ge [sflag:s4], $0x0  }
0x19: {  	s7 =	sld [smem:$0x3F97]  }
0x1a: {  	s8 =	sadd.s32 $0xFFFFE003, lr  }
0x1b: {  	s9 =	sadd.s32 $0xFFFFFEF7, lr;
	s5 =	simm.s32 $0xFFFFFFFF;
	p2 =	slt.u32 s8, $0xFFFFF086  }
0x1c: {  	p1 =	slt.u32 s9, $0xF7A;
	s5 =	simm.s32 @!p2 $0x0  }
0x1d: {  	s5 =	simm.s32 @p1 $0x1;
	p0 =	seq.s32 s7, s2  }
0x1e: {  	s7 =	smul.u32 @!p0 $0xF7A, s2;
	p2 =	seq.s32 @!p0 s5, $0x0  }
0x1f: {  	s9 =	smul.u32 $0xF7A, s1;
	s8 =	simm.s32 @!p0 $0x1BF5;
	p2 =	por !p2, p0  }
0x20: {  	[sflag:s8] =	ssyncset.s32 @!p0 $0xFFFFF086;
	s6 =	sadd.s32 @!p0 s3, s7;
	s7 =	simm.s32 @!p0 $0x108  }
0x21: {  	s3 =	sadd.s32 s3, s9;
	s6 =	sadd.s32 @!p0 $0x88, s6;
	s7 =	simm.s32 @p2 $0x1082  }
0x22: {  	[simem:s7], [sflag:s8] =	dma.local @!p0 [hbm:s6], $0xF7A  }
0x23: {  	s9 =	sor.u32 $0xD0000000, s2;
	s6 =	simm.s32 $0x108;
	_ =	swait.ge @!p0 [sflag:s8], $0x0  }
0x24: {  	s3 =	sadd.s32 $0x88, s3;
	s6 =	simm.s32 @!p1 $0x1082;
	[sflag:s4] =	ssyncset.s32 $0xFFFFF086  }
0x25: {  	[simem:s6], [sflag:s4] =	dma.local [hbm:s3], $0xF7A  }
0x26: {  	[smem:$0x3F97] =	sst s1;
	(tag) =	ssettag s2;
	_ =	strace s9  }
0x27: {  	s1 =	sld [smem:$0x3FA7]  }
0x28: {  	s2 =	sld [smem:$0x3FA8]  }
0x29: {  	s4 =	sld [smem:$0x3FAA]  }
0x2a: {  	p0 =	seq.s32 s5, $0x0;
	s5 =	sld [smem:$0x3FAB]  }
0x2b: {  	s6 =	sld [smem:$0x3FAC]  }
0x2c: {  	s7 =	sld [smem:$0x3FAD]  }
0x2d: {  	s3 =	simm.s32 $0x108;
	s8 =	sld [smem:$0x3FAE]  }
0x2e: {  	s3 =	simm.s32 @!p0 $0x1082;
	s9 =	sld [smem:$0x3FAF]  }
0x2f: {  	lr =	sadd.s32 s0, s3;
	s0 =	sld [smem:$0x3FA6]  }
0x30: {  	s3 =	sld [smem:$0x3FA9]  }
0x31: {  	[smem:$0x3FB2] =	sst s10  }
0x32: {  	s10 =	sld [smem:$0x3FB0];
	_ =	sdelay $0x3  }
0x33: {  	p0 =	seq.s32 s10, $0x1;
	s10 =	sld [smem:$0x3FB2];
	_ =	sdelay $0x3  }
0x34: {  	[smem:$0x3FB2] =	sst s10  }
0x35: {  	s10 =	sld [smem:$0x3FB1];
	_ =	sdelay $0x3  }
0x36: {  	p1 =	seq.s32 s10, $0x1;
	s10 =	sld [smem:$0x3FB2];
	_ =	sdelay $0x3  }
0x37: {  	[smem:$0x3FB2] =	sst s10  }
0x38: {  	s10 =	sld [smem:$0x3FB3]  }
0x39: {  	_ = 	snop;
	(pc) =	sbr.ind lr, $3  }
0x3a: {  	_ = 	snop  }
0x3b: {  	_ = 	snop  }
0x3c: {  	p2 =	seq.s32 s10, $0x1;
	s10 =	sld [smem:$0x3FB2]  }
0x3d: {  	_ =	shalt  }
0x3e: {  	_ =	shalt  }
0x3f: {  	_ =	shalt  }
0x40: {  	_ =	shalt  }
0x41: {  	_ =	shalt  }
0x42: {  	_ =	shalt  }
0x43: {  	_ =	shalt  }
0x44: {  	_ =	shalt  }
0x45: {  	_ =	shalt  }
0x46: {  	_ =	shalt  }
0x47: {  	_ =	shalt  }
0x48: {  	_ =	shalt  }
0x49: {  	_ =	shalt  }
0x4a: {  	_ =	shalt  }
0x4b: {  	_ =	shalt  }
0x4c: {  	_ =	shalt  }
0x4d: {  	_ =	shalt  }
0x4e: {  	_ =	shalt  }
0x4f: {  	_ =	shalt  }
0x50: {  	_ =	shalt  }
0x51: {  	_ =	shalt  }
0x52: {  	_ =	shalt  }
0x53: {  	_ =	shalt  }
0x54: {  	_ =	shalt  }
0x55: {  	_ =	shalt  }
0x56: {  	_ =	shalt  }
0x57: {  	_ =	shalt  }
0x58: {  	_ =	shalt  }
0x59: {  	_ =	shalt  }
0x5a: {  	_ =	shalt  }
0x5b: {  	_ =	shalt  }
0x5c: {  	_ =	shalt  }
0x5d: {  	_ =	shalt  }
0x5e: {  	_ =	shalt  }
0x5f: {  	_ =	shalt  }
0x60: {  	_ =	shalt  }
0x61: {  	_ =	shalt  }
0x62: {  	_ =	shalt  }
0x63: {  	_ =	shalt  }
0x64: {  	_ =	shalt  }
0x65: {  	_ =	shalt  }
0x66: {  	_ =	shalt  }
0x67: {  	_ =	shalt  }
0x68: {  	_ =	shalt  }
0x69: {  	_ =	shalt  }
0x6a: {  	_ =	shalt  }
0x6b: {  	_ =	shalt  }
0x6c: {  	_ =	shalt  }
0x6d: {  	_ =	shalt  }
0x6e: {  	_ =	shalt  }
0x6f: {  	_ =	shalt  }
0x70: {  	_ =	shalt  }
0x71: {  	_ =	shalt  }
0x72: {  	_ =	shalt  }
0x73: {  	_ =	shalt  }
0x74: {  	_ =	shalt  }
0x75: {  	_ =	shalt  }
0x76: {  	_ =	shalt  }
0x77: {  	_ =	shalt  }
0x78: {  	_ =	shalt  }
0x79: {  	_ =	shalt  }
0x7a: {  	_ =	shalt  }
0x7b: {  	_ =	shalt  }
0x7c: {  	_ =	shalt  }
0x7d: {  	_ =	shalt  }
0x7e: {  	_ =	shalt  }
0x7f: {  	_ =	shalt  }
0x80: {  	_ =	shalt  }
0x81: {  	_ =	shalt  }
0x82: {  	_ =	shalt  }
0x83: {  	_ =	shalt  }
0x84: {  	_ =	shalt  }
0x85: {  	_ =	shalt  }
0x86: {  	_ =	shalt  }
0x87: {  	_ =	shalt  }
.Lfunc_end0:
.L_simem_size_0:
called_computation_lowered:
.L_overlay_start_0:
0x88: {  	s2 =	sld [smem:$0x3FD9]  }
0x89: {  	s3 =	sld [smem:$0x3FFE];
	_ =	sdelay $0x1  }
0x8a: {  	s1 =	srdreg.scid  }
0x8b: {  	s0 =	sand.u32 $0x1, s1  }
0x8c: {  	s16 =	sshll.u32 s0, $0xA;
	s2 =	sadd.s32 s3, s2  }
0x8d: {  	s2 =	sadd.s32 s2, s16  }
0x8e: {  	[smem:$0x3FBE] =	sst s2  }
0x8f: {  	_ = 	snop  }
0x90: {  	(tm) =	ssettm $0x1  }
0x91: {  	s17 =	sld [smem:$0x3FFB];
	_ =	sdelay $0x3  }
0x92: {  	_ =	strace s17  }
0x93: {  	s2 =	sld [smem:$0x3FFC];
	_ =	sdelay $0x3  }
0x94: {  	_ =	strace s2  }
0x95: {  	s2 =	sld [smem:$0x3FFD];
	_ =	sdelay $0x3  }
0x96: {  	_ =	strace s2  }
0x97: {  	_ =	strace $0x8FFFFFFF  }
0x98: {  	s18 =	sld [smem:$0x3FDB];
	_ =	sdelay $0x1  }
0x99: {  	s19 =	simm.s32 $_scs_section_size  }
0x9a: {  	s4 =	simm.s32 $_size__tile_overlayer_lowered;
	s5 =	simm.s32 $_tile_overlayer_lowered  }
0x9b: {  	s22 =	simm.s32 $0x1BFF;
	s21 =	sshll.u32 s5, $0x1;
	s2 =	sadd.s32 s19, s18  }
0x9c: {  	s6 =	simm.s32 $0x0;
	s20 =	sshll.u32 s4, $0x1;
	s4 =	sadd.s32 s21, s2  }
0x9d: {  	[timem:s6], [sflag:s22] =	dma.local [hbm:s4], s20  }
0x9e: {  	_ =	swait.ge [sflag:s22], s20  }
0x9f: {  	s3 =	ssub.s32 $0x0, s20;
	[sflag:s22] =	ssyncset.done $0x0  }
0xa0: {  	[sflag:s22] =	ssyncadd.s32 s3;
	_ =	sdelay $0x1  }
0xa1: {  	s23 =	simm.s32 $0x1B8B  }
0xa2: {  	_ =	swait.ge [sflag:s23], $0x1  }
0xa3: {  	[sflag:s23] =	ssyncset.done $0x0  }
0xa4: {  	s25 =	simm.s32 $0x1B8E;
	s24 =	sld [smem:$0x3FFE];
	[sflag:s23] =	ssyncadd.s32 $0xFFFFFFFF  }
0xa5: {  	s26 =	simm.s32 $execute0_lowered;
	[smem:$0x3FD2] =	sst s25  }
0xa6: {  	s4 =	sshll.u32 s26, $0x1;
	_ =	strace $0x80000046;
	[dreg:$0x1] =	wrdreg $0xFFFFFFFF  }
0xa7: {  	s28 =	simm.s32 $_size_execute0_lowered;
	s2 =	sadd.s32 s2, s4;
	[dreg:$0x0] =	wrdreg $0x0  }
0xa8: {  	s4 =	sshll.u32 s28, $0x1;
	[dreg:$0x2] =	wrdreg s2  }
0xa9: {  	[dreg:$0x3] =	wrdreg s4  }
0xaa: {  	[dreg:$0x4] =	wrdreg $0xC0  }
0xab: {  	_ =	task [dreg:s6], $0x5FFFF  }
0xac: {  	[dreg:$0x1] =	wrdreg $0xFFFFFFFF  }
0xad: {  	[dreg:$0x0] =	wrdreg $0x60  }
0xae: {  	[dreg:$0x2] =	wrdreg s24  }
0xaf: {  	[dreg:$0x3] =	wrdreg $0x78000  }
0xb0: {  	[dreg:$0x4] =	wrdreg $0x9  }
0xb1: {  	_ =	task.clear_ibuf [dreg:s6], $0x5FFFF;
	_ =	strace $0x90000046  }
0xb2: {  	s29 =	simm.s32 $0x9;
	_ =	strace $0x80000048  }
0xb3: {  	_ =	swait.ge [sflag:s29], $0x1  }
0xb4: {  	[sflag:s29] =	ssyncadd.s32 $0xFFFFFFFF  }
0xb5: {  	_ =	strace $0x90000048  }
0xb6: {  	_ =	sfence  }
0xb7: {  	s30 =	sld [smem:$0x0];
	_ =	sdelay $0x2  }
0xb8: {  	s31 =	sshll.u32 s1, $0xD;
	s1 =	sshrl.u32 s1, $0x2  }
0xb9: {  	s3 =	sand.u32 $0x4000, s31;
	s1 =	sadd.s32 s1, s30  }
0xba: {  	s0 =	sor.u32 s3, s0;
	s1 =	sshll.u32 s1, $0x11  }
0xbb: {  	s0 =	sor.u32 s1, s0  }
0xbc: {  	s0 =	sadd.s32 $0x8F2B, s0  }
0xbd: {  	[sflag:s0] =	ssyncadd.remote.s32 $0x1  }
0xbe: {  	_ =	sfence.sel $0xFFFF  }
0xbf: {  	[dreg:$0x0] =	wrdreg $0xFFFFFFFF;
	(pc) =	sbr.abs _section_cstart, $3  }
0xc0: {  	[dreg:$0x1] =	wrdreg $0xFFFFFFFF  }
0xc1: {  	_ =	task.clear_ibuf [dreg:s6], $0x2FFFF;
	_ =	strace $0x9FFFFFFF  }
0xc2: {  	(tm) =	ssettm $0x7FFFFFFF  }
0xc3: {  	_ =	shalt  }
tec
execute0_lowered:
.L_overlay_start_1:
0x0: {  	(tag) =	ssettag $0x1  }
0x1: {  	s0 =	rddreg [dreg:$0x0]  }
0x2: {  	s2 =	rddreg [dreg:$0x1]  }
0x3: {  	s13 =	stileid.u32;
	s1 =	srdreg.scid  }
0x4: {  	s3 =	simm.s32 $0x0;
	s16 =	simm.s32 $0x1400;
	s18 =	simm.s32 $0x4  }
0x5: {  	s28 =	simm.s32 $0x2700;
	s29 =	simm.s32 $0x2780;
	s30 =	simm.s32 $0x0  }
0x6: {  	s7 =	smul.u32 $0x14000, s13;
	s1 =	sand.u32 $0x1, s1;
	[smem:$0x7FF] =	sst s3  }
0x7: {  	s4 =	sadd.s32 $0x4A400, s0;
	s5 =	sadd.s32 $0x2400, s0;
	s6 =	sadd.s32 $0x12400, s0  }
0x8: {  	s20 =	sshll.u32 s13, $0xE;
	s11 =	smul.u32 $0x50000, s13;
	s26 =	sshll.u32 s13, $0x6  }
0x9: {  	s8 =	smul.u32 $0x140000, s1;
	_ =	strace $0x80000047;
	s19 =	ssub.s32 $0x2, s1  }
0xa: {  	s1 =	sshll.u32 s1, $0x12;
	s9 =	sshrl.u32 s7, $0x3;
	s12 =	sshrl.u32 s19, $0x1  }
0xb: {  	s11 =	sshrl.u32 s11, $0x2;
	s7 =	sadd.s32 s7, s8;
	s10 =	sadd.s32 s9, s0  }
0xc: {  	s21 =	ssub.s32 s19, s12;
	s17 =	sadd.s32 s11, s2;
	s11 =	sor.u32 $0x1C04, s26  }
0xd: {  	s19 =	simm.s32 $0x3;
	s26 =	simm.s32 $0x1380;
	s7 =	sshrl.u32 s7, $0x3  }
0xe: {  	s25 =	sadd.s32 $0x22400, s10;
	s15 =	smax.u32 s21, $0x1;
	s17 =	sshrl.u32 s17, $0x3  }
0xf: {  	s21 =	simm.s32 $0x2800;
	s0 =	sadd.s32 s7, s0;
	s7 =	sor.u32 s20, s1  }
0x10: {  	[dreg:$0x5] =	wrdreg s25;
	s20 =	simm.s32 $0x50;
	s22 =	sshrl.u32 s7, $0x3  }
0x11: {  	s25 =	simm.s32 $0x2;
	s14 =	sadd.s32 $0x72400, s0;
	s23 =	sadd.s32 s5, s22  }
0x12: {  	s24 =	sadd.s32 s6, s22;
	s31 =	sor.u32 $0x780, s22;
	[dreg:$0x3] =	wrdreg s23  }
0x13: {  	s22 =	simm.s32 $0x5000;
	[dreg:$0x4] =	wrdreg s24;
	s12 =	sadd.s32 s5, s31  }
0x14: {  	s13 =	sadd.s32 s6, s31;
	s23 =	simm.s32 $0x1;
	s24 =	simm.s32 $0x5  }
.LBB2_1:
0x15: {  	s0 =	rddreg [dreg:$0x3]  }
0x16: {  	s9 =	rddreg [dreg:$0x4]  }
0x17: {  	[tilespmem:s3], [sflag:$0x3] =	stream.linear.gather [hbm4b:s0+s3], $0x1400, $0x38;
	[tilespmem:$0x1B800] =	vst v63  }
0x18: {  	s10 =	rddreg [dreg:$0x5]  }
0x19: {  	[tilespmem:s16], [sflag:$0x3] =	stream.linear.gather [hbm4b:s9+s3], $0x1400, $0x38;
	[tilespmem:$0x1B800] =	vst v63  }
0x1a: {  	[spmem:s17], [sflag:s11] =	dma.local [hbm:s10], $0x2800  }
0x1b: {  	_ =	swait.ge [sflag:s18], $0x2800  }
0x1c: {  	[sflag:s18] =	ssyncset.done $0x0  }
0x1d: {  	[sflag:s18] =	ssyncadd.s32 $0xFFFFD800  }
0x1e: {  	_ =	swait.ge [sflag:s19], $0x1400  }
0x1f: {  	[sflag:s19] =	ssyncset.done $0x0  }
0x20: {  	[sflag:s19] =	ssyncadd.s32 $0xFFFFEC00  }
0x21: {  	_ =	swait.ge [sflag:s19], $0x1400  }
0x22: {  	[sflag:s19] =	ssyncset.done $0x0  }
0x23: {  	[sflag:s19] =	ssyncadd.s32 $0xFFFFEC00  }
0x24: {  	s31 =	simm.s32 $0x0;
	[bflag:$0x0] =	sbarrier.arrive $0xFFFF  }
.LBB2_2:
0x25: {  	s0 =	simm.s32 $0x0  }
0x26: {  	[tilespmem:s21], [sflag:$0x1] =	stream.indirect.gather [hbm4b:s4+s20], $0x80, s0, s20, $0xb8;
	[tilespmem:$0x1B800] =	vst v63  }
0x27: {  	s1 =	simm.s32 $0x80  }
0x28: {  	[tilespmem:s22], [sflag:$0x2] =	stream.indirect.gather [hbm4b:s4+s20], $0x80, s1, s20, $0xb8;
	[tilespmem:$0x1B800] =	vst v63  }
0x29: {  	_ =	swait.ge [sflag:s23], $0x2800  }
0x2a: {  	[sflag:s23] =	ssyncset.done $0x0  }
0x2b: {  	s8 =	simm.s32 $0x1400;
	[sflag:s23] =	ssyncadd.s32 $0xFFFFD800  }
0x2c: {  	[spmem:s2] =	stream.indirect.scatter.add.f32 [tilespmem:s21], [sflag:$0x5], $0x80, s8, s20, $0xb8;
	[tilespmem:$0x1B800] =	vst v63  }
0x2d: {  	_ =	swait.ge [sflag:s24], $0x2800  }
0x2e: {  	[sflag:s24] =	ssyncset.done $0x0  }
0x2f: {  	s9 =	simm.s32 $0x100;
	[sflag:s24] =	ssyncadd.s32 $0xFFFFD800  }
0x30: {  	[tilespmem:s21], [sflag:$0x1] =	stream.indirect.gather [hbm4b:s4+s20], $0x80, s9, s20, $0xb8;
	[tilespmem:$0x1B800] =	vst v63  }
0x31: {  	_ =	swait.ge [sflag:s25], $0x2800  }
0x32: {  	[sflag:s25] =	ssyncset.done $0x0  }
0x33: {  	s10 =	simm.s32 $0x1480;
	[sflag:s25] =	ssyncadd.s32 $0xFFFFD800  }
0x34: {  	[spmem:s2] =	stream.indirect.scatter.add.f32 [tilespmem:s22], [sflag:$0x5], $0x80, s10, s20, $0xb8;
	[tilespmem:$0x1B800] =	vst v63  }
0x35: {  	_ =	swait.ge [sflag:s24], $0x2800  }
0x36: {  	s0 =	simm.s32 $0x100;
	s1 =	simm.s32 $0x800;
	[sflag:s24] =	ssyncset.done $0x0  }
.LBB2_3:
0x37: {  	s8 =	sadd.s32 $0x80, s0  }
0x38: {  	[sflag:s24] =	ssyncadd.s32 $0xFFFFD800;
	s9 =	smov.u32 s1;
	s10 =	sadd.s32 $0x400, s1  }
0x39: {  	[tilespmem:s22], [sflag:$0x2] =	stream.indirect.gather [hbm4b:s4+s20], $0x80, s8, s20, $0xb8;
	[tilespmem:$0x1B800] =	vst v63  }
0x3a: {  	p0 =	sne.s32 s1, $0x4800;
	_ =	swait.ge [sflag:s23], $0x2800  }
0x3b: {  	[sflag:s23] =	ssyncset.done $0x0  }
0x3c: {  	s1 =	sadd.s32 $0x1400, s0;
	[sflag:s23] =	ssyncadd.s32 $0xFFFFD800  }
0x3d: {  	[spmem:s2] =	stream.indirect.scatter.add.f32 [tilespmem:s21], [sflag:$0x5], $0x80, s1, s20, $0xb8;
	[tilespmem:$0x1B800] =	vst v63  }
0x3e: {  	_ =	swait.ge [sflag:s24], $0x2800  }
0x3f: {  	[sflag:s24] =	ssyncset.done $0x0  }
0x40: {  	s1 =	sadd.s32 $0x100, s0;
	[sflag:s24] =	ssyncadd.s32 $0xFFFFD800  }
0x41: {  	[tilespmem:s21], [sflag:$0x1] =	stream.indirect.gather [hbm4b:s4+s20], $0x80, s1, s20, $0xb8;
	[tilespmem:$0x1B800] =	vst v63  }
0x42: {  	_ =	swait.ge [sflag:s25], $0x2800  }
.Ltmp0:
0x43: {  	[sflag:s25] =	ssyncset.done $0x0;
	(pc) =	sbr.rel @p0 .LBB2_3-.Ltmp0, $4  }
0x44: {  	s0 =	sadd.s32 $0x1480, s0;
	[sflag:s25] =	ssyncadd.s32 $0xFFFFD800  }
0x45: {  	[spmem:s2] =	stream.indirect.scatter.add.f32 [tilespmem:s22], [sflag:$0x5], $0x80, s0, s20, $0xb8;
	[tilespmem:$0x1B800] =	vst v63  }
0x46: {  	_ =	swait.ge [sflag:s24], $0x2800  }
0x47: {  	s1 =	smov.u32 s10;
	s0 =	sshra.s32 s9, $0x2;
	[sflag:s24] =	ssyncset.done $0x0  }
0x48: {  	s1 =	sadd.s32 $0x80, s0;
	[sflag:s24] =	ssyncadd.s32 $0xFFFFD800  }
0x49: {  	[tilespmem:s22], [sflag:$0x2] =	stream.indirect.gather [hbm4b:s4+s20], $0x80, s1, s20, $0xb8;
	[tilespmem:$0x1B800] =	vst v63  }
0x4a: {  	_ =	swait.ge [sflag:s23], $0x2800  }
0x4b: {  	[sflag:s23] =	ssyncset.done $0x0  }
0x4c: {  	s8 =	sadd.s32 $0x1400, s0;
	[sflag:s23] =	ssyncadd.s32 $0xFFFFD800  }
0x4d: {  	[spmem:s2] =	stream.indirect.scatter.add.f32 [tilespmem:s21], [sflag:$0x5], $0x80, s8, s20, $0xb8;
	[tilespmem:$0x1B800] =	vst v63  }
0x4e: {  	_ =	swait.ge [sflag:s24], $0x2800  }
0x4f: {  	[sflag:s24] =	ssyncset.done $0x0  }
0x50: {  	s9 =	sadd.s32 $0x100, s0;
	[sflag:s24] =	ssyncadd.s32 $0xFFFFD800  }
0x51: {  	[tilespmem:s21], [sflag:$0x1] =	stream.indirect.gather [hbm4b:s4+s20], $0x80, s9, s20, $0xb8;
	[tilespmem:$0x1B800] =	vst v63  }
0x52: {  	_ =	swait.ge [sflag:s25], $0x2800  }
0x53: {  	[sflag:s25] =	ssyncset.done $0x0  }
0x54: {  	s10 =	sadd.s32 $0x1480, s0;
	[sflag:s25] =	ssyncadd.s32 $0xFFFFD800  }
0x55: {  	[spmem:s2] =	stream.indirect.scatter.add.f32 [tilespmem:s22], [sflag:$0x5], $0x80, s10, s20, $0xb8;
	[tilespmem:$0x1B800] =	vst v63  }
0x56: {  	_ =	swait.ge [sflag:s24], $0x2800  }
0x57: {  	[sflag:s24] =	ssyncset.done $0x0  }
0x58: {  	[sflag:s24] =	ssyncadd.s32 $0xFFFFD800  }
0x59: {  	[tilespmem:s22], [sflag:$0x2] =	stream.indirect.gather [hbm4b:s4+s20], $0x80, s26, s20, $0xb8;
	[tilespmem:$0x1B800] =	vst v63  }
0x5a: {  	_ =	swait.ge [sflag:s23], $0x2800  }
0x5b: {  	[sflag:s23] =	ssyncset.done $0x0  }
0x5c: {  	[sflag:s23] =	ssyncadd.s32 $0xFFFFD800  }
0x5d: {  	[spmem:s2] =	stream.indirect.scatter.add.f32 [tilespmem:s21], [sflag:$0x5], $0x80, s28, s20, $0xb8;
	[tilespmem:$0x1B800] =	vst v63  }
0x5e: {  	_ =	swait.ge [sflag:s24], $0x2800  }
0x5f: {  	[sflag:s24] =	ssyncset.done $0x0  }
0x60: {  	[sflag:s24] =	ssyncadd.s32 $0xFFFFD800  }
0x61: {  	p0 =	seq.s32 s31, $0x2;
	_ =	swait.ge [sflag:s25], $0x2800  }
0x62: {  	s31 =	sadd.s32 @!p0 $0x1, s31;
	[sflag:s25] =	ssyncset.done $0x0  }
0x63: {  	s0 =	smul.u32 @!p0 $0x1400, s31;
	[sflag:s25] =	ssyncadd.s32 $0xFFFFD800  }
0x64: {  	[spmem:s2] =	stream.indirect.scatter.add.f32 [tilespmem:s22], [sflag:$0x5], $0x80, s29, s20, $0xb8;
	[tilespmem:$0x1B800] =	vst v63  }
0x65: {  	s0 =	sadd.s32 @!p0 s7, s0;
	_ =	swait.ge [sflag:s24], $0x2800  }
0x66: {  	s0 =	sshrl.u32 @!p0 s0, $0x3;
	[sflag:s24] =	ssyncset.done $0x0  }
0x67: {  	s8 =	simm.s32 @!p0 $0x0;
	s1 =	sadd.s32 @!p0 s5, s0;
	[sflag:s24] =	ssyncadd.s32 $0xFFFFD800  }
0x68: {  	[tilespmem:s8], [sflag:$0x5] =	stream.linear.gather @!p0 [hbm4b:s1+s8], $0x1400, $0x38;
	[tilespmem:$0x1B800] =	vst v63  }
0x69: {  	s1 =	simm.s32 @!p0 $0x5  }
0x6a: {  	p1 =	sne.s32 @!p0 s31, $0x3;
	_ =	swait.ge @!p0 [sflag:s1], $0x1400  }
0x6b: {  	p1 =	por p0, !p1;
	[sflag:s1] =	ssyncset.done @!p0 $0x0  }
0x6c: {  	s0 =	sadd.s32 @!p0 s6, s0;
	[sflag:s1] =	ssyncadd.s32 @!p0 $0xFFFFEC00;
	s1 =	simm.s32 @!p0 $0x1400  }
0x6d: {  	[tilespmem:s1], [sflag:$0x4] =	stream.linear.gather @!p0 [hbm4b:s0+s8], $0x1400, $0x38;
	[tilespmem:$0x1B800] =	vst v63  }
.Ltmp1:
0x6e: {  	_ = 	snop;
	(pc) =	sbr.rel @!p1 .LBB2_2-.Ltmp1, $4  }
0x6f: {  	s0 =	simm.s32 @!p0 $0x4  }
0x70: {  	_ =	swait.ge @!p0 [sflag:s0], $0x1400  }
0x71: {  	[sflag:s0] =	ssyncset.done @!p0 $0x0  }
0x72: {  	[sflag:s0] =	ssyncadd.s32 @!p0 $0xFFFFEC00  }
0x73: {  	[tilespmem:s3], [sflag:$0x4] =	stream.linear.gather [hbm4b:s12+s3], $0x280, $0x38;
	[tilespmem:$0x1B800] =	vst v63  }
0x74: {  	_ =	swait.ge [sflag:s18], $0x280  }
0x75: {  	[sflag:s18] =	ssyncset.done $0x0  }
0x76: {  	[sflag:s18] =	ssyncadd.s32 $0xFFFFFD80  }
0x77: {  	[tilespmem:s16], [sflag:$0x4] =	stream.linear.gather [hbm4b:s13+s3], $0x280, $0x38;
	[tilespmem:$0x1B800] =	vst v63  }
0x78: {  	_ =	swait.ge [sflag:s18], $0x280  }
0x79: {  	[sflag:s18] =	ssyncset.done $0x0  }
0x7a: {  	[sflag:s18] =	ssyncadd.s32 $0xFFFFFD80  }
0x7b: {  	[tilespmem:s21], [sflag:$0x1] =	stream.indirect.gather [hbm4b:s4+s20], $0x80, s3, s20, $0xb8;
	[tilespmem:$0x1B800] =	vst v63  }
0x7c: {  	s0 =	simm.s32 $0x80  }
0x7d: {  	[tilespmem:s22], [sflag:$0x2] =	stream.indirect.gather [hbm4b:s4+s20], $0x80, s0, s20, $0xb8;
	[tilespmem:$0x1B800] =	vst v63  }
0x7e: {  	_ =	swait.ge [sflag:s23], $0x2800  }
0x7f: {  	[sflag:s23] =	ssyncset.done $0x0  }
0x80: {  	[sflag:s23] =	ssyncadd.s32 $0xFFFFD800  }
0x81: {  	[spmem:s2] =	stream.indirect.scatter.add.f32 [tilespmem:s21], [sflag:$0x4], $0x80, s16, s20, $0xb8;
	[tilespmem:$0x1B800] =	vst v63  }
0x82: {  	_ =	swait.ge [sflag:s18], $0x2800  }
0x83: {  	[sflag:s18] =	ssyncset.done $0x0  }
0x84: {  	s10 =	simm.s32 $0x100;
	[sflag:s18] =	ssyncadd.s32 $0xFFFFD800  }
0x85: {  	[tilespmem:s21], [sflag:$0x1] =	stream.indirect.gather [hbm4b:s4+s20], $0x80, s10, s20, $0xb8;
	[tilespmem:$0x1B800] =	vst v63  }
0x86: {  	_ =	swait.ge [sflag:s25], $0x2800  }
0x87: {  	[sflag:s25] =	ssyncset.done $0x0  }
0x88: {  	s31 =	simm.s32 $0x1480;
	[sflag:s25] =	ssyncadd.s32 $0xFFFFD800  }
0x89: {  	[spmem:s2] =	stream.indirect.scatter.add.f32 [tilespmem:s22], [sflag:$0x4], $0x80, s31, s20, $0xb8;
	[tilespmem:$0x1B800] =	vst v63  }
0x8a: {  	_ =	swait.ge [sflag:s18], $0x2800  }
0x8b: {  	[sflag:s18] =	ssyncset.done $0x0  }
0x8c: {  	s1 =	simm.s32 $0x180;
	[sflag:s18] =	ssyncadd.s32 $0xFFFFD800  }
0x8d: {  	[tilespmem:s22], [sflag:$0x2] =	stream.indirect.gather [hbm4b:s4+s20], $0x80, s1, s20, $0xb8;
	[tilespmem:$0x1B800] =	vst v63  }
0x8e: {  	_ =	swait.ge [sflag:s23], $0x2800  }
0x8f: {  	[sflag:s23] =	ssyncset.done $0x0  }
0x90: {  	s8 =	simm.s32 $0x1500;
	[sflag:s23] =	ssyncadd.s32 $0xFFFFD800  }
0x91: {  	[spmem:s2] =	stream.indirect.scatter.add.f32 [tilespmem:s21], [sflag:$0x4], $0x80, s8, s20, $0xb8;
	[tilespmem:$0x1B800] =	vst v63  }
0x92: {  	_ =	swait.ge [sflag:s18], $0x2800  }
0x93: {  	[sflag:s18] =	ssyncset.done $0x0  }
0x94: {  	s9 =	simm.s32 $0x200;
	[sflag:s18] =	ssyncadd.s32 $0xFFFFD800  }
0x95: {  	[tilespmem:s21], [sflag:$0x1] =	stream.indirect.gather [hbm4b:s4+s20], $0x80, s9, s20, $0xb8;
	[tilespmem:$0x1B800] =	vst v63  }
0x96: {  	_ =	swait.ge [sflag:s25], $0x2800  }
0x97: {  	[sflag:s25] =	ssyncset.done $0x0  }
0x98: {  	s10 =	simm.s32 $0x1580;
	[sflag:s25] =	ssyncadd.s32 $0xFFFFD800  }
0x99: {  	[spmem:s2] =	stream.indirect.scatter.add.f32 [tilespmem:s22], [sflag:$0x4], $0x80, s10, s20, $0xb8;
	[tilespmem:$0x1B800] =	vst v63  }
0x9a: {  	_ =	swait.ge [sflag:s18], $0x2800  }
0x9b: {  	[sflag:s18] =	ssyncset.done $0x0  }
0x9c: {  	[sflag:s18] =	ssyncadd.s32 $0xFFFFD800  }
0x9d: {  	_ =	swait.ge [sflag:s23], $0x2800  }
0x9e: {  	[sflag:s23] =	ssyncset.done $0x0  }
0x9f: {  	s31 =	simm.s32 $0x1600;
	[sflag:s23] =	ssyncadd.s32 $0xFFFFD800  }
0xa0: {  	[spmem:s2] =	stream.indirect.scatter.add.f32 [tilespmem:s21], [sflag:$0x4], $0x80, s31, s20, $0xb8;
	[tilespmem:$0x1B800] =	vst v63  }
0xa1: {  	_ =	swait.ge [sflag:s18], $0x2800  }
0xa2: {  	s30 =	sadd.s32 $0x1, s30;
	[sflag:s18] =	ssyncset.done $0x0  }
0xa3: {  	p0 =	sne.s32 s30, s15;
	[sflag:s18] =	ssyncadd.s32 $0xFFFFD800  }
.Ltmp2:
0xa4: {  	[bflag:$0x0] =	sbarrier.arrive $0xFFFF;
	(pc) =	sbr.rel @p0 .LBB2_1-.Ltmp2, $4  }
0xa5: {  	[hbm:s14], [sflag:s11] =	dma.local [spmem:s17], $0x2800  }
0xa6: {  	_ =	swait.ge [sflag:s18], $0x2800  }
0xa7: {  	[sflag:s18] =	ssyncset.done $0x0  }
0xa8: {  	[sflag:s18] =	ssyncadd.s32 $0xFFFFD800  }
0xa9: {  	_ =	sfence.sel $0x180000  }
0xaa: {  	[bflag:$0x0] =	sbarrier.arrive $0xFFFF  }
0xab: {  	_ =	strace $0x90000047  }
0xac: {  	s0 =	stileid.u32;
	[bflag:$0x2] =	sbarrier.arrive $0xFFFF  }
0xad: {  	p0 =	sne.s32 s0, $0x0;
	s0 =	rddreg [dreg:$0x2]  }
0xae: {  	s0 =	sadd.s32 @!p0 $0x100000, s0  }
0xaf: {  	[sflag:s0] =	ssyncadd.tile.s32 @!p0 $0x1;
	_ =	shalt  }
.Lfunc_end2:
_tile_overlayer_lowered:
.L_overlay_start_2:
0xb0: {  	(tag) =	ssettag $0x2  }
0xb1: {  	s0 =	rddreg [dreg:$0x0];
	s2 =	stileid.u32  }
0xb2: {  	s1 =	rddreg [dreg:$0x1];
	p0 =	sne.s32 s2, $0x0  }
0xb3: {  	s3 =	rddreg [dreg:$0x2];
	[bflag:$0x3] =	sbarrier.arrive $0xFFFF;
	s2 =	simm.s32 @!p0 $0x1C04  }
0xb4: {  	[timem:s3], [sflag:s2] =	dma.local @!p0 [hbm:s0], s1  }
0xb5: {  	s0 =	simm.s32 @!p0 $0x4  }
0xb6: {  	_ =	swait.ge @!p0 [sflag:s0], s1  }
0xb7: {  	s1 =	ssub.s32 @!p0 $0x0, s1;
	[sflag:s0] =	ssyncset.done @!p0 $0x0  }
0xb8: {  	[sflag:s0] =	ssyncadd.s32 @!p0 s1  }
0xb9: {  	[bflag:$0x3] =	sbarrier.arrive $0xFFFF  }
0xba: {  	_ =	shalt  }

</sc_bundles>
